<compile_context>
chip_gen: v7x
topology: tpu7x:2x2x1
jax: 0.10.2.dev20260603
libtpu: 0.0.44.dev20260713+nightly
codegen_flags: <defaults>
</compile_context>

<pallas_src>
import functools

import jax
import jax.numpy as jnp
from jax import lax
from jax.experimental import pallas as pl
from jax.experimental.pallas import tpu as pltpu
from jax.experimental.pallas import tpu_sc as plsc

B = 16384
N_ROWS = 1000000
MF_DIM = 8
D_UMLP = 16
D_IMLP = 16
D_KMLP = 32
L1 = 32
L2 = 16
CH = 4


def _sc_gather5(u_idx, i_idx, k_idx, t_umf, t_imf, t_umlp, t_imlp, t_kg,
                dmy):
    info = plsc.get_sparse_core_info()
    nw = info.num_cores * info.num_subcores
    bw = B // nw

    mesh = plsc.VectorSubcoreMesh(core_axis_name="c", subcore_axis_name="s")
    out_type = (
        jax.ShapeDtypeStruct((MF_DIM, B), jnp.float32),
        jax.ShapeDtypeStruct((MF_DIM, B), jnp.float32),
        jax.ShapeDtypeStruct((D_UMLP, B), jnp.float32),
        jax.ShapeDtypeStruct((D_IMLP, B), jnp.float32),
        jax.ShapeDtypeStruct((D_KMLP, B), jnp.float32),
    )
    scratch = [
        pltpu.VMEM((bw + 16,), jnp.int32),
        pltpu.VMEM((bw + 16,), jnp.int32),
        pltpu.VMEM((bw + 16,), jnp.int32),
        pltpu.VMEM((2, CH, 8, 128), jnp.float32),
        pltpu.VMEM((2, CH, 8, 128), jnp.float32),
        pltpu.VMEM((2, 2 * CH, 8, 128), jnp.float32),
        pltpu.VMEM((2, 2 * CH, 8, 128), jnp.float32),
        pltpu.VMEM((2, 4 * CH, 8, 128), jnp.float32),
        pltpu.VMEM((MF_DIM, bw), jnp.float32),
        pltpu.VMEM((MF_DIM, bw), jnp.float32),
        pltpu.VMEM((D_UMLP, bw), jnp.float32),
        pltpu.VMEM((D_IMLP, bw), jnp.float32),
        pltpu.VMEM((D_KMLP, bw), jnp.float32),
    ] + [pltpu.SemaphoreType.DMA] * 10

    @functools.partial(
        pl.kernel, out_type=out_type, mesh=mesh, scratch_types=scratch,
        compiler_params=pltpu.CompilerParams(needs_layout_passes=False),
    )
    def gather_kernel(u_h, i_h, k_h, tum_h, tim_h, tuml_h, timl_h, tkg_h,
                      dmy_h, o_um, o_im, o_uml, o_iml, o_kg,
                      xu, xi, xk, g_um, g_im, g_uml, g_iml, g_kg,
                      c_um, c_im, c_uml, c_iml, c_kg, *sems):
        wid = lax.axis_index("s") * info.num_cores + lax.axis_index("c")
        base = wid * bw
        pltpu.sync_copy(u_h.at[pl.ds(base, bw)], xu.at[pl.ds(0, bw)])
        pltpu.sync_copy(i_h.at[pl.ds(base, bw)], xi.at[pl.ds(0, bw)])
        pltpu.sync_copy(k_h.at[pl.ds(base, bw)], xk.at[pl.ds(0, bw)])

        it = lax.iota(jnp.int32, 16)
        d8 = it & 7
        m8 = it < 8
        sel = it >> 3
        nph = bw // CH

        def fire(p, b):
            vu = xu[pl.ds(p * CH, 16)]
            vi = xi[pl.ds(p * CH, 16)]
            vk = xk[pl.ds(p * CH, 16)]
            cbu = vu & (-128)
            cbi = vi & (-128)
            cbk = vk & (-128)
            s0, s1, s2, s3, s4 = sems[5 * b:5 * b + 5]
            for t in range(CH):
                cu = pl.multiple_of(cbu[t], 128)
                ci = pl.multiple_of(cbi[t], 128)
                ck = pl.multiple_of(cbk[t], 128)
                pltpu.async_copy(
                    tum_h.at[0, :, pl.ds(cu, 128)], g_um.at[b, t], s0)
                pltpu.async_copy(
                    tim_h.at[0, :, pl.ds(ci, 128)], g_im.at[b, t], s1)
                pltpu.async_copy(
                    tuml_h.at[:, :, pl.ds(cu, 128)],
                    g_uml.at[b, pl.ds(2 * t, 2)], s2)
                pltpu.async_copy(
                    timl_h.at[:, :, pl.ds(ci, 128)],
                    g_iml.at[b, pl.ds(2 * t, 2)], s3)
                pltpu.async_copy(
                    tkg_h.at[:, :, pl.ds(ck, 128)],
                    g_kg.at[b, pl.ds(4 * t, 4)], s4)

        def drain(b):
            s0, s1, s2, s3, s4 = sems[5 * b:5 * b + 5]
            pltpu.make_async_copy(
                dmy_h.at[pl.ds(0, CH)], g_um.at[b], s0).wait()
            pltpu.make_async_copy(
                dmy_h.at[pl.ds(0, CH)], g_im.at[b], s1).wait()
            pltpu.make_async_copy(
                dmy_h.at[pl.ds(0, 2 * CH)], g_uml.at[b], s2).wait()
            pltpu.make_async_copy(
                dmy_h.at[pl.ds(0, 2 * CH)], g_iml.at[b], s3).wait()
            pltpu.make_async_copy(
                dmy_h.at[pl.ds(0, 4 * CH)], g_kg.at[b], s4).wait()

        def select(p, b):
            vu = xu[pl.ds(p * CH, 16)]
            vi = xi[pl.ds(p * CH, 16)]
            vk = xk[pl.ds(p * CH, 16)]
            lnu = vu & 127
            lni = vi & 127
            lnk = vk & 127
            bv = jnp.zeros((16,), jnp.int32) + b
            for t in range(CH):
                col = p * CH + t
                colv = col + jnp.zeros((16,), jnp.int32)
                tv = jnp.zeros((16,), jnp.int32) + t

                lu = lnu[t] + jnp.zeros((16,), jnp.int32)
                vals = plsc.load_gather(g_um, [bv, tv, d8, lu], mask=m8)
                plsc.store_scatter(c_um, [d8, colv], vals, mask=m8)

                li = lni[t] + jnp.zeros((16,), jnp.int32)
                vals = plsc.load_gather(g_im, [bv, tv, d8, li], mask=m8)
                plsc.store_scatter(c_im, [d8, colv], vals, mask=m8)

                vals = plsc.load_gather(g_uml, [bv, 2 * tv + sel, d8, lu])
                plsc.store_scatter(c_uml, [it, colv], vals)
                vals = plsc.load_gather(g_iml, [bv, 2 * tv + sel, d8, li])
                plsc.store_scatter(c_iml, [it, colv], vals)

                lk = lnk[t] + jnp.zeros((16,), jnp.int32)
                vals = plsc.load_gather(g_kg, [bv, 4 * tv + sel, d8, lk])
                plsc.store_scatter(c_kg, [it, colv], vals)
                vals = plsc.load_gather(g_kg, [bv, 4 * tv + 2 + sel, d8, lk])
                plsc.store_scatter(c_kg, [16 + it, colv], vals)

        fire(0, 0)

        def pair(q, _):
            p0 = 2 * q
            fire(p0 + 1, 1)
            drain(0)
            select(p0, 0)
            fire(lax.min(p0 + 2, nph - 1), 0)
            drain(1)
            select(p0 + 1, 1)
            return 0

        lax.fori_loop(0, nph // 2, pair, 0)
        drain(0)

        pltpu.sync_copy(c_um, o_um.at[:, pl.ds(base, bw)])
        pltpu.sync_copy(c_im, o_im.at[:, pl.ds(base, bw)])
        pltpu.sync_copy(c_uml, o_uml.at[:, pl.ds(base, bw)])
        pltpu.sync_copy(c_iml, o_iml.at[:, pl.ds(base, bw)])
        pltpu.sync_copy(c_kg, o_kg.at[:, pl.ds(base, bw)])

    return gather_kernel(u_idx, i_idx, k_idx, t_umf, t_imf, t_umlp, t_imlp,
                         t_kg, dmy)


def _mlp_body(um, im, uml, iml, kg, w1u, w1i, w1k, b1, w2, b2, wpm, wph,
              bp, out):
    f32 = jnp.float32
    h1 = (
        jnp.dot(w1u[...], uml[...], preferred_element_type=f32)
        + jnp.dot(w1i[...], iml[...], preferred_element_type=f32)
        + jnp.dot(w1k[...], kg[...], preferred_element_type=f32)
        + b1[...]
    )
    h1 = jnp.maximum(h1, 0.0)
    h2 = jnp.maximum(
        jnp.dot(w2[...], h1, preferred_element_type=f32) + b2[...], 0.0)
    mf = um[...] * im[...]
    logits = (
        jnp.dot(wpm[...], mf, preferred_element_type=f32)
        + jnp.dot(wph[...], h2, preferred_element_type=f32)
        + bp[...]
    )
    out[...] = jax.nn.sigmoid(logits[0, :])


def _tc_mlp(um, im, uml, iml, kg, w1u, w1i, w1k, b1, w2, b2, wpm, wph, bp):
    nb = 2048
    grid = (B // nb,)

    def col_spec(d):
        return pl.BlockSpec((d, nb), lambda i: (0, i))

    def full_spec(shape):
        return pl.BlockSpec(shape, lambda i: tuple(0 for _ in shape))

    return pl.pallas_call(
        _mlp_body,
        grid=grid,
        in_specs=[
            col_spec(MF_DIM), col_spec(MF_DIM),
            col_spec(D_UMLP), col_spec(D_IMLP), col_spec(D_KMLP),
            full_spec((L1, D_UMLP)), full_spec((L1, D_IMLP)),
            full_spec((L1, D_KMLP)), full_spec((L1, 1)),
            full_spec((L2, L1)), full_spec((L2, 1)),
            full_spec((1, MF_DIM)), full_spec((1, L2)), full_spec((1, 1)),
        ],
        out_specs=pl.BlockSpec((nb,), lambda i: (i,)),
        out_shape=jax.ShapeDtypeStruct((B,), jnp.float32),
    )(um, im, uml, iml, kg, w1u, w1i, w1k, b1, w2, b2, wpm, wph, bp)


def kernel(user_indices, item_indices, kg_indices, E_user_mf, E_item_mf,
           E_user_mlp, E_item_mlp, E_kg_mlp, W1, b1, W2, b2, Wp, bp):
    t_umf = E_user_mf.T.reshape(1, MF_DIM, N_ROWS)
    t_imf = E_item_mf.T.reshape(1, MF_DIM, N_ROWS)
    t_umlp = E_user_mlp.T.reshape(D_UMLP // 8, 8, N_ROWS)
    t_imlp = E_item_mlp.T.reshape(D_IMLP // 8, 8, N_ROWS)
    t_kg = E_kg_mlp.T.reshape(D_KMLP // 8, 8, N_ROWS)
    dmy = jnp.zeros((4 * CH, 8, 128), jnp.float32)

    um, im, uml, iml, kg = _sc_gather5(
        user_indices, item_indices, kg_indices,
        t_umf, t_imf, t_umlp, t_imlp, t_kg, dmy)

    w1t = W1.T
    w1u = w1t[:, 0:D_UMLP]
    w1i = w1t[:, D_UMLP:D_UMLP + D_IMLP]
    w1k = w1t[:, D_UMLP + D_IMLP:]
    wpt = Wp.T
    return _tc_mlp(um, im, uml, iml, kg, w1u, w1i, w1k,
                   b1.reshape(L1, 1), W2.T, b2.reshape(L2, 1),
                   wpt[:, 0:MF_DIM], wpt[:, MF_DIM:], bp.reshape(1, 1))

# --- scband reference (transcript-rebuilt; emitter-appended) ---
"""Pipeline reference for scband-neu-mf-with-kg-82437602280240 (READ-ONLY COPY).

The authoritative reference and input builder live on the scoring server;
editing this copy changes nothing except your own understanding.
"""

import jax, jax.numpy as jnp
import numpy as np

B = 16384
NU = 1000000
NI = 1000000
NK = 1000000
MF_DIM = 8
L0, L1, L2 = 64, 32, 16

def setup_inputs(seed: int = 0):
    key = jax.random.key(seed)
    ks = jax.random.split(key, 12)
    return {
        "user_indices": jax.random.randint(ks[0], (B,), 0, NU),
        "item_indices": jax.random.randint(ks[1], (B,), 0, NI),
        "kg_indices": jax.random.randint(ks[2], (B,), 0, NK),
        "E_user_mf": jax.random.normal(ks[3], (NU, MF_DIM), dtype=jnp.float32) * 0.01,
        "E_item_mf": jax.random.normal(ks[4], (NI, MF_DIM), dtype=jnp.float32) * 0.01,
        "E_user_mlp": jax.random.normal(ks[5], (NU, L0 // 4), dtype=jnp.float32) * 0.01,
        "E_item_mlp": jax.random.normal(ks[6], (NI, L0 // 4), dtype=jnp.float32) * 0.01,
        "E_kg_mlp": jax.random.normal(ks[7], (NK, L0 // 2), dtype=jnp.float32) * 0.01,
        "W1": jax.random.normal(ks[8], (L0, L1), dtype=jnp.float32) * 0.1,
        "b1": jnp.zeros((L1,), dtype=jnp.float32),
        "W2": jax.random.normal(ks[9], (L1, L2), dtype=jnp.float32) * 0.1,
        "b2": jnp.zeros((L2,), dtype=jnp.float32),
        "Wp": jax.random.normal(ks[10], (MF_DIM + L2, 1), dtype=jnp.float32) * 0.1,
        "bp": jnp.zeros((1,), dtype=jnp.float32),
    }

def reference(user_indices, item_indices, kg_indices, E_user_mf, E_item_mf, E_user_mlp, E_item_mlp, E_kg_mlp, W1, b1, W2, b2, Wp, bp):
    # GMF branch
    u_mf = jnp.take(E_user_mf, user_indices, axis=0)
    i_mf = jnp.take(E_item_mf, item_indices, axis=0)
    mf_vector = u_mf * i_mf
    # MLP branch
    u_mlp = jnp.take(E_user_mlp, user_indices, axis=0)
    i_mlp = jnp.take(E_item_mlp, item_indices, axis=0)
    k_mlp = jnp.take(E_kg_mlp, kg_indices, axis=0)
    mlp_vector = jnp.concatenate([u_mlp, i_mlp, k_mlp], axis=-1)
    h = jax.nn.relu(mlp_vector @ W1 + b1)  # dropout is identity in eval mode
    h = jax.nn.relu(h @ W2 + b2)
    predict_vector = jnp.concatenate([mf_vector, h], axis=-1)
    logits = predict_vector @ Wp + bp
    return jax.nn.sigmoid(logits).squeeze()

if __name__ == "__main__":
    import jax
    _d = setup_inputs()
    print(jax.jit(kernel)(*tuple(_d.values())))

</pallas_src>

<mosaic_0001>
#map = affine_map<(d0, d1) -> (0)>
#map1 = affine_map<(d0, d1) -> (0, 0, 0)>
#map2 = affine_map<(d0, d1) -> (0, 0)>
module attributes {stable_mosaic.version = 14 : i64} {
  func.func @gather_kernel(%arg0: i32, %arg1: i32, %arg2: memref<16384xi32, #tpu.memory_space<hbm>>, %arg3: memref<16384xi32, #tpu.memory_space<hbm>>, %arg4: memref<16384xi32, #tpu.memory_space<hbm>>, %arg5: memref<1x8x1000000xf32, #tpu.memory_space<hbm>>, %arg6: memref<1x8x1000000xf32, #tpu.memory_space<hbm>>, %arg7: memref<2x8x1000000xf32, #tpu.memory_space<hbm>>, %arg8: memref<2x8x1000000xf32, #tpu.memory_space<hbm>>, %arg9: memref<4x8x1000000xf32, #tpu.memory_space<hbm>>, %arg10: memref<16x8x128xf32, #tpu.memory_space<hbm>>, %arg11: memref<8x16384xf32, #tpu.memory_space<hbm>>, %arg12: memref<8x16384xf32, #tpu.memory_space<hbm>>, %arg13: memref<16x16384xf32, #tpu.memory_space<hbm>>, %arg14: memref<16x16384xf32, #tpu.memory_space<hbm>>, %arg15: memref<32x16384xf32, #tpu.memory_space<hbm>>, %arg16: memref<528xi32, #tpu.memory_space<vmem>>, %arg17: memref<528xi32, #tpu.memory_space<vmem>>, %arg18: memref<528xi32, #tpu.memory_space<vmem>>, %arg19: memref<2x4x8x128xf32, #tpu.memory_space<vmem>>, %arg20: memref<2x4x8x128xf32, #tpu.memory_space<vmem>>, %arg21: memref<2x8x8x128xf32, #tpu.memory_space<vmem>>, %arg22: memref<2x8x8x128xf32, #tpu.memory_space<vmem>>, %arg23: memref<2x16x8x128xf32, #tpu.memory_space<vmem>>, %arg24: memref<8x512xf32, #tpu.memory_space<vmem>>, %arg25: memref<8x512xf32, #tpu.memory_space<vmem>>, %arg26: memref<16x512xf32, #tpu.memory_space<vmem>>, %arg27: memref<16x512xf32, #tpu.memory_space<vmem>>, %arg28: memref<32x512xf32, #tpu.memory_space<vmem>>, %arg29: memref<!tpu.dma_semaphore, #tpu.memory_space<semaphore_mem>>, %arg30: memref<!tpu.dma_semaphore, #tpu.memory_space<semaphore_mem>>, %arg31: memref<!tpu.dma_semaphore, #tpu.memory_space<semaphore_mem>>, %arg32: memref<!tpu.dma_semaphore, #tpu.memory_space<semaphore_mem>>, %arg33: memref<!tpu.dma_semaphore, #tpu.memory_space<semaphore_mem>>, %arg34: memref<!tpu.dma_semaphore, #tpu.memory_space<semaphore_mem>>, %arg35: memref<!tpu.dma_semaphore, #tpu.memory_space<semaphore_mem>>, %arg36: memref<!tpu.dma_semaphore, #tpu.memory_space<semaphore_mem>>, %arg37: memref<!tpu.dma_semaphore, #tpu.memory_space<semaphore_mem>>, %arg38: memref<!tpu.dma_semaphore, #tpu.memory_space<semaphore_mem>>) attributes {dimension_semantics = [#tpu.dimension_semantics<core_parallel>, #tpu.dimension_semantics<subcore_parallel>], iteration_bounds = array<i64: 2, 16>, scalar_prefetch = 0 : i64, scratch_operands = 23 : i64, tpu.core_type = #tpu.core_type<sc_vector_subcore>, window_params = [{transform_indices = #map}, {transform_indices = #map}, {transform_indices = #map}, {transform_indices = #map1}, {transform_indices = #map1}, {transform_indices = #map1}, {transform_indices = #map1}, {transform_indices = #map1}, {transform_indices = #map1}, {transform_indices = #map2}, {transform_indices = #map2}, {transform_indices = #map2}, {transform_indices = #map2}, {transform_indices = #map2}]} {
    %mul3A = arith.constant 2 : i32
    %mul3A_0 = arith.muli %arg1, %mul3A : i32
    %add3A = arith.addi %mul3A_0, %arg0 : i32
    %mul3A_1 = arith.constant 512 : i32
    %mul3A_2 = arith.muli %add3A, %mul3A_1 : i32
    "tpu.region"() ({
      %run_scoped3A = tpu.sem_alloc : memref<!tpu.dma_semaphore, #tpu.memory_space<semaphore_mem>>
      %dma_start3A_495 = arith.constant 0 : i32
      %dma_start3A_496 = tpu.memref_slice %arg16[%dma_start3A_495] : memref<528xi32, #tpu.memory_space<vmem>> -> memref<512xi32, #tpu.memory_space<vmem>>
      %dma_start3A_497 = tpu.memref_slice %arg2[%mul3A_2] : memref<16384xi32, #tpu.memory_space<hbm>> -> memref<512xi32, #tpu.memory_space<hbm>>
      %dma_start3A_498 = arith.constant 0 : i32
      %dma_start3A_499 = tpu.memref_slice %arg16[%dma_start3A_498] : memref<528xi32, #tpu.memory_space<vmem>> -> memref<512xi32, #tpu.memory_space<vmem>>
      %dma_start3A_500 = tpu.memref_slice %arg2[%mul3A_2] : memref<16384xi32, #tpu.memory_space<hbm>> -> memref<512xi32, #tpu.memory_space<hbm>>
      tpu.enqueue_dma source(%dma_start3A_500 : memref<512xi32, #tpu.memory_space<hbm>>) target(%dma_start3A_499 : memref<512xi32, #tpu.memory_space<vmem>>) target_semaphore(%run_scoped3A : memref<!tpu.dma_semaphore, #tpu.memory_space<semaphore_mem>>)
      %dma_wait3A_501 = arith.constant 0 : i32
      %dma_wait3A_502 = tpu.memref_slice %arg16[%dma_wait3A_501] : memref<528xi32, #tpu.memory_space<vmem>> -> memref<512xi32, #tpu.memory_space<vmem>>
      %dma_wait3A_503 = tpu.memref_slice %arg2[%mul3A_2] : memref<16384xi32, #tpu.memory_space<hbm>> -> memref<512xi32, #tpu.memory_space<hbm>>
      %dma_wait3A_504 = arith.constant 0 : i32
      %dma_wait3A_505 = tpu.memref_slice %arg16[%dma_wait3A_504] : memref<528xi32, #tpu.memory_space<vmem>> -> memref<512xi32, #tpu.memory_space<vmem>>
      %dma_wait3A_506 = tpu.memref_slice %arg2[%mul3A_2] : memref<16384xi32, #tpu.memory_space<hbm>> -> memref<512xi32, #tpu.memory_space<hbm>>
      tpu.wait_dma2 semaphore(%run_scoped3A : memref<!tpu.dma_semaphore, #tpu.memory_space<semaphore_mem>>) src(%dma_wait3A_506 : memref<512xi32, #tpu.memory_space<hbm>>) dst(%dma_wait3A_505 : memref<512xi32, #tpu.memory_space<vmem>>)
      tpu.yield
    }) : () -> ()
    "tpu.region"() ({
      %run_scoped3A = tpu.sem_alloc : memref<!tpu.dma_semaphore, #tpu.memory_space<semaphore_mem>>
      %dma_start3A_495 = arith.constant 0 : i32
      %dma_start3A_496 = tpu.memref_slice %arg17[%dma_start3A_495] : memref<528xi32, #tpu.memory_space<vmem>> -> memref<512xi32, #tpu.memory_space<vmem>>
      %dma_start3A_497 = tpu.memref_slice %arg3[%mul3A_2] : memref<16384xi32, #tpu.memory_space<hbm>> -> memref<512xi32, #tpu.memory_space<hbm>>
      %dma_start3A_498 = arith.constant 0 : i32
      %dma_start3A_499 = tpu.memref_slice %arg17[%dma_start3A_498] : memref<528xi32, #tpu.memory_space<vmem>> -> memref<512xi32, #tpu.memory_space<vmem>>
      %dma_start3A_500 = tpu.memref_slice %arg3[%mul3A_2] : memref<16384xi32, #tpu.memory_space<hbm>> -> memref<512xi32, #tpu.memory_space<hbm>>
      tpu.enqueue_dma source(%dma_start3A_500 : memref<512xi32, #tpu.memory_space<hbm>>) target(%dma_start3A_499 : memref<512xi32, #tpu.memory_space<vmem>>) target_semaphore(%run_scoped3A : memref<!tpu.dma_semaphore, #tpu.memory_space<semaphore_mem>>)
      %dma_wait3A_501 = arith.constant 0 : i32
      %dma_wait3A_502 = tpu.memref_slice %arg17[%dma_wait3A_501] : memref<528xi32, #tpu.memory_space<vmem>> -> memref<512xi32, #tpu.memory_space<vmem>>
      %dma_wait3A_503 = tpu.memref_slice %arg3[%mul3A_2] : memref<16384xi32, #tpu.memory_space<hbm>> -> memref<512xi32, #tpu.memory_space<hbm>>
      %dma_wait3A_504 = arith.constant 0 : i32
      %dma_wait3A_505 = tpu.memref_slice %arg17[%dma_wait3A_504] : memref<528xi32, #tpu.memory_space<vmem>> -> memref<512xi32, #tpu.memory_space<vmem>>
      %dma_wait3A_506 = tpu.memref_slice %arg3[%mul3A_2] : memref<16384xi32, #tpu.memory_space<hbm>> -> memref<512xi32, #tpu.memory_space<hbm>>
      tpu.wait_dma2 semaphore(%run_scoped3A : memref<!tpu.dma_semaphore, #tpu.memory_space<semaphore_mem>>) src(%dma_wait3A_506 : memref<512xi32, #tpu.memory_space<hbm>>) dst(%dma_wait3A_505 : memref<512xi32, #tpu.memory_space<vmem>>)
      tpu.yield
    }) : () -> ()
    "tpu.region"() ({
      %run_scoped3A = tpu.sem_alloc : memref<!tpu.dma_semaphore, #tpu.memory_space<semaphore_mem>>
      %dma_start3A_495 = arith.constant 0 : i32
      %dma_start3A_496 = tpu.memref_slice %arg18[%dma_start3A_495] : memref<528xi32, #tpu.memory_space<vmem>> -> memref<512xi32, #tpu.memory_space<vmem>>
      %dma_start3A_497 = tpu.memref_slice %arg4[%mul3A_2] : memref<16384xi32, #tpu.memory_space<hbm>> -> memref<512xi32, #tpu.memory_space<hbm>>
      %dma_start3A_498 = arith.constant 0 : i32
      %dma_start3A_499 = tpu.memref_slice %arg18[%dma_start3A_498] : memref<528xi32, #tpu.memory_space<vmem>> -> memref<512xi32, #tpu.memory_space<vmem>>
      %dma_start3A_500 = tpu.memref_slice %arg4[%mul3A_2] : memref<16384xi32, #tpu.memory_space<hbm>> -> memref<512xi32, #tpu.memory_space<hbm>>
      tpu.enqueue_dma source(%dma_start3A_500 : memref<512xi32, #tpu.memory_space<hbm>>) target(%dma_start3A_499 : memref<512xi32, #tpu.memory_space<vmem>>) target_semaphore(%run_scoped3A : memref<!tpu.dma_semaphore, #tpu.memory_space<semaphore_mem>>)
      %dma_wait3A_501 = arith.constant 0 : i32
      %dma_wait3A_502 = tpu.memref_slice %arg18[%dma_wait3A_501] : memref<528xi32, #tpu.memory_space<vmem>> -> memref<512xi32, #tpu.memory_space<vmem>>
      %dma_wait3A_503 = tpu.memref_slice %arg4[%mul3A_2] : memref<16384xi32, #tpu.memory_space<hbm>> -> memref<512xi32, #tpu.memory_space<hbm>>
      %dma_wait3A_504 = arith.constant 0 : i32
      %dma_wait3A_505 = tpu.memref_slice %arg18[%dma_wait3A_504] : memref<528xi32, #tpu.memory_space<vmem>> -> memref<512xi32, #tpu.memory_space<vmem>>
      %dma_wait3A_506 = tpu.memref_slice %arg4[%mul3A_2] : memref<16384xi32, #tpu.memory_space<hbm>> -> memref<512xi32, #tpu.memory_space<hbm>>
      tpu.wait_dma2 semaphore(%run_scoped3A : memref<!tpu.dma_semaphore, #tpu.memory_space<semaphore_mem>>) src(%dma_wait3A_506 : memref<512xi32, #tpu.memory_space<hbm>>) dst(%dma_wait3A_505 : memref<512xi32, #tpu.memory_space<vmem>>)
      tpu.yield
    }) : () -> ()
    %iota3A = tpu.iota {dimensions = array<i32: 0>} : vector<16xi32>
    %and3A = arith.constant 7 : i32
    %and3A_3 = vector.broadcast %and3A : i32 to vector<16xi32>
    %and3A_4 = arith.andi %iota3A, %and3A_3 : vector<16xi32>
    %lt3A = arith.constant 8 : i32
    %lt3A_5 = vector.broadcast %lt3A : i32 to vector<16xi32>
    %lt3A_6 = arith.cmpi slt, %iota3A, %lt3A_5 : vector<16xi32>
    %shift_right_arithmetic3A = arith.constant 3 : i32
    %shift_right_arithmetic3A_7 = vector.broadcast %shift_right_arithmetic3A : i32 to vector<16xi32>
    %shift_right_arithmetic3A_8 = arith.shrsi %iota3A, %shift_right_arithmetic3A_7 : vector<16xi32>
    %get3A = arith.constant 0 : index
    %get3A_9 = tpu.vector_load %arg16[%get3A] {strides = array<i32>} : memref<528xi32, #tpu.memory_space<vmem>>, vector<16xi32>,
    %get3A_10 = arith.constant 0 : index
    %get3A_11 = tpu.vector_load %arg17[%get3A_10] {strides = array<i32>} : memref<528xi32, #tpu.memory_space<vmem>>, vector<16xi32>,
    %get3A_12 = arith.constant 0 : index
    %get3A_13 = tpu.vector_load %arg18[%get3A_12] {strides = array<i32>} : memref<528xi32, #tpu.memory_space<vmem>>, vector<16xi32>,
    %and3A_14 = arith.constant -128 : i32
    %and3A_15 = vector.broadcast %and3A_14 : i32 to vector<16xi32>
    %and3A_16 = arith.andi %get3A_9, %and3A_15 : vector<16xi32>
    %and3A_17 = arith.constant -128 : i32
    %and3A_18 = vector.broadcast %and3A_17 : i32 to vector<16xi32>
    %and3A_19 = arith.andi %get3A_11, %and3A_18 : vector<16xi32>
    %and3A_20 = arith.constant -128 : i32
    %and3A_21 = vector.broadcast %and3A_20 : i32 to vector<16xi32>
    %and3A_22 = arith.andi %get3A_13, %and3A_21 : vector<16xi32>
    %slice3A = vector.extract_strided_slice %and3A_16 {offsets = [0], sizes = [1], strides = [1]} : vector<16xi32> to vector<1xi32>
    %squeeze3A = vector.extract %slice3A[0] : i32 from vector<1xi32>
    %multiple_of3A = tpu.assume_multiple %squeeze3A, 128 : i32
    %slice3A_23 = vector.extract_strided_slice %and3A_19 {offsets = [0], sizes = [1], strides = [1]} : vector<16xi32> to vector<1xi32>
    %squeeze3A_24 = vector.extract %slice3A_23[0] : i32 from vector<1xi32>
    %multiple_of3A_25 = tpu.assume_multiple %squeeze3A_24, 128 : i32
    %slice3A_26 = vector.extract_strided_slice %and3A_22 {offsets = [0], sizes = [1], strides = [1]} : vector<16xi32> to vector<1xi32>
    %squeeze3A_27 = vector.extract %slice3A_26[0] : i32 from vector<1xi32>
    %multiple_of3A_28 = tpu.assume_multiple %squeeze3A_27, 128 : i32
    %dma_start3A = arith.constant 0 : i32
    %dma_start3A_29 = arith.constant 0 : i32
    %dma_start3A_30 = arith.constant 0 : i32
    %dma_start3A_31 = arith.constant 0 : i32
    %dma_start3A_32 = arith.constant 0 : i32
    %dma_start3A_33 = tpu.memref_slice %arg19[%dma_start3A_29, %dma_start3A_30, %dma_start3A_31, %dma_start3A_32] : memref<2x4x8x128xf32, #tpu.memory_space<vmem>> -> memref<1x1x8x128xf32, #tpu.memory_space<vmem>>
    %dma_start3A_34 = tpu.memref_squeeze %dma_start3A_33 : memref<1x1x8x128xf32, #tpu.memory_space<vmem>> -> memref<8x128xf32, #tpu.memory_space<vmem>>
    %dma_start3A_35 = arith.constant 0 : i32
    %dma_start3A_36 = tpu.memref_slice %arg5[%dma_start3A, %dma_start3A_35, %multiple_of3A] : memref<1x8x1000000xf32, #tpu.memory_space<hbm>> -> memref<1x8x128xf32, #tpu.memory_space<hbm>>
    %dma_start3A_37 = tpu.memref_squeeze %dma_start3A_36 : memref<1x8x128xf32, #tpu.memory_space<hbm>> -> memref<8x128xf32, #tpu.memory_space<hbm>>
    %dma_start3A_38 = arith.constant 0 : i32
    %dma_start3A_39 = arith.constant 0 : i32
    %dma_start3A_40 = tpu.memref_slice %arg19[%dma_start3A_29, %dma_start3A_30, %dma_start3A_38, %dma_start3A_39] : memref<2x4x8x128xf32, #tpu.memory_space<vmem>> -> memref<1x1x8x128xf32, #tpu.memory_space<vmem>>
    %dma_start3A_41 = tpu.memref_squeeze %dma_start3A_40 : memref<1x1x8x128xf32, #tpu.memory_space<vmem>> -> memref<8x128xf32, #tpu.memory_space<vmem>>
    %dma_start3A_42 = arith.constant 0 : i32
    %dma_start3A_43 = tpu.memref_slice %arg5[%dma_start3A, %dma_start3A_42, %multiple_of3A] : memref<1x8x1000000xf32, #tpu.memory_space<hbm>> -> memref<1x8x128xf32, #tpu.memory_space<hbm>>
    %dma_start3A_44 = tpu.memref_squeeze %dma_start3A_43 : memref<1x8x128xf32, #tpu.memory_space<hbm>> -> memref<8x128xf32, #tpu.memory_space<hbm>>
    tpu.enqueue_dma source(%dma_start3A_44 : memref<8x128xf32, #tpu.memory_space<hbm>>) target(%dma_start3A_41 : memref<8x128xf32, #tpu.memory_space<vmem>>) target_semaphore(%arg29 : memref<!tpu.dma_semaphore, #tpu.memory_space<semaphore_mem>>)
    %dma_start3A_45 = arith.constant 0 : i32
    %dma_start3A_46 = arith.constant 0 : i32
    %dma_start3A_47 = arith.constant 0 : i32
    %dma_start3A_48 = arith.constant 0 : i32
    %dma_start3A_49 = arith.constant 0 : i32
    %dma_start3A_50 = tpu.memref_slice %arg20[%dma_start3A_46, %dma_start3A_47, %dma_start3A_48, %dma_start3A_49] : memref<2x4x8x128xf32, #tpu.memory_space<vmem>> -> memref<1x1x8x128xf32, #tpu.memory_space<vmem>>
    %dma_start3A_51 = tpu.memref_squeeze %dma_start3A_50 : memref<1x1x8x128xf32, #tpu.memory_space<vmem>> -> memref<8x128xf32, #tpu.memory_space<vmem>>
    %dma_start3A_52 = arith.constant 0 : i32
    %dma_start3A_53 = tpu.memref_slice %arg6[%dma_start3A_45, %dma_start3A_52, %multiple_of3A_25] : memref<1x8x1000000xf32, #tpu.memory_space<hbm>> -> memref<1x8x128xf32, #tpu.memory_space<hbm>>
    %dma_start3A_54 = tpu.memref_squeeze %dma_start3A_53 : memref<1x8x128xf32, #tpu.memory_space<hbm>> -> memref<8x128xf32, #tpu.memory_space<hbm>>
    %dma_start3A_55 = arith.constant 0 : i32
    %dma_start3A_56 = arith.constant 0 : i32
    %dma_start3A_57 = tpu.memref_slice %arg20[%dma_start3A_46, %dma_start3A_47, %dma_start3A_55, %dma_start3A_56] : memref<2x4x8x128xf32, #tpu.memory_space<vmem>> -> memref<1x1x8x128xf32, #tpu.memory_space<vmem>>
    %dma_start3A_58 = tpu.memref_squeeze %dma_start3A_57 : memref<1x1x8x128xf32, #tpu.memory_space<vmem>> -> memref<8x128xf32, #tpu.memory_space<vmem>>
    %dma_start3A_59 = arith.constant 0 : i32
    %dma_start3A_60 = tpu.memref_slice %arg6[%dma_start3A_45, %dma_start3A_59, %multiple_of3A_25] : memref<1x8x1000000xf32, #tpu.memory_space<hbm>> -> memref<1x8x128xf32, #tpu.memory_space<hbm>>
    %dma_start3A_61 = tpu.memref_squeeze %dma_start3A_60 : memref<1x8x128xf32, #tpu.memory_space<hbm>> -> memref<8x128xf32, #tpu.memory_space<hbm>>
    tpu.enqueue_dma source(%dma_start3A_61 : memref<8x128xf32, #tpu.memory_space<hbm>>) target(%dma_start3A_58 : memref<8x128xf32, #tpu.memory_space<vmem>>) target_semaphore(%arg30 : memref<!tpu.dma_semaphore, #tpu.memory_space<semaphore_mem>>)
    %dma_start3A_62 = arith.constant 0 : i32
    %dma_start3A_63 = arith.constant 0 : i32
    %dma_start3A_64 = arith.constant 0 : i32
    %dma_start3A_65 = arith.constant 0 : i32
    %dma_start3A_66 = tpu.memref_slice %arg21[%dma_start3A_62, %dma_start3A_63, %dma_start3A_64, %dma_start3A_65] : memref<2x8x8x128xf32, #tpu.memory_space<vmem>> -> memref<1x2x8x128xf32, #tpu.memory_space<vmem>>
    %dma_start3A_67 = tpu.memref_squeeze %dma_start3A_66 : memref<1x2x8x128xf32, #tpu.memory_space<vmem>> -> memref<2x8x128xf32, #tpu.memory_space<vmem>>
    %dma_start3A_68 = arith.constant 0 : i32
    %dma_start3A_69 = arith.constant 0 : i32
    %dma_start3A_70 = tpu.memref_slice %arg7[%dma_start3A_68, %dma_start3A_69, %multiple_of3A] : memref<2x8x1000000xf32, #tpu.memory_space<hbm>> -> memref<2x8x128xf32, #tpu.memory_space<hbm>>
    %dma_start3A_71 = arith.constant 0 : i32
    %dma_start3A_72 = arith.constant 0 : i32
    %dma_start3A_73 = arith.constant 0 : i32
    %dma_start3A_74 = tpu.memref_slice %arg21[%dma_start3A_62, %dma_start3A_71, %dma_start3A_72, %dma_start3A_73] : memref<2x8x8x128xf32, #tpu.memory_space<vmem>> -> memref<1x2x8x128xf32, #tpu.memory_space<vmem>>
    %dma_start3A_75 = tpu.memref_squeeze %dma_start3A_74 : memref<1x2x8x128xf32, #tpu.memory_space<vmem>> -> memref<2x8x128xf32, #tpu.memory_space<vmem>>
    %dma_start3A_76 = arith.constant 0 : i32
    %dma_start3A_77 = arith.constant 0 : i32
    %dma_start3A_78 = tpu.memref_slice %arg7[%dma_start3A_76, %dma_start3A_77, %multiple_of3A] : memref<2x8x1000000xf32, #tpu.memory_space<hbm>> -> memref<2x8x128xf32, #tpu.memory_space<hbm>>
    tpu.enqueue_dma source(%dma_start3A_78 : memref<2x8x128xf32, #tpu.memory_space<hbm>>) target(%dma_start3A_75 : memref<2x8x128xf32, #tpu.memory_space<vmem>>) target_semaphore(%arg31 : memref<!tpu.dma_semaphore, #tpu.memory_space<semaphore_mem>>)
    %dma_start3A_79 = arith.constant 0 : i32
    %dma_start3A_80 = arith.constant 0 : i32
    %dma_start3A_81 = arith.constant 0 : i32
    %dma_start3A_82 = arith.constant 0 : i32
    %dma_start3A_83 = tpu.memref_slice %arg22[%dma_start3A_79, %dma_start3A_80, %dma_start3A_81, %dma_start3A_82] : memref<2x8x8x128xf32, #tpu.memory_space<vmem>> -> memref<1x2x8x128xf32, #tpu.memory_space<vmem>>
    %dma_start3A_84 = tpu.memref_squeeze %dma_start3A_83 : memref<1x2x8x128xf32, #tpu.memory_space<vmem>> -> memref<2x8x128xf32, #tpu.memory_space<vmem>>
    %dma_start3A_85 = arith.constant 0 : i32
    %dma_start3A_86 = arith.constant 0 : i32
    %dma_start3A_87 = tpu.memref_slice %arg8[%dma_start3A_85, %dma_start3A_86, %multiple_of3A_25] : memref<2x8x1000000xf32, #tpu.memory_space<hbm>> -> memref<2x8x128xf32, #tpu.memory_space<hbm>>
    %dma_start3A_88 = arith.constant 0 : i32
    %dma_start3A_89 = arith.constant 0 : i32
    %dma_start3A_90 = arith.constant 0 : i32
    %dma_start3A_91 = tpu.memref_slice %arg22[%dma_start3A_79, %dma_start3A_88, %dma_start3A_89, %dma_start3A_90] : memref<2x8x8x128xf32, #tpu.memory_space<vmem>> -> memref<1x2x8x128xf32, #tpu.memory_space<vmem>>
    %dma_start3A_92 = tpu.memref_squeeze %dma_start3A_91 : memref<1x2x8x128xf32, #tpu.memory_space<vmem>> -> memref<2x8x128xf32, #tpu.memory_space<vmem>>
    %dma_start3A_93 = arith.constant 0 : i32
    %dma_start3A_94 = arith.constant 0 : i32
    %dma_start3A_95 = tpu.memref_slice %arg8[%dma_start3A_93, %dma_start3A_94, %multiple_of3A_25] : memref<2x8x1000000xf32, #tpu.memory_space<hbm>> -> memref<2x8x128xf32, #tpu.memory_space<hbm>>
    tpu.enqueue_dma source(%dma_start3A_95 : memref<2x8x128xf32, #tpu.memory_space<hbm>>) target(%dma_start3A_92 : memref<2x8x128xf32, #tpu.memory_space<vmem>>) target_semaphore(%arg32 : memref<!tpu.dma_semaphore, #tpu.memory_space<semaphore_mem>>)
    %dma_start3A_96 = arith.constant 0 : i32
    %dma_start3A_97 = arith.constant 0 : i32
    %dma_start3A_98 = arith.constant 0 : i32
    %dma_start3A_99 = arith.constant 0 : i32
    %dma_start3A_100 = tpu.memref_slice %arg23[%dma_start3A_96, %dma_start3A_97, %dma_start3A_98, %dma_start3A_99] : memref<2x16x8x128xf32, #tpu.memory_space<vmem>> -> memref<1x4x8x128xf32, #tpu.memory_space<vmem>>
    %dma_start3A_101 = tpu.memref_squeeze %dma_start3A_100 : memref<1x4x8x128xf32, #tpu.memory_space<vmem>> -> memref<4x8x128xf32, #tpu.memory_space<vmem>>
    %dma_start3A_102 = arith.constant 0 : i32
    %dma_start3A_103 = arith.constant 0 : i32
    %dma_start3A_104 = tpu.memref_slice %arg9[%dma_start3A_102, %dma_start3A_103, %multiple_of3A_28] : memref<4x8x1000000xf32, #tpu.memory_space<hbm>> -> memref<4x8x128xf32, #tpu.memory_space<hbm>>
    %dma_start3A_105 = arith.constant 0 : i32
    %dma_start3A_106 = arith.constant 0 : i32
    %dma_start3A_107 = arith.constant 0 : i32
    %dma_start3A_108 = tpu.memref_slice %arg23[%dma_start3A_96, %dma_start3A_105, %dma_start3A_106, %dma_start3A_107] : memref<2x16x8x128xf32, #tpu.memory_space<vmem>> -> memref<1x4x8x128xf32, #tpu.memory_space<vmem>>
    %dma_start3A_109 = tpu.memref_squeeze %dma_start3A_108 : memref<1x4x8x128xf32, #tpu.memory_space<vmem>> -> memref<4x8x128xf32, #tpu.memory_space<vmem>>
    %dma_start3A_110 = arith.constant 0 : i32
    %dma_start3A_111 = arith.constant 0 : i32
    %dma_start3A_112 = tpu.memref_slice %arg9[%dma_start3A_110, %dma_start3A_111, %multiple_of3A_28] : memref<4x8x1000000xf32, #tpu.memory_space<hbm>> -> memref<4x8x128xf32, #tpu.memory_space<hbm>>
    tpu.enqueue_dma source(%dma_start3A_112 : memref<4x8x128xf32, #tpu.memory_space<hbm>>) target(%dma_start3A_109 : memref<4x8x128xf32, #tpu.memory_space<vmem>>) target_semaphore(%arg33 : memref<!tpu.dma_semaphore, #tpu.memory_space<semaphore_mem>>)
    %slice3A_113 = vector.extract_strided_slice %and3A_16 {offsets = [1], sizes = [1], strides = [1]} : vector<16xi32> to vector<1xi32>
    %squeeze3A_114 = vector.extract %slice3A_113[0] : i32 from vector<1xi32>
    %multiple_of3A_115 = tpu.assume_multiple %squeeze3A_114, 128 : i32
    %slice3A_116 = vector.extract_strided_slice %and3A_19 {offsets = [1], sizes = [1], strides = [1]} : vector<16xi32> to vector<1xi32>
    %squeeze3A_117 = vector.extract %slice3A_116[0] : i32 from vector<1xi32>
    %multiple_of3A_118 = tpu.assume_multiple %squeeze3A_117, 128 : i32
    %slice3A_119 = vector.extract_strided_slice %and3A_22 {offsets = [1], sizes = [1], strides = [1]} : vector<16xi32> to vector<1xi32>
    %squeeze3A_120 = vector.extract %slice3A_119[0] : i32 from vector<1xi32>
    %multiple_of3A_121 = tpu.assume_multiple %squeeze3A_120, 128 : i32
    %dma_start3A_122 = arith.constant 0 : i32
    %dma_start3A_123 = arith.constant 0 : i32
    %dma_start3A_124 = arith.constant 1 : i32
    %dma_start3A_125 = arith.constant 0 : i32
    %dma_start3A_126 = arith.constant 0 : i32
    %dma_start3A_127 = tpu.memref_slice %arg19[%dma_start3A_123, %dma_start3A_124, %dma_start3A_125, %dma_start3A_126] : memref<2x4x8x128xf32, #tpu.memory_space<vmem>> -> memref<1x1x8x128xf32, #tpu.memory_space<vmem>>
    %dma_start3A_128 = tpu.memref_squeeze %dma_start3A_127 : memref<1x1x8x128xf32, #tpu.memory_space<vmem>> -> memref<8x128xf32, #tpu.memory_space<vmem>>
    %dma_start3A_129 = arith.constant 0 : i32
    %dma_start3A_130 = tpu.memref_slice %arg5[%dma_start3A_122, %dma_start3A_129, %multiple_of3A_115] : memref<1x8x1000000xf32, #tpu.memory_space<hbm>> -> memref<1x8x128xf32, #tpu.memory_space<hbm>>
    %dma_start3A_131 = tpu.memref_squeeze %dma_start3A_130 : memref<1x8x128xf32, #tpu.memory_space<hbm>> -> memref<8x128xf32, #tpu.memory_space<hbm>>
    %dma_start3A_132 = arith.constant 0 : i32
    %dma_start3A_133 = arith.constant 0 : i32
    %dma_start3A_134 = tpu.memref_slice %arg19[%dma_start3A_123, %dma_start3A_124, %dma_start3A_132, %dma_start3A_133] : memref<2x4x8x128xf32, #tpu.memory_space<vmem>> -> memref<1x1x8x128xf32, #tpu.memory_space<vmem>>
    %dma_start3A_135 = tpu.memref_squeeze %dma_start3A_134 : memref<1x1x8x128xf32, #tpu.memory_space<vmem>> -> memref<8x128xf32, #tpu.memory_space<vmem>>
    %dma_start3A_136 = arith.constant 0 : i32
    %dma_start3A_137 = tpu.memref_slice %arg5[%dma_start3A_122, %dma_start3A_136, %multiple_of3A_115] : memref<1x8x1000000xf32, #tpu.memory_space<hbm>> -> memref<1x8x128xf32, #tpu.memory_space<hbm>>
    %dma_start3A_138 = tpu.memref_squeeze %dma_start3A_137 : memref<1x8x128xf32, #tpu.memory_space<hbm>> -> memref<8x128xf32, #tpu.memory_space<hbm>>
    tpu.enqueue_dma source(%dma_start3A_138 : memref<8x128xf32, #tpu.memory_space<hbm>>) target(%dma_start3A_135 : memref<8x128xf32, #tpu.memory_space<vmem>>) target_semaphore(%arg29 : memref<!tpu.dma_semaphore, #tpu.memory_space<semaphore_mem>>)
    %dma_start3A_139 = arith.constant 0 : i32
    %dma_start3A_140 = arith.constant 0 : i32
    %dma_start3A_141 = arith.constant 1 : i32
    %dma_start3A_142 = arith.constant 0 : i32
    %dma_start3A_143 = arith.constant 0 : i32
    %dma_start3A_144 = tpu.memref_slice %arg20[%dma_start3A_140, %dma_start3A_141, %dma_start3A_142, %dma_start3A_143] : memref<2x4x8x128xf32, #tpu.memory_space<vmem>> -> memref<1x1x8x128xf32, #tpu.memory_space<vmem>>
    %dma_start3A_145 = tpu.memref_squeeze %dma_start3A_144 : memref<1x1x8x128xf32, #tpu.memory_space<vmem>> -> memref<8x128xf32, #tpu.memory_space<vmem>>
    %dma_start3A_146 = arith.constant 0 : i32
    %dma_start3A_147 = tpu.memref_slice %arg6[%dma_start3A_139, %dma_start3A_146, %multiple_of3A_118] : memref<1x8x1000000xf32, #tpu.memory_space<hbm>> -> memref<1x8x128xf32, #tpu.memory_space<hbm>>
    %dma_start3A_148 = tpu.memref_squeeze %dma_start3A_147 : memref<1x8x128xf32, #tpu.memory_space<hbm>> -> memref<8x128xf32, #tpu.memory_space<hbm>>
    %dma_start3A_149 = arith.constant 0 : i32
    %dma_start3A_150 = arith.constant 0 : i32
    %dma_start3A_151 = tpu.memref_slice %arg20[%dma_start3A_140, %dma_start3A_141, %dma_start3A_149, %dma_start3A_150] : memref<2x4x8x128xf32, #tpu.memory_space<vmem>> -> memref<1x1x8x128xf32, #tpu.memory_space<vmem>>
    %dma_start3A_152 = tpu.memref_squeeze %dma_start3A_151 : memref<1x1x8x128xf32, #tpu.memory_space<vmem>> -> memref<8x128xf32, #tpu.memory_space<vmem>>
    %dma_start3A_153 = arith.constant 0 : i32
    %dma_start3A_154 = tpu.memref_slice %arg6[%dma_start3A_139, %dma_start3A_153, %multiple_of3A_118] : memref<1x8x1000000xf32, #tpu.memory_space<hbm>> -> memref<1x8x128xf32, #tpu.memory_space<hbm>>
    %dma_start3A_155 = tpu.memref_squeeze %dma_start3A_154 : memref<1x8x128xf32, #tpu.memory_space<hbm>> -> memref<8x128xf32, #tpu.memory_space<hbm>>
    tpu.enqueue_dma source(%dma_start3A_155 : memref<8x128xf32, #tpu.memory_space<hbm>>) target(%dma_start3A_152 : memref<8x128xf32, #tpu.memory_space<vmem>>) target_semaphore(%arg30 : memref<!tpu.dma_semaphore, #tpu.memory_space<semaphore_mem>>)
    %dma_start3A_156 = arith.constant 0 : i32
    %dma_start3A_157 = arith.constant 2 : i32
    %dma_start3A_158 = arith.constant 0 : i32
    %dma_start3A_159 = arith.constant 0 : i32
    %dma_start3A_160 = tpu.memref_slice %arg21[%dma_start3A_156, %dma_start3A_157, %dma_start3A_158, %dma_start3A_159] : memref<2x8x8x128xf32, #tpu.memory_space<vmem>> -> memref<1x2x8x128xf32, #tpu.memory_space<vmem>>
    %dma_start3A_161 = tpu.memref_squeeze %dma_start3A_160 : memref<1x2x8x128xf32, #tpu.memory_space<vmem>> -> memref<2x8x128xf32, #tpu.memory_space<vmem>>
    %dma_start3A_162 = arith.constant 0 : i32
    %dma_start3A_163 = arith.constant 0 : i32
    %dma_start3A_164 = tpu.memref_slice %arg7[%dma_start3A_162, %dma_start3A_163, %multiple_of3A_115] : memref<2x8x1000000xf32, #tpu.memory_space<hbm>> -> memref<2x8x128xf32, #tpu.memory_space<hbm>>
    %dma_start3A_165 = arith.constant 2 : i32
    %dma_start3A_166 = arith.constant 0 : i32
    %dma_start3A_167 = arith.constant 0 : i32
    %dma_start3A_168 = tpu.memref_slice %arg21[%dma_start3A_156, %dma_start3A_165, %dma_start3A_166, %dma_start3A_167] : memref<2x8x8x128xf32, #tpu.memory_space<vmem>> -> memref<1x2x8x128xf32, #tpu.memory_space<vmem>>
    %dma_start3A_169 = tpu.memref_squeeze %dma_start3A_168 : memref<1x2x8x128xf32, #tpu.memory_space<vmem>> -> memref<2x8x128xf32, #tpu.memory_space<vmem>>
    %dma_start3A_170 = arith.constant 0 : i32
    %dma_start3A_171 = arith.constant 0 : i32
    %dma_start3A_172 = tpu.memref_slice %arg7[%dma_start3A_170, %dma_start3A_171, %multiple_of3A_115] : memref<2x8x1000000xf32, #tpu.memory_space<hbm>> -> memref<2x8x128xf32, #tpu.memory_space<hbm>>
    tpu.enqueue_dma source(%dma_start3A_172 : memref<2x8x128xf32, #tpu.memory_space<hbm>>) target(%dma_start3A_169 : memref<2x8x128xf32, #tpu.memory_space<vmem>>) target_semaphore(%arg31 : memref<!tpu.dma_semaphore, #tpu.memory_space<semaphore_mem>>)
    %dma_start3A_173 = arith.constant 0 : i32
    %dma_start3A_174 = arith.constant 2 : i32
    %dma_start3A_175 = arith.constant 0 : i32
    %dma_start3A_176 = arith.constant 0 : i32
    %dma_start3A_177 = tpu.memref_slice %arg22[%dma_start3A_173, %dma_start3A_174, %dma_start3A_175, %dma_start3A_176] : memref<2x8x8x128xf32, #tpu.memory_space<vmem>> -> memref<1x2x8x128xf32, #tpu.memory_space<vmem>>
    %dma_start3A_178 = tpu.memref_squeeze %dma_start3A_177 : memref<1x2x8x128xf32, #tpu.memory_space<vmem>> -> memref<2x8x128xf32, #tpu.memory_space<vmem>>
    %dma_start3A_179 = arith.constant 0 : i32
    %dma_start3A_180 = arith.constant 0 : i32
    %dma_start3A_181 = tpu.memref_slice %arg8[%dma_start3A_179, %dma_start3A_180, %multiple_of3A_118] : memref<2x8x1000000xf32, #tpu.memory_space<hbm>> -> memref<2x8x128xf32, #tpu.memory_space<hbm>>
    %dma_start3A_182 = arith.constant 2 : i32
    %dma_start3A_183 = arith.constant 0 : i32
    %dma_start3A_184 = arith.constant 0 : i32
    %dma_start3A_185 = tpu.memref_slice %arg22[%dma_start3A_173, %dma_start3A_182, %dma_start3A_183, %dma_start3A_184] : memref<2x8x8x128xf32, #tpu.memory_space<vmem>> -> memref<1x2x8x128xf32, #tpu.memory_space<vmem>>
    %dma_start3A_186 = tpu.memref_squeeze %dma_start3A_185 : memref<1x2x8x128xf32, #tpu.memory_space<vmem>> -> memref<2x8x128xf32, #tpu.memory_space<vmem>>
    %dma_start3A_187 = arith.constant 0 : i32
    %dma_start3A_188 = arith.constant 0 : i32
    %dma_start3A_189 = tpu.memref_slice %arg8[%dma_start3A_187, %dma_start3A_188, %multiple_of3A_118] : memref<2x8x1000000xf32, #tpu.memory_space<hbm>> -> memref<2x8x128xf32, #tpu.memory_space<hbm>>
    tpu.enqueue_dma source(%dma_start3A_189 : memref<2x8x128xf32, #tpu.memory_space<hbm>>) target(%dma_start3A_186 : memref<2x8x128xf32, #tpu.memory_space<vmem>>) target_semaphore(%arg32 : memref<!tpu.dma_semaphore, #tpu.memory_space<semaphore_mem>>)
    %dma_start3A_190 = arith.constant 0 : i32
    %dma_start3A_191 = arith.constant 4 : i32
    %dma_start3A_192 = arith.constant 0 : i32
    %dma_start3A_193 = arith.constant 0 : i32
    %dma_start3A_194 = tpu.memref_slice %arg23[%dma_start3A_190, %dma_start3A_191, %dma_start3A_192, %dma_start3A_193] : memref<2x16x8x128xf32, #tpu.memory_space<vmem>> -> memref<1x4x8x128xf32, #tpu.memory_space<vmem>>
    %dma_start3A_195 = tpu.memref_squeeze %dma_start3A_194 : memref<1x4x8x128xf32, #tpu.memory_space<vmem>> -> memref<4x8x128xf32, #tpu.memory_space<vmem>>
    %dma_start3A_196 = arith.constant 0 : i32
    %dma_start3A_197 = arith.constant 0 : i32
    %dma_start3A_198 = tpu.memref_slice %arg9[%dma_start3A_196, %dma_start3A_197, %multiple_of3A_121] : memref<4x8x1000000xf32, #tpu.memory_space<hbm>> -> memref<4x8x128xf32, #tpu.memory_space<hbm>>
    %dma_start3A_199 = arith.constant 4 : i32
    %dma_start3A_200 = arith.constant 0 : i32
    %dma_start3A_201 = arith.constant 0 : i32
    %dma_start3A_202 = tpu.memref_slice %arg23[%dma_start3A_190, %dma_start3A_199, %dma_start3A_200, %dma_start3A_201] : memref<2x16x8x128xf32, #tpu.memory_space<vmem>> -> memref<1x4x8x128xf32, #tpu.memory_space<vmem>>
    %dma_start3A_203 = tpu.memref_squeeze %dma_start3A_202 : memref<1x4x8x128xf32, #tpu.memory_space<vmem>> -> memref<4x8x128xf32, #tpu.memory_space<vmem>>
    %dma_start3A_204 = arith.constant 0 : i32
    %dma_start3A_205 = arith.constant 0 : i32
    %dma_start3A_206 = tpu.memref_slice %arg9[%dma_start3A_204, %dma_start3A_205, %multiple_of3A_121] : memref<4x8x1000000xf32, #tpu.memory_space<hbm>> -> memref<4x8x128xf32, #tpu.memory_space<hbm>>
    tpu.enqueue_dma source(%dma_start3A_206 : memref<4x8x128xf32, #tpu.memory_space<hbm>>) target(%dma_start3A_203 : memref<4x8x128xf32, #tpu.memory_space<vmem>>) target_semaphore(%arg33 : memref<!tpu.dma_semaphore, #tpu.memory_space<semaphore_mem>>)
    %slice3A_207 = vector.extract_strided_slice %and3A_16 {offsets = [2], sizes = [1], strides = [1]} : vector<16xi32> to vector<1xi32>
    %squeeze3A_208 = vector.extract %slice3A_207[0] : i32 from vector<1xi32>
    %multiple_of3A_209 = tpu.assume_multiple %squeeze3A_208, 128 : i32
    %slice3A_210 = vector.extract_strided_slice %and3A_19 {offsets = [2], sizes = [1], strides = [1]} : vector<16xi32> to vector<1xi32>
    %squeeze3A_211 = vector.extract %slice3A_210[0] : i32 from vector<1xi32>
    %multiple_of3A_212 = tpu.assume_multiple %squeeze3A_211, 128 : i32
    %slice3A_213 = vector.extract_strided_slice %and3A_22 {offsets = [2], sizes = [1], strides = [1]} : vector<16xi32> to vector<1xi32>
    %squeeze3A_214 = vector.extract %slice3A_213[0] : i32 from vector<1xi32>
    %multiple_of3A_215 = tpu.assume_multiple %squeeze3A_214, 128 : i32
    %dma_start3A_216 = arith.constant 0 : i32
    %dma_start3A_217 = arith.constant 0 : i32
    %dma_start3A_218 = arith.constant 2 : i32
    %dma_start3A_219 = arith.constant 0 : i32
    %dma_start3A_220 = arith.constant 0 : i32
    %dma_start3A_221 = tpu.memref_slice %arg19[%dma_start3A_217, %dma_start3A_218, %dma_start3A_219, %dma_start3A_220] : memref<2x4x8x128xf32, #tpu.memory_space<vmem>> -> memref<1x1x8x128xf32, #tpu.memory_space<vmem>>
    %dma_start3A_222 = tpu.memref_squeeze %dma_start3A_221 : memref<1x1x8x128xf32, #tpu.memory_space<vmem>> -> memref<8x128xf32, #tpu.memory_space<vmem>>
    %dma_start3A_223 = arith.constant 0 : i32
    %dma_start3A_224 = tpu.memref_slice %arg5[%dma_start3A_216, %dma_start3A_223, %multiple_of3A_209] : memref<1x8x1000000xf32, #tpu.memory_space<hbm>> -> memref<1x8x128xf32, #tpu.memory_space<hbm>>
    %dma_start3A_225 = tpu.memref_squeeze %dma_start3A_224 : memref<1x8x128xf32, #tpu.memory_space<hbm>> -> memref<8x128xf32, #tpu.memory_space<hbm>>
    %dma_start3A_226 = arith.constant 0 : i32
    %dma_start3A_227 = arith.constant 0 : i32
    %dma_start3A_228 = tpu.memref_slice %arg19[%dma_start3A_217, %dma_start3A_218, %dma_start3A_226, %dma_start3A_227] : memref<2x4x8x128xf32, #tpu.memory_space<vmem>> -> memref<1x1x8x128xf32, #tpu.memory_space<vmem>>
    %dma_start3A_229 = tpu.memref_squeeze %dma_start3A_228 : memref<1x1x8x128xf32, #tpu.memory_space<vmem>> -> memref<8x128xf32, #tpu.memory_space<vmem>>
    %dma_start3A_230 = arith.constant 0 : i32
    %dma_start3A_231 = tpu.memref_slice %arg5[%dma_start3A_216, %dma_start3A_230, %multiple_of3A_209] : memref<1x8x1000000xf32, #tpu.memory_space<hbm>> -> memref<1x8x128xf32, #tpu.memory_space<hbm>>
    %dma_start3A_232 = tpu.memref_squeeze %dma_start3A_231 : memref<1x8x128xf32, #tpu.memory_space<hbm>> -> memref<8x128xf32, #tpu.memory_space<hbm>>
    tpu.enqueue_dma source(%dma_start3A_232 : memref<8x128xf32, #tpu.memory_space<hbm>>) target(%dma_start3A_229 : memref<8x128xf32, #tpu.memory_space<vmem>>) target_semaphore(%arg29 : memref<!tpu.dma_semaphore, #tpu.memory_space<semaphore_mem>>)
    %dma_start3A_233 = arith.constant 0 : i32
    %dma_start3A_234 = arith.constant 0 : i32
    %dma_start3A_235 = arith.constant 2 : i32
    %dma_start3A_236 = arith.constant 0 : i32
    %dma_start3A_237 = arith.constant 0 : i32
    %dma_start3A_238 = tpu.memref_slice %arg20[%dma_start3A_234, %dma_start3A_235, %dma_start3A_236, %dma_start3A_237] : memref<2x4x8x128xf32, #tpu.memory_space<vmem>> -> memref<1x1x8x128xf32, #tpu.memory_space<vmem>>
    %dma_start3A_239 = tpu.memref_squeeze %dma_start3A_238 : memref<1x1x8x128xf32, #tpu.memory_space<vmem>> -> memref<8x128xf32, #tpu.memory_space<vmem>>
    %dma_start3A_240 = arith.constant 0 : i32
    %dma_start3A_241 = tpu.memref_slice %arg6[%dma_start3A_233, %dma_start3A_240, %multiple_of3A_212] : memref<1x8x1000000xf32, #tpu.memory_space<hbm>> -> memref<1x8x128xf32, #tpu.memory_space<hbm>>
    %dma_start3A_242 = tpu.memref_squeeze %dma_start3A_241 : memref<1x8x128xf32, #tpu.memory_space<hbm>> -> memref<8x128xf32, #tpu.memory_space<hbm>>
    %dma_start3A_243 = arith.constant 0 : i32
    %dma_start3A_244 = arith.constant 0 : i32
    %dma_start3A_245 = tpu.memref_slice %arg20[%dma_start3A_234, %dma_start3A_235, %dma_start3A_243, %dma_start3A_244] : memref<2x4x8x128xf32, #tpu.memory_space<vmem>> -> memref<1x1x8x128xf32, #tpu.memory_space<vmem>>
    %dma_start3A_246 = tpu.memref_squeeze %dma_start3A_245 : memref<1x1x8x128xf32, #tpu.memory_space<vmem>> -> memref<8x128xf32, #tpu.memory_space<vmem>>
    %dma_start3A_247 = arith.constant 0 : i32
    %dma_start3A_248 = tpu.memref_slice %arg6[%dma_start3A_233, %dma_start3A_247, %multiple_of3A_212] : memref<1x8x1000000xf32, #tpu.memory_space<hbm>> -> memref<1x8x128xf32, #tpu.memory_space<hbm>>
    %dma_start3A_249 = tpu.memref_squeeze %dma_start3A_248 : memref<1x8x128xf32, #tpu.memory_space<hbm>> -> memref<8x128xf32, #tpu.memory_space<hbm>>
    tpu.enqueue_dma source(%dma_start3A_249 : memref<8x128xf32, #tpu.memory_space<hbm>>) target(%dma_start3A_246 : memref<8x128xf32, #tpu.memory_space<vmem>>) target_semaphore(%arg30 : memref<!tpu.dma_semaphore, #tpu.memory_space<semaphore_mem>>)
    %dma_start3A_250 = arith.constant 0 : i32
    %dma_start3A_251 = arith.constant 4 : i32
    %dma_start3A_252 = arith.constant 0 : i32
    %dma_start3A_253 = arith.constant 0 : i32
    %dma_start3A_254 = tpu.memref_slice %arg21[%dma_start3A_250, %dma_start3A_251, %dma_start3A_252, %dma_start3A_253] : memref<2x8x8x128xf32, #tpu.memory_space<vmem>> -> memref<1x2x8x128xf32, #tpu.memory_space<vmem>>
    %dma_start3A_255 = tpu.memref_squeeze %dma_start3A_254 : memref<1x2x8x128xf32, #tpu.memory_space<vmem>> -> memref<2x8x128xf32, #tpu.memory_space<vmem>>
    %dma_start3A_256 = arith.constant 0 : i32
    %dma_start3A_257 = arith.constant 0 : i32
    %dma_start3A_258 = tpu.memref_slice %arg7[%dma_start3A_256, %dma_start3A_257, %multiple_of3A_209] : memref<2x8x1000000xf32, #tpu.memory_space<hbm>> -> memref<2x8x128xf32, #tpu.memory_space<hbm>>
    %dma_start3A_259 = arith.constant 4 : i32
    %dma_start3A_260 = arith.constant 0 : i32
    %dma_start3A_261 = arith.constant 0 : i32
    %dma_start3A_262 = tpu.memref_slice %arg21[%dma_start3A_250, %dma_start3A_259, %dma_start3A_260, %dma_start3A_261] : memref<2x8x8x128xf32, #tpu.memory_space<vmem>> -> memref<1x2x8x128xf32, #tpu.memory_space<vmem>>
    %dma_start3A_263 = tpu.memref_squeeze %dma_start3A_262 : memref<1x2x8x128xf32, #tpu.memory_space<vmem>> -> memref<2x8x128xf32, #tpu.memory_space<vmem>>
    %dma_start3A_264 = arith.constant 0 : i32
    %dma_start3A_265 = arith.constant 0 : i32
    %dma_start3A_266 = tpu.memref_slice %arg7[%dma_start3A_264, %dma_start3A_265, %multiple_of3A_209] : memref<2x8x1000000xf32, #tpu.memory_space<hbm>> -> memref<2x8x128xf32, #tpu.memory_space<hbm>>
    tpu.enqueue_dma source(%dma_start3A_266 : memref<2x8x128xf32, #tpu.memory_space<hbm>>) target(%dma_start3A_263 : memref<2x8x128xf32, #tpu.memory_space<vmem>>) target_semaphore(%arg31 : memref<!tpu.dma_semaphore, #tpu.memory_space<semaphore_mem>>)
    %dma_start3A_267 = arith.constant 0 : i32
    %dma_start3A_268 = arith.constant 4 : i32
    %dma_start3A_269 = arith.constant 0 : i32
    %dma_start3A_270 = arith.constant 0 : i32
    %dma_start3A_271 = tpu.memref_slice %arg22[%dma_start3A_267, %dma_start3A_268, %dma_start3A_269, %dma_start3A_270] : memref<2x8x8x128xf32, #tpu.memory_space<vmem>> -> memref<1x2x8x128xf32, #tpu.memory_space<vmem>>
    %dma_start3A_272 = tpu.memref_squeeze %dma_start3A_271 : memref<1x2x8x128xf32, #tpu.memory_space<vmem>> -> memref<2x8x128xf32, #tpu.memory_space<vmem>>
    %dma_start3A_273 = arith.constant 0 : i32
    %dma_start3A_274 = arith.constant 0 : i32
    %dma_start3A_275 = tpu.memref_slice %arg8[%dma_start3A_273, %dma_start3A_274, %multiple_of3A_212] : memref<2x8x1000000xf32, #tpu.memory_space<hbm>> -> memref<2x8x128xf32, #tpu.memory_space<hbm>>
    %dma_start3A_276 = arith.constant 4 : i32
    %dma_start3A_277 = arith.constant 0 : i32
    %dma_start3A_278 = arith.constant 0 : i32
    %dma_start3A_279 = tpu.memref_slice %arg22[%dma_start3A_267, %dma_start3A_276, %dma_start3A_277, %dma_start3A_278] : memref<2x8x8x128xf32, #tpu.memory_space<vmem>> -> memref<1x2x8x128xf32, #tpu.memory_space<vmem>>
    %dma_start3A_280 = tpu.memref_squeeze %dma_start3A_279 : memref<1x2x8x128xf32, #tpu.memory_space<vmem>> -> memref<2x8x128xf32, #tpu.memory_space<vmem>>
    %dma_start3A_281 = arith.constant 0 : i32
    %dma_start3A_282 = arith.constant 0 : i32
    %dma_start3A_283 = tpu.memref_slice %arg8[%dma_start3A_281, %dma_start3A_282, %multiple_of3A_212] : memref<2x8x1000000xf32, #tpu.memory_space<hbm>> -> memref<2x8x128xf32, #tpu.memory_space<hbm>>
    tpu.enqueue_dma source(%dma_start3A_283 : memref<2x8x128xf32, #tpu.memory_space<hbm>>) target(%dma_start3A_280 : memref<2x8x128xf32, #tpu.memory_space<vmem>>) target_semaphore(%arg32 : memref<!tpu.dma_semaphore, #tpu.memory_space<semaphore_mem>>)
    %dma_start3A_284 = arith.constant 0 : i32
    %dma_start3A_285 = arith.constant 8 : i32
    %dma_start3A_286 = arith.constant 0 : i32
    %dma_start3A_287 = arith.constant 0 : i32
    %dma_start3A_288 = tpu.memref_slice %arg23[%dma_start3A_284, %dma_start3A_285, %dma_start3A_286, %dma_start3A_287] : memref<2x16x8x128xf32, #tpu.memory_space<vmem>> -> memref<1x4x8x128xf32, #tpu.memory_space<vmem>>
    %dma_start3A_289 = tpu.memref_squeeze %dma_start3A_288 : memref<1x4x8x128xf32, #tpu.memory_space<vmem>> -> memref<4x8x128xf32, #tpu.memory_space<vmem>>
    %dma_start3A_290 = arith.constant 0 : i32
    %dma_start3A_291 = arith.constant 0 : i32
    %dma_start3A_292 = tpu.memref_slice %arg9[%dma_start3A_290, %dma_start3A_291, %multiple_of3A_215] : memref<4x8x1000000xf32, #tpu.memory_space<hbm>> -> memref<4x8x128xf32, #tpu.memory_space<hbm>>
    %dma_start3A_293 = arith.constant 8 : i32
    %dma_start3A_294 = arith.constant 0 : i32
    %dma_start3A_295 = arith.constant 0 : i32
    %dma_start3A_296 = tpu.memref_slice %arg23[%dma_start3A_284, %dma_start3A_293, %dma_start3A_294, %dma_start3A_295] : memref<2x16x8x128xf32, #tpu.memory_space<vmem>> -> memref<1x4x8x128xf32, #tpu.memory_space<vmem>>
    %dma_start3A_297 = tpu.memref_squeeze %dma_start3A_296 : memref<1x4x8x128xf32, #tpu.memory_space<vmem>> -> memref<4x8x128xf32, #tpu.memory_space<vmem>>
    %dma_start3A_298 = arith.constant 0 : i32
    %dma_start3A_299 = arith.constant 0 : i32
    %dma_start3A_300 = tpu.memref_slice %arg9[%dma_start3A_298, %dma_start3A_299, %multiple_of3A_215] : memref<4x8x1000000xf32, #tpu.memory_space<hbm>> -> memref<4x8x128xf32, #tpu.memory_space<hbm>>
    tpu.enqueue_dma source(%dma_start3A_300 : memref<4x8x128xf32, #tpu.memory_space<hbm>>) target(%dma_start3A_297 : memref<4x8x128xf32, #tpu.memory_space<vmem>>) target_semaphore(%arg33 : memref<!tpu.dma_semaphore, #tpu.memory_space<semaphore_mem>>)
    %slice3A_301 = vector.extract_strided_slice %and3A_16 {offsets = [3], sizes = [1], strides = [1]} : vector<16xi32> to vector<1xi32>
    %squeeze3A_302 = vector.extract %slice3A_301[0] : i32 from vector<1xi32>
    %multiple_of3A_303 = tpu.assume_multiple %squeeze3A_302, 128 : i32
    %slice3A_304 = vector.extract_strided_slice %and3A_19 {offsets = [3], sizes = [1], strides = [1]} : vector<16xi32> to vector<1xi32>
    %squeeze3A_305 = vector.extract %slice3A_304[0] : i32 from vector<1xi32>
    %multiple_of3A_306 = tpu.assume_multiple %squeeze3A_305, 128 : i32
    %slice3A_307 = vector.extract_strided_slice %and3A_22 {offsets = [3], sizes = [1], strides = [1]} : vector<16xi32> to vector<1xi32>
    %squeeze3A_308 = vector.extract %slice3A_307[0] : i32 from vector<1xi32>
    %multiple_of3A_309 = tpu.assume_multiple %squeeze3A_308, 128 : i32
    %dma_start3A_310 = arith.constant 0 : i32
    %dma_start3A_311 = arith.constant 0 : i32
    %dma_start3A_312 = arith.constant 3 : i32
    %dma_start3A_313 = arith.constant 0 : i32
    %dma_start3A_314 = arith.constant 0 : i32
    %dma_start3A_315 = tpu.memref_slice %arg19[%dma_start3A_311, %dma_start3A_312, %dma_start3A_313, %dma_start3A_314] : memref<2x4x8x128xf32, #tpu.memory_space<vmem>> -> memref<1x1x8x128xf32, #tpu.memory_space<vmem>>
    %dma_start3A_316 = tpu.memref_squeeze %dma_start3A_315 : memref<1x1x8x128xf32, #tpu.memory_space<vmem>> -> memref<8x128xf32, #tpu.memory_space<vmem>>
    %dma_start3A_317 = arith.constant 0 : i32
    %dma_start3A_318 = tpu.memref_slice %arg5[%dma_start3A_310, %dma_start3A_317, %multiple_of3A_303] : memref<1x8x1000000xf32, #tpu.memory_space<hbm>> -> memref<1x8x128xf32, #tpu.memory_space<hbm>>
    %dma_start3A_319 = tpu.memref_squeeze %dma_start3A_318 : memref<1x8x128xf32, #tpu.memory_space<hbm>> -> memref<8x128xf32, #tpu.memory_space<hbm>>
    %dma_start3A_320 = arith.constant 0 : i32
    %dma_start3A_321 = arith.constant 0 : i32
    %dma_start3A_322 = tpu.memref_slice %arg19[%dma_start3A_311, %dma_start3A_312, %dma_start3A_320, %dma_start3A_321] : memref<2x4x8x128xf32, #tpu.memory_space<vmem>> -> memref<1x1x8x128xf32, #tpu.memory_space<vmem>>
    %dma_start3A_323 = tpu.memref_squeeze %dma_start3A_322 : memref<1x1x8x128xf32, #tpu.memory_space<vmem>> -> memref<8x128xf32, #tpu.memory_space<vmem>>
    %dma_start3A_324 = arith.constant 0 : i32
    %dma_start3A_325 = tpu.memref_slice %arg5[%dma_start3A_310, %dma_start3A_324, %multiple_of3A_303] : memref<1x8x1000000xf32, #tpu.memory_space<hbm>> -> memref<1x8x128xf32, #tpu.memory_space<hbm>>
    %dma_start3A_326 = tpu.memref_squeeze %dma_start3A_325 : memref<1x8x128xf32, #tpu.memory_space<hbm>> -> memref<8x128xf32, #tpu.memory_space<hbm>>
    tpu.enqueue_dma source(%dma_start3A_326 : memref<8x128xf32, #tpu.memory_space<hbm>>) target(%dma_start3A_323 : memref<8x128xf32, #tpu.memory_space<vmem>>) target_semaphore(%arg29 : memref<!tpu.dma_semaphore, #tpu.memory_space<semaphore_mem>>)
    %dma_start3A_327 = arith.constant 0 : i32
    %dma_start3A_328 = arith.constant 0 : i32
    %dma_start3A_329 = arith.constant 3 : i32
    %dma_start3A_330 = arith.constant 0 : i32
    %dma_start3A_331 = arith.constant 0 : i32
    %dma_start3A_332 = tpu.memref_slice %arg20[%dma_start3A_328, %dma_start3A_329, %dma_start3A_330, %dma_start3A_331] : memref<2x4x8x128xf32, #tpu.memory_space<vmem>> -> memref<1x1x8x128xf32, #tpu.memory_space<vmem>>
    %dma_start3A_333 = tpu.memref_squeeze %dma_start3A_332 : memref<1x1x8x128xf32, #tpu.memory_space<vmem>> -> memref<8x128xf32, #tpu.memory_space<vmem>>
    %dma_start3A_334 = arith.constant 0 : i32
    %dma_start3A_335 = tpu.memref_slice %arg6[%dma_start3A_327, %dma_start3A_334, %multiple_of3A_306] : memref<1x8x1000000xf32, #tpu.memory_space<hbm>> -> memref<1x8x128xf32, #tpu.memory_space<hbm>>
    %dma_start3A_336 = tpu.memref_squeeze %dma_start3A_335 : memref<1x8x128xf32, #tpu.memory_space<hbm>> -> memref<8x128xf32, #tpu.memory_space<hbm>>
    %dma_start3A_337 = arith.constant 0 : i32
    %dma_start3A_338 = arith.constant 0 : i32
    %dma_start3A_339 = tpu.memref_slice %arg20[%dma_start3A_328, %dma_start3A_329, %dma_start3A_337, %dma_start3A_338] : memref<2x4x8x128xf32, #tpu.memory_space<vmem>> -> memref<1x1x8x128xf32, #tpu.memory_space<vmem>>
    %dma_start3A_340 = tpu.memref_squeeze %dma_start3A_339 : memref<1x1x8x128xf32, #tpu.memory_space<vmem>> -> memref<8x128xf32, #tpu.memory_space<vmem>>
    %dma_start3A_341 = arith.constant 0 : i32
    %dma_start3A_342 = tpu.memref_slice %arg6[%dma_start3A_327, %dma_start3A_341, %multiple_of3A_306] : memref<1x8x1000000xf32, #tpu.memory_space<hbm>> -> memref<1x8x128xf32, #tpu.memory_space<hbm>>
    %dma_start3A_343 = tpu.memref_squeeze %dma_start3A_342 : memref<1x8x128xf32, #tpu.memory_space<hbm>> -> memref<8x128xf32, #tpu.memory_space<hbm>>
    tpu.enqueue_dma source(%dma_start3A_343 : memref<8x128xf32, #tpu.memory_space<hbm>>) target(%dma_start3A_340 : memref<8x128xf32, #tpu.memory_space<vmem>>) target_semaphore(%arg30 : memref<!tpu.dma_semaphore, #tpu.memory_space<semaphore_mem>>)
    %dma_start3A_344 = arith.constant 0 : i32
    %dma_start3A_345 = arith.constant 6 : i32
    %dma_start3A_346 = arith.constant 0 : i32
    %dma_start3A_347 = arith.constant 0 : i32
    %dma_start3A_348 = tpu.memref_slice %arg21[%dma_start3A_344, %dma_start3A_345, %dma_start3A_346, %dma_start3A_347] : memref<2x8x8x128xf32, #tpu.memory_space<vmem>> -> memref<1x2x8x128xf32, #tpu.memory_space<vmem>>
    %dma_start3A_349 = tpu.memref_squeeze %dma_start3A_348 : memref<1x2x8x128xf32, #tpu.memory_space<vmem>> -> memref<2x8x128xf32, #tpu.memory_space<vmem>>
    %dma_start3A_350 = arith.constant 0 : i32
    %dma_start3A_351 = arith.constant 0 : i32
    %dma_start3A_352 = tpu.memref_slice %arg7[%dma_start3A_350, %dma_start3A_351, %multiple_of3A_303] : memref<2x8x1000000xf32, #tpu.memory_space<hbm>> -> memref<2x8x128xf32, #tpu.memory_space<hbm>>
    %dma_start3A_353 = arith.constant 6 : i32
    %dma_start3A_354 = arith.constant 0 : i32
    %dma_start3A_355 = arith.constant 0 : i32
    %dma_start3A_356 = tpu.memref_slice %arg21[%dma_start3A_344, %dma_start3A_353, %dma_start3A_354, %dma_start3A_355] : memref<2x8x8x128xf32, #tpu.memory_space<vmem>> -> memref<1x2x8x128xf32, #tpu.memory_space<vmem>>
    %dma_start3A_357 = tpu.memref_squeeze %dma_start3A_356 : memref<1x2x8x128xf32, #tpu.memory_space<vmem>> -> memref<2x8x128xf32, #tpu.memory_space<vmem>>
    %dma_start3A_358 = arith.constant 0 : i32
    %dma_start3A_359 = arith.constant 0 : i32
    %dma_start3A_360 = tpu.memref_slice %arg7[%dma_start3A_358, %dma_start3A_359, %multiple_of3A_303] : memref<2x8x1000000xf32, #tpu.memory_space<hbm>> -> memref<2x8x128xf32, #tpu.memory_space<hbm>>
    tpu.enqueue_dma source(%dma_start3A_360 : memref<2x8x128xf32, #tpu.memory_space<hbm>>) target(%dma_start3A_357 : memref<2x8x128xf32, #tpu.memory_space<vmem>>) target_semaphore(%arg31 : memref<!tpu.dma_semaphore, #tpu.memory_space<semaphore_mem>>)
    %dma_start3A_361 = arith.constant 0 : i32
    %dma_start3A_362 = arith.constant 6 : i32
    %dma_start3A_363 = arith.constant 0 : i32
    %dma_start3A_364 = arith.constant 0 : i32
    %dma_start3A_365 = tpu.memref_slice %arg22[%dma_start3A_361, %dma_start3A_362, %dma_start3A_363, %dma_start3A_364] : memref<2x8x8x128xf32, #tpu.memory_space<vmem>> -> memref<1x2x8x128xf32, #tpu.memory_space<vmem>>
    %dma_start3A_366 = tpu.memref_squeeze %dma_start3A_365 : memref<1x2x8x128xf32, #tpu.memory_space<vmem>> -> memref<2x8x128xf32, #tpu.memory_space<vmem>>
    %dma_start3A_367 = arith.constant 0 : i32
    %dma_start3A_368 = arith.constant 0 : i32
    %dma_start3A_369 = tpu.memref_slice %arg8[%dma_start3A_367, %dma_start3A_368, %multiple_of3A_306] : memref<2x8x1000000xf32, #tpu.memory_space<hbm>> -> memref<2x8x128xf32, #tpu.memory_space<hbm>>
    %dma_start3A_370 = arith.constant 6 : i32
    %dma_start3A_371 = arith.constant 0 : i32
    %dma_start3A_372 = arith.constant 0 : i32
    %dma_start3A_373 = tpu.memref_slice %arg22[%dma_start3A_361, %dma_start3A_370, %dma_start3A_371, %dma_start3A_372] : memref<2x8x8x128xf32, #tpu.memory_space<vmem>> -> memref<1x2x8x128xf32, #tpu.memory_space<vmem>>
    %dma_start3A_374 = tpu.memref_squeeze %dma_start3A_373 : memref<1x2x8x128xf32, #tpu.memory_space<vmem>> -> memref<2x8x128xf32, #tpu.memory_space<vmem>>
    %dma_start3A_375 = arith.constant 0 : i32
    %dma_start3A_376 = arith.constant 0 : i32
    %dma_start3A_377 = tpu.memref_slice %arg8[%dma_start3A_375, %dma_start3A_376, %multiple_of3A_306] : memref<2x8x1000000xf32, #tpu.memory_space<hbm>> -> memref<2x8x128xf32, #tpu.memory_space<hbm>>
    tpu.enqueue_dma source(%dma_start3A_377 : memref<2x8x128xf32, #tpu.memory_space<hbm>>) target(%dma_start3A_374 : memref<2x8x128xf32, #tpu.memory_space<vmem>>) target_semaphore(%arg32 : memref<!tpu.dma_semaphore, #tpu.memory_space<semaphore_mem>>)
    %dma_start3A_378 = arith.constant 0 : i32
    %dma_start3A_379 = arith.constant 12 : i32
    %dma_start3A_380 = arith.constant 0 : i32
    %dma_start3A_381 = arith.constant 0 : i32
    %dma_start3A_382 = tpu.memref_slice %arg23[%dma_start3A_378, %dma_start3A_379, %dma_start3A_380, %dma_start3A_381] : memref<2x16x8x128xf32, #tpu.memory_space<vmem>> -> memref<1x4x8x128xf32, #tpu.memory_space<vmem>>
    %dma_start3A_383 = tpu.memref_squeeze %dma_start3A_382 : memref<1x4x8x128xf32, #tpu.memory_space<vmem>> -> memref<4x8x128xf32, #tpu.memory_space<vmem>>
    %dma_start3A_384 = arith.constant 0 : i32
    %dma_start3A_385 = arith.constant 0 : i32
    %dma_start3A_386 = tpu.memref_slice %arg9[%dma_start3A_384, %dma_start3A_385, %multiple_of3A_309] : memref<4x8x1000000xf32, #tpu.memory_space<hbm>> -> memref<4x8x128xf32, #tpu.memory_space<hbm>>
    %dma_start3A_387 = arith.constant 12 : i32
    %dma_start3A_388 = arith.constant 0 : i32
    %dma_start3A_389 = arith.constant 0 : i32
    %dma_start3A_390 = tpu.memref_slice %arg23[%dma_start3A_378, %dma_start3A_387, %dma_start3A_388, %dma_start3A_389] : memref<2x16x8x128xf32, #tpu.memory_space<vmem>> -> memref<1x4x8x128xf32, #tpu.memory_space<vmem>>
    %dma_start3A_391 = tpu.memref_squeeze %dma_start3A_390 : memref<1x4x8x128xf32, #tpu.memory_space<vmem>> -> memref<4x8x128xf32, #tpu.memory_space<vmem>>
    %dma_start3A_392 = arith.constant 0 : i32
    %dma_start3A_393 = arith.constant 0 : i32
    %dma_start3A_394 = tpu.memref_slice %arg9[%dma_start3A_392, %dma_start3A_393, %multiple_of3A_309] : memref<4x8x1000000xf32, #tpu.memory_space<hbm>> -> memref<4x8x128xf32, #tpu.memory_space<hbm>>
    tpu.enqueue_dma source(%dma_start3A_394 : memref<4x8x128xf32, #tpu.memory_space<hbm>>) target(%dma_start3A_391 : memref<4x8x128xf32, #tpu.memory_space<vmem>>) target_semaphore(%arg33 : memref<!tpu.dma_semaphore, #tpu.memory_space<semaphore_mem>>)
    %scan3A = arith.constant 0 : i32
    %scan3A_395 = arith.constant 0 : i32
    %scan3A_396 = arith.constant 64 : i32
    %scan3A_397 = arith.addi %scan3A_395, %scan3A_396 : i32
    %scan3A_398 = arith.constant 1 : i32
    %scan3A_399 = scf.for %scan3A_495 = %scan3A_395 to %scan3A_397 step %scan3A_398 iter_args(%scan3A_496 = %scan3A) -> (i32)  : i32 {
      %mul3A_497 = arith.constant 2 : i32
      %mul3A_498 = arith.muli %mul3A_497, %scan3A_495 : i32
      %add3A_499 = arith.constant 1 : i32
      %add3A_500 = arith.addi %mul3A_498, %add3A_499 : i32
      %mul3A_501 = arith.constant 4 : i32
      %mul3A_502 = arith.muli %add3A_500, %mul3A_501 : i32
      %get3A_503 = arith.index_cast %mul3A_502 : i32 to index
      %get3A_504 = tpu.vector_load %arg16[%get3A_503] {strides = array<i32>} : memref<528xi32, #tpu.memory_space<vmem>>, vector<16xi32>,
      %mul3A_505 = arith.constant 4 : i32
      %mul3A_506 = arith.muli %add3A_500, %mul3A_505 : i32
      %get3A_507 = arith.index_cast %mul3A_506 : i32 to index
      %get3A_508 = tpu.vector_load %arg17[%get3A_507] {strides = array<i32>} : memref<528xi32, #tpu.memory_space<vmem>>, vector<16xi32>,
      %mul3A_509 = arith.constant 4 : i32
      %mul3A_510 = arith.muli %add3A_500, %mul3A_509 : i32
      %get3A_511 = arith.index_cast %mul3A_510 : i32 to index
      %get3A_512 = tpu.vector_load %arg18[%get3A_511] {strides = array<i32>} : memref<528xi32, #tpu.memory_space<vmem>>, vector<16xi32>,
      %and3A_513 = arith.constant -128 : i32
      %and3A_514 = vector.broadcast %and3A_513 : i32 to vector<16xi32>
      %and3A_515 = arith.andi %get3A_504, %and3A_514 : vector<16xi32>
      %and3A_516 = arith.constant -128 : i32
      %and3A_517 = vector.broadcast %and3A_516 : i32 to vector<16xi32>
      %and3A_518 = arith.andi %get3A_508, %and3A_517 : vector<16xi32>
      %and3A_519 = arith.constant -128 : i32
      %and3A_520 = vector.broadcast %and3A_519 : i32 to vector<16xi32>
      %and3A_521 = arith.andi %get3A_512, %and3A_520 : vector<16xi32>
      %slice3A_522 = vector.extract_strided_slice %and3A_515 {offsets = [0], sizes = [1], strides = [1]} : vector<16xi32> to vector<1xi32>
      %squeeze3A_523 = vector.extract %slice3A_522[0] : i32 from vector<1xi32>
      %multiple_of3A_524 = tpu.assume_multiple %squeeze3A_523, 128 : i32
      %slice3A_525 = vector.extract_strided_slice %and3A_518 {offsets = [0], sizes = [1], strides = [1]} : vector<16xi32> to vector<1xi32>
      %squeeze3A_526 = vector.extract %slice3A_525[0] : i32 from vector<1xi32>
      %multiple_of3A_527 = tpu.assume_multiple %squeeze3A_526, 128 : i32
      %slice3A_528 = vector.extract_strided_slice %and3A_521 {offsets = [0], sizes = [1], strides = [1]} : vector<16xi32> to vector<1xi32>
      %squeeze3A_529 = vector.extract %slice3A_528[0] : i32 from vector<1xi32>
      %multiple_of3A_530 = tpu.assume_multiple %squeeze3A_529, 128 : i32
      %dma_start3A_531 = arith.constant 0 : i32
      %dma_start3A_532 = arith.constant 1 : i32
      %dma_start3A_533 = arith.constant 0 : i32
      %dma_start3A_534 = arith.constant 0 : i32
      %dma_start3A_535 = arith.constant 0 : i32
      %dma_start3A_536 = tpu.memref_slice %arg19[%dma_start3A_532, %dma_start3A_533, %dma_start3A_534, %dma_start3A_535] : memref<2x4x8x128xf32, #tpu.memory_space<vmem>> -> memref<1x1x8x128xf32, #tpu.memory_space<vmem>>
      %dma_start3A_537 = tpu.memref_squeeze %dma_start3A_536 : memref<1x1x8x128xf32, #tpu.memory_space<vmem>> -> memref<8x128xf32, #tpu.memory_space<vmem>>
      %dma_start3A_538 = arith.constant 0 : i32
      %dma_start3A_539 = tpu.memref_slice %arg5[%dma_start3A_531, %dma_start3A_538, %multiple_of3A_524] : memref<1x8x1000000xf32, #tpu.memory_space<hbm>> -> memref<1x8x128xf32, #tpu.memory_space<hbm>>
      %dma_start3A_540 = tpu.memref_squeeze %dma_start3A_539 : memref<1x8x128xf32, #tpu.memory_space<hbm>> -> memref<8x128xf32, #tpu.memory_space<hbm>>
      %dma_start3A_541 = arith.constant 0 : i32
      %dma_start3A_542 = arith.constant 0 : i32
      %dma_start3A_543 = tpu.memref_slice %arg19[%dma_start3A_532, %dma_start3A_533, %dma_start3A_541, %dma_start3A_542] : memref<2x4x8x128xf32, #tpu.memory_space<vmem>> -> memref<1x1x8x128xf32, #tpu.memory_space<vmem>>
      %dma_start3A_544 = tpu.memref_squeeze %dma_start3A_543 : memref<1x1x8x128xf32, #tpu.memory_space<vmem>> -> memref<8x128xf32, #tpu.memory_space<vmem>>
      %dma_start3A_545 = arith.constant 0 : i32
      %dma_start3A_546 = tpu.memref_slice %arg5[%dma_start3A_531, %dma_start3A_545, %multiple_of3A_524] : memref<1x8x1000000xf32, #tpu.memory_space<hbm>> -> memref<1x8x128xf32, #tpu.memory_space<hbm>>
      %dma_start3A_547 = tpu.memref_squeeze %dma_start3A_546 : memref<1x8x128xf32, #tpu.memory_space<hbm>> -> memref<8x128xf32, #tpu.memory_space<hbm>>
      tpu.enqueue_dma source(%dma_start3A_547 : memref<8x128xf32, #tpu.memory_space<hbm>>) target(%dma_start3A_544 : memref<8x128xf32, #tpu.memory_space<vmem>>) target_semaphore(%arg34 : memref<!tpu.dma_semaphore, #tpu.memory_space<semaphore_mem>>)
      %dma_start3A_548 = arith.constant 0 : i32
      %dma_start3A_549 = arith.constant 1 : i32
      %dma_start3A_550 = arith.constant 0 : i32
      %dma_start3A_551 = arith.constant 0 : i32
      %dma_start3A_552 = arith.constant 0 : i32
      %dma_start3A_553 = tpu.memref_slice %arg20[%dma_start3A_549, %dma_start3A_550, %dma_start3A_551, %dma_start3A_552] : memref<2x4x8x128xf32, #tpu.memory_space<vmem>> -> memref<1x1x8x128xf32, #tpu.memory_space<vmem>>
      %dma_start3A_554 = tpu.memref_squeeze %dma_start3A_553 : memref<1x1x8x128xf32, #tpu.memory_space<vmem>> -> memref<8x128xf32, #tpu.memory_space<vmem>>
      %dma_start3A_555 = arith.constant 0 : i32
      %dma_start3A_556 = tpu.memref_slice %arg6[%dma_start3A_548, %dma_start3A_555, %multiple_of3A_527] : memref<1x8x1000000xf32, #tpu.memory_space<hbm>> -> memref<1x8x128xf32, #tpu.memory_space<hbm>>
      %dma_start3A_557 = tpu.memref_squeeze %dma_start3A_556 : memref<1x8x128xf32, #tpu.memory_space<hbm>> -> memref<8x128xf32, #tpu.memory_space<hbm>>
      %dma_start3A_558 = arith.constant 0 : i32
      %dma_start3A_559 = arith.constant 0 : i32
      %dma_start3A_560 = tpu.memref_slice %arg20[%dma_start3A_549, %dma_start3A_550, %dma_start3A_558, %dma_start3A_559] : memref<2x4x8x128xf32, #tpu.memory_space<vmem>> -> memref<1x1x8x128xf32, #tpu.memory_space<vmem>>
      %dma_start3A_561 = tpu.memref_squeeze %dma_start3A_560 : memref<1x1x8x128xf32, #tpu.memory_space<vmem>> -> memref<8x128xf32, #tpu.memory_space<vmem>>
      %dma_start3A_562 = arith.constant 0 : i32
      %dma_start3A_563 = tpu.memref_slice %arg6[%dma_start3A_548, %dma_start3A_562, %multiple_of3A_527] : memref<1x8x1000000xf32, #tpu.memory_space<hbm>> -> memref<1x8x128xf32, #tpu.memory_space<hbm>>
      %dma_start3A_564 = tpu.memref_squeeze %dma_start3A_563 : memref<1x8x128xf32, #tpu.memory_space<hbm>> -> memref<8x128xf32, #tpu.memory_space<hbm>>
      tpu.enqueue_dma source(%dma_start3A_564 : memref<8x128xf32, #tpu.memory_space<hbm>>) target(%dma_start3A_561 : memref<8x128xf32, #tpu.memory_space<vmem>>) target_semaphore(%arg35 : memref<!tpu.dma_semaphore, #tpu.memory_space<semaphore_mem>>)
      %dma_start3A_565 = arith.constant 1 : i32
      %dma_start3A_566 = arith.constant 0 : i32
      %dma_start3A_567 = arith.constant 0 : i32
      %dma_start3A_568 = arith.constant 0 : i32
      %dma_start3A_569 = tpu.memref_slice %arg21[%dma_start3A_565, %dma_start3A_566, %dma_start3A_567, %dma_start3A_568] : memref<2x8x8x128xf32, #tpu.memory_space<vmem>> -> memref<1x2x8x128xf32, #tpu.memory_space<vmem>>
      %dma_start3A_570 = tpu.memref_squeeze %dma_start3A_569 : memref<1x2x8x128xf32, #tpu.memory_space<vmem>> -> memref<2x8x128xf32, #tpu.memory_space<vmem>>
      %dma_start3A_571 = arith.constant 0 : i32
      %dma_start3A_572 = arith.constant 0 : i32
      %dma_start3A_573 = tpu.memref_slice %arg7[%dma_start3A_571, %dma_start3A_572, %multiple_of3A_524] : memref<2x8x1000000xf32, #tpu.memory_space<hbm>> -> memref<2x8x128xf32, #tpu.memory_space<hbm>>
      %dma_start3A_574 = arith.constant 0 : i32
      %dma_start3A_575 = arith.constant 0 : i32
      %dma_start3A_576 = arith.constant 0 : i32
      %dma_start3A_577 = tpu.memref_slice %arg21[%dma_start3A_565, %dma_start3A_574, %dma_start3A_575, %dma_start3A_576] : memref<2x8x8x128xf32, #tpu.memory_space<vmem>> -> memref<1x2x8x128xf32, #tpu.memory_space<vmem>>
      %dma_start3A_578 = tpu.memref_squeeze %dma_start3A_577 : memref<1x2x8x128xf32, #tpu.memory_space<vmem>> -> memref<2x8x128xf32, #tpu.memory_space<vmem>>
      %dma_start3A_579 = arith.constant 0 : i32
      %dma_start3A_580 = arith.constant 0 : i32
      %dma_start3A_581 = tpu.memref_slice %arg7[%dma_start3A_579, %dma_start3A_580, %multiple_of3A_524] : memref<2x8x1000000xf32, #tpu.memory_space<hbm>> -> memref<2x8x128xf32, #tpu.memory_space<hbm>>
      tpu.enqueue_dma source(%dma_start3A_581 : memref<2x8x128xf32, #tpu.memory_space<hbm>>) target(%dma_start3A_578 : memref<2x8x128xf32, #tpu.memory_space<vmem>>) target_semaphore(%arg36 : memref<!tpu.dma_semaphore, #tpu.memory_space<semaphore_mem>>)
      %dma_start3A_582 = arith.constant 1 : i32
      %dma_start3A_583 = arith.constant 0 : i32
      %dma_start3A_584 = arith.constant 0 : i32
      %dma_start3A_585 = arith.constant 0 : i32
      %dma_start3A_586 = tpu.memref_slice %arg22[%dma_start3A_582, %dma_start3A_583, %dma_start3A_584, %dma_start3A_585] : memref<2x8x8x128xf32, #tpu.memory_space<vmem>> -> memref<1x2x8x128xf32, #tpu.memory_space<vmem>>
      %dma_start3A_587 = tpu.memref_squeeze %dma_start3A_586 : memref<1x2x8x128xf32, #tpu.memory_space<vmem>> -> memref<2x8x128xf32, #tpu.memory_space<vmem>>
      %dma_start3A_588 = arith.constant 0 : i32
      %dma_start3A_589 = arith.constant 0 : i32
      %dma_start3A_590 = tpu.memref_slice %arg8[%dma_start3A_588, %dma_start3A_589, %multiple_of3A_527] : memref<2x8x1000000xf32, #tpu.memory_space<hbm>> -> memref<2x8x128xf32, #tpu.memory_space<hbm>>
      %dma_start3A_591 = arith.constant 0 : i32
      %dma_start3A_592 = arith.constant 0 : i32
      %dma_start3A_593 = arith.constant 0 : i32
      %dma_start3A_594 = tpu.memref_slice %arg22[%dma_start3A_582, %dma_start3A_591, %dma_start3A_592, %dma_start3A_593] : memref<2x8x8x128xf32, #tpu.memory_space<vmem>> -> memref<1x2x8x128xf32, #tpu.memory_space<vmem>>
      %dma_start3A_595 = tpu.memref_squeeze %dma_start3A_594 : memref<1x2x8x128xf32, #tpu.memory_space<vmem>> -> memref<2x8x128xf32, #tpu.memory_space<vmem>>
      %dma_start3A_596 = arith.constant 0 : i32
      %dma_start3A_597 = arith.constant 0 : i32
      %dma_start3A_598 = tpu.memref_slice %arg8[%dma_start3A_596, %dma_start3A_597, %multiple_of3A_527] : memref<2x8x1000000xf32, #tpu.memory_space<hbm>> -> memref<2x8x128xf32, #tpu.memory_space<hbm>>
      tpu.enqueue_dma source(%dma_start3A_598 : memref<2x8x128xf32, #tpu.memory_space<hbm>>) target(%dma_start3A_595 : memref<2x8x128xf32, #tpu.memory_space<vmem>>) target_semaphore(%arg37 : memref<!tpu.dma_semaphore, #tpu.memory_space<semaphore_mem>>)
      %dma_start3A_599 = arith.constant 1 : i32
      %dma_start3A_600 = arith.constant 0 : i32
      %dma_start3A_601 = arith.constant 0 : i32
      %dma_start3A_602 = arith.constant 0 : i32
      %dma_start3A_603 = tpu.memref_slice %arg23[%dma_start3A_599, %dma_start3A_600, %dma_start3A_601, %dma_start3A_602] : memref<2x16x8x128xf32, #tpu.memory_space<vmem>> -> memref<1x4x8x128xf32, #tpu.memory_space<vmem>>
      %dma_start3A_604 = tpu.memref_squeeze %dma_start3A_603 : memref<1x4x8x128xf32, #tpu.memory_space<vmem>> -> memref<4x8x128xf32, #tpu.memory_space<vmem>>
      %dma_start3A_605 = arith.constant 0 : i32
      %dma_start3A_606 = arith.constant 0 : i32
      %dma_start3A_607 = tpu.memref_slice %arg9[%dma_start3A_605, %dma_start3A_606, %multiple_of3A_530] : memref<4x8x1000000xf32, #tpu.memory_space<hbm>> -> memref<4x8x128xf32, #tpu.memory_space<hbm>>
      %dma_start3A_608 = arith.constant 0 : i32
      %dma_start3A_609 = arith.constant 0 : i32
      %dma_start3A_610 = arith.constant 0 : i32
      %dma_start3A_611 = tpu.memref_slice %arg23[%dma_start3A_599, %dma_start3A_608, %dma_start3A_609, %dma_start3A_610] : memref<2x16x8x128xf32, #tpu.memory_space<vmem>> -> memref<1x4x8x128xf32, #tpu.memory_space<vmem>>
      %dma_start3A_612 = tpu.memref_squeeze %dma_start3A_611 : memref<1x4x8x128xf32, #tpu.memory_space<vmem>> -> memref<4x8x128xf32, #tpu.memory_space<vmem>>
      %dma_start3A_613 = arith.constant 0 : i32
      %dma_start3A_614 = arith.constant 0 : i32
      %dma_start3A_615 = tpu.memref_slice %arg9[%dma_start3A_613, %dma_start3A_614, %multiple_of3A_530] : memref<4x8x1000000xf32, #tpu.memory_space<hbm>> -> memref<4x8x128xf32, #tpu.memory_space<hbm>>
      tpu.enqueue_dma source(%dma_start3A_615 : memref<4x8x128xf32, #tpu.memory_space<hbm>>) target(%dma_start3A_612 : memref<4x8x128xf32, #tpu.memory_space<vmem>>) target_semaphore(%arg38 : memref<!tpu.dma_semaphore, #tpu.memory_space<semaphore_mem>>)
      %slice3A_616 = vector.extract_strided_slice %and3A_515 {offsets = [1], sizes = [1], strides = [1]} : vector<16xi32> to vector<1xi32>
      %squeeze3A_617 = vector.extract %slice3A_616[0] : i32 from vector<1xi32>
      %multiple_of3A_618 = tpu.assume_multiple %squeeze3A_617, 128 : i32
      %slice3A_619 = vector.extract_strided_slice %and3A_518 {offsets = [1], sizes = [1], strides = [1]} : vector<16xi32> to vector<1xi32>
      %squeeze3A_620 = vector.extract %slice3A_619[0] : i32 from vector<1xi32>
      %multiple_of3A_621 = tpu.assume_multiple %squeeze3A_620, 128 : i32
      %slice3A_622 = vector.extract_strided_slice %and3A_521 {offsets = [1], sizes = [1], strides = [1]} : vector<16xi32> to vector<1xi32>
      %squeeze3A_623 = vector.extract %slice3A_622[0] : i32 from vector<1xi32>
      %multiple_of3A_624 = tpu.assume_multiple %squeeze3A_623, 128 : i32
      %dma_start3A_625 = arith.constant 0 : i32
      %dma_start3A_626 = arith.constant 1 : i32
      %dma_start3A_627 = arith.constant 1 : i32
      %dma_start3A_628 = arith.constant 0 : i32
      %dma_start3A_629 = arith.constant 0 : i32
      %dma_start3A_630 = tpu.memref_slice %arg19[%dma_start3A_626, %dma_start3A_627, %dma_start3A_628, %dma_start3A_629] : memref<2x4x8x128xf32, #tpu.memory_space<vmem>> -> memref<1x1x8x128xf32, #tpu.memory_space<vmem>>
      %dma_start3A_631 = tpu.memref_squeeze %dma_start3A_630 : memref<1x1x8x128xf32, #tpu.memory_space<vmem>> -> memref<8x128xf32, #tpu.memory_space<vmem>>
      %dma_start3A_632 = arith.constant 0 : i32
      %dma_start3A_633 = tpu.memref_slice %arg5[%dma_start3A_625, %dma_start3A_632, %multiple_of3A_618] : memref<1x8x1000000xf32, #tpu.memory_space<hbm>> -> memref<1x8x128xf32, #tpu.memory_space<hbm>>
      %dma_start3A_634 = tpu.memref_squeeze %dma_start3A_633 : memref<1x8x128xf32, #tpu.memory_space<hbm>> -> memref<8x128xf32, #tpu.memory_space<hbm>>
      %dma_start3A_635 = arith.constant 0 : i32
      %dma_start3A_636 = arith.constant 0 : i32
      %dma_start3A_637 = tpu.memref_slice %arg19[%dma_start3A_626, %dma_start3A_627, %dma_start3A_635, %dma_start3A_636] : memref<2x4x8x128xf32, #tpu.memory_space<vmem>> -> memref<1x1x8x128xf32, #tpu.memory_space<vmem>>
      %dma_start3A_638 = tpu.memref_squeeze %dma_start3A_637 : memref<1x1x8x128xf32, #tpu.memory_space<vmem>> -> memref<8x128xf32, #tpu.memory_space<vmem>>
      %dma_start3A_639 = arith.constant 0 : i32
      %dma_start3A_640 = tpu.memref_slice %arg5[%dma_start3A_625, %dma_start3A_639, %multiple_of3A_618] : memref<1x8x1000000xf32, #tpu.memory_space<hbm>> -> memref<1x8x128xf32, #tpu.memory_space<hbm>>
      %dma_start3A_641 = tpu.memref_squeeze %dma_start3A_640 : memref<1x8x128xf32, #tpu.memory_space<hbm>> -> memref<8x128xf32, #tpu.memory_space<hbm>>
      tpu.enqueue_dma source(%dma_start3A_641 : memref<8x128xf32, #tpu.memory_space<hbm>>) target(%dma_start3A_638 : memref<8x128xf32, #tpu.memory_space<vmem>>) target_semaphore(%arg34 : memref<!tpu.dma_semaphore, #tpu.memory_space<semaphore_mem>>)
      %dma_start3A_642 = arith.constant 0 : i32
      %dma_start3A_643 = arith.constant 1 : i32
      %dma_start3A_644 = arith.constant 1 : i32
      %dma_start3A_645 = arith.constant 0 : i32
      %dma_start3A_646 = arith.constant 0 : i32
      %dma_start3A_647 = tpu.memref_slice %arg20[%dma_start3A_643, %dma_start3A_644, %dma_start3A_645, %dma_start3A_646] : memref<2x4x8x128xf32, #tpu.memory_space<vmem>> -> memref<1x1x8x128xf32, #tpu.memory_space<vmem>>
      %dma_start3A_648 = tpu.memref_squeeze %dma_start3A_647 : memref<1x1x8x128xf32, #tpu.memory_space<vmem>> -> memref<8x128xf32, #tpu.memory_space<vmem>>
      %dma_start3A_649 = arith.constant 0 : i32
      %dma_start3A_650 = tpu.memref_slice %arg6[%dma_start3A_642, %dma_start3A_649, %multiple_of3A_621] : memref<1x8x1000000xf32, #tpu.memory_space<hbm>> -> memref<1x8x128xf32, #tpu.memory_space<hbm>>
      %dma_start3A_651 = tpu.memref_squeeze %dma_start3A_650 : memref<1x8x128xf32, #tpu.memory_space<hbm>> -> memref<8x128xf32, #tpu.memory_space<hbm>>
      %dma_start3A_652 = arith.constant 0 : i32
      %dma_start3A_653 = arith.constant 0 : i32
      %dma_start3A_654 = tpu.memref_slice %arg20[%dma_start3A_643, %dma_start3A_644, %dma_start3A_652, %dma_start3A_653] : memref<2x4x8x128xf32, #tpu.memory_space<vmem>> -> memref<1x1x8x128xf32, #tpu.memory_space<vmem>>
      %dma_start3A_655 = tpu.memref_squeeze %dma_start3A_654 : memref<1x1x8x128xf32, #tpu.memory_space<vmem>> -> memref<8x128xf32, #tpu.memory_space<vmem>>
      %dma_start3A_656 = arith.constant 0 : i32
      %dma_start3A_657 = tpu.memref_slice %arg6[%dma_start3A_642, %dma_start3A_656, %multiple_of3A_621] : memref<1x8x1000000xf32, #tpu.memory_space<hbm>> -> memref<1x8x128xf32, #tpu.memory_space<hbm>>
      %dma_start3A_658 = tpu.memref_squeeze %dma_start3A_657 : memref<1x8x128xf32, #tpu.memory_space<hbm>> -> memref<8x128xf32, #tpu.memory_space<hbm>>
      tpu.enqueue_dma source(%dma_start3A_658 : memref<8x128xf32, #tpu.memory_space<hbm>>) target(%dma_start3A_655 : memref<8x128xf32, #tpu.memory_space<vmem>>) target_semaphore(%arg35 : memref<!tpu.dma_semaphore, #tpu.memory_space<semaphore_mem>>)
      %dma_start3A_659 = arith.constant 1 : i32
      %dma_start3A_660 = arith.constant 2 : i32
      %dma_start3A_661 = arith.constant 0 : i32
      %dma_start3A_662 = arith.constant 0 : i32
      %dma_start3A_663 = tpu.memref_slice %arg21[%dma_start3A_659, %dma_start3A_660, %dma_start3A_661, %dma_start3A_662] : memref<2x8x8x128xf32, #tpu.memory_space<vmem>> -> memref<1x2x8x128xf32, #tpu.memory_space<vmem>>
      %dma_start3A_664 = tpu.memref_squeeze %dma_start3A_663 : memref<1x2x8x128xf32, #tpu.memory_space<vmem>> -> memref<2x8x128xf32, #tpu.memory_space<vmem>>
      %dma_start3A_665 = arith.constant 0 : i32
      %dma_start3A_666 = arith.constant 0 : i32
      %dma_start3A_667 = tpu.memref_slice %arg7[%dma_start3A_665, %dma_start3A_666, %multiple_of3A_618] : memref<2x8x1000000xf32, #tpu.memory_space<hbm>> -> memref<2x8x128xf32, #tpu.memory_space<hbm>>
      %dma_start3A_668 = arith.constant 2 : i32
      %dma_start3A_669 = arith.constant 0 : i32
      %dma_start3A_670 = arith.constant 0 : i32
      %dma_start3A_671 = tpu.memref_slice %arg21[%dma_start3A_659, %dma_start3A_668, %dma_start3A_669, %dma_start3A_670] : memref<2x8x8x128xf32, #tpu.memory_space<vmem>> -> memref<1x2x8x128xf32, #tpu.memory_space<vmem>>
      %dma_start3A_672 = tpu.memref_squeeze %dma_start3A_671 : memref<1x2x8x128xf32, #tpu.memory_space<vmem>> -> memref<2x8x128xf32, #tpu.memory_space<vmem>>
      %dma_start3A_673 = arith.constant 0 : i32
      %dma_start3A_674 = arith.constant 0 : i32
      %dma_start3A_675 = tpu.memref_slice %arg7[%dma_start3A_673, %dma_start3A_674, %multiple_of3A_618] : memref<2x8x1000000xf32, #tpu.memory_space<hbm>> -> memref<2x8x128xf32, #tpu.memory_space<hbm>>
      tpu.enqueue_dma source(%dma_start3A_675 : memref<2x8x128xf32, #tpu.memory_space<hbm>>) target(%dma_start3A_672 : memref<2x8x128xf32, #tpu.memory_space<vmem>>) target_semaphore(%arg36 : memref<!tpu.dma_semaphore, #tpu.memory_space<semaphore_mem>>)
      %dma_start3A_676 = arith.constant 1 : i32
      %dma_start3A_677 = arith.constant 2 : i32
      %dma_start3A_678 = arith.constant 0 : i32
      %dma_start3A_679 = arith.constant 0 : i32
      %dma_start3A_680 = tpu.memref_slice %arg22[%dma_start3A_676, %dma_start3A_677, %dma_start3A_678, %dma_start3A_679] : memref<2x8x8x128xf32, #tpu.memory_space<vmem>> -> memref<1x2x8x128xf32, #tpu.memory_space<vmem>>
      %dma_start3A_681 = tpu.memref_squeeze %dma_start3A_680 : memref<1x2x8x128xf32, #tpu.memory_space<vmem>> -> memref<2x8x128xf32, #tpu.memory_space<vmem>>
      %dma_start3A_682 = arith.constant 0 : i32
      %dma_start3A_683 = arith.constant 0 : i32
      %dma_start3A_684 = tpu.memref_slice %arg8[%dma_start3A_682, %dma_start3A_683, %multiple_of3A_621] : memref<2x8x1000000xf32, #tpu.memory_space<hbm>> -> memref<2x8x128xf32, #tpu.memory_space<hbm>>
      %dma_start3A_685 = arith.constant 2 : i32
      %dma_start3A_686 = arith.constant 0 : i32
      %dma_start3A_687 = arith.constant 0 : i32
      %dma_start3A_688 = tpu.memref_slice %arg22[%dma_start3A_676, %dma_start3A_685, %dma_start3A_686, %dma_start3A_687] : memref<2x8x8x128xf32, #tpu.memory_space<vmem>> -> memref<1x2x8x128xf32, #tpu.memory_space<vmem>>
      %dma_start3A_689 = tpu.memref_squeeze %dma_start3A_688 : memref<1x2x8x128xf32, #tpu.memory_space<vmem>> -> memref<2x8x128xf32, #tpu.memory_space<vmem>>
      %dma_start3A_690 = arith.constant 0 : i32
      %dma_start3A_691 = arith.constant 0 : i32
      %dma_start3A_692 = tpu.memref_slice %arg8[%dma_start3A_690, %dma_start3A_691, %multiple_of3A_621] : memref<2x8x1000000xf32, #tpu.memory_space<hbm>> -> memref<2x8x128xf32, #tpu.memory_space<hbm>>
      tpu.enqueue_dma source(%dma_start3A_692 : memref<2x8x128xf32, #tpu.memory_space<hbm>>) target(%dma_start3A_689 : memref<2x8x128xf32, #tpu.memory_space<vmem>>) target_semaphore(%arg37 : memref<!tpu.dma_semaphore, #tpu.memory_space<semaphore_mem>>)
      %dma_start3A_693 = arith.constant 1 : i32
      %dma_start3A_694 = arith.constant 4 : i32
      %dma_start3A_695 = arith.constant 0 : i32
      %dma_start3A_696 = arith.constant 0 : i32
      %dma_start3A_697 = tpu.memref_slice %arg23[%dma_start3A_693, %dma_start3A_694, %dma_start3A_695, %dma_start3A_696] : memref<2x16x8x128xf32, #tpu.memory_space<vmem>> -> memref<1x4x8x128xf32, #tpu.memory_space<vmem>>
      %dma_start3A_698 = tpu.memref_squeeze %dma_start3A_697 : memref<1x4x8x128xf32, #tpu.memory_space<vmem>> -> memref<4x8x128xf32, #tpu.memory_space<vmem>>
      %dma_start3A_699 = arith.constant 0 : i32
      %dma_start3A_700 = arith.constant 0 : i32
      %dma_start3A_701 = tpu.memref_slice %arg9[%dma_start3A_699, %dma_start3A_700, %multiple_of3A_624] : memref<4x8x1000000xf32, #tpu.memory_space<hbm>> -> memref<4x8x128xf32, #tpu.memory_space<hbm>>
      %dma_start3A_702 = arith.constant 4 : i32
      %dma_start3A_703 = arith.constant 0 : i32
      %dma_start3A_704 = arith.constant 0 : i32
      %dma_start3A_705 = tpu.memref_slice %arg23[%dma_start3A_693, %dma_start3A_702, %dma_start3A_703, %dma_start3A_704] : memref<2x16x8x128xf32, #tpu.memory_space<vmem>> -> memref<1x4x8x128xf32, #tpu.memory_space<vmem>>
      %dma_start3A_706 = tpu.memref_squeeze %dma_start3A_705 : memref<1x4x8x128xf32, #tpu.memory_space<vmem>> -> memref<4x8x128xf32, #tpu.memory_space<vmem>>
      %dma_start3A_707 = arith.constant 0 : i32
      %dma_start3A_708 = arith.constant 0 : i32
      %dma_start3A_709 = tpu.memref_slice %arg9[%dma_start3A_707, %dma_start3A_708, %multiple_of3A_624] : memref<4x8x1000000xf32, #tpu.memory_space<hbm>> -> memref<4x8x128xf32, #tpu.memory_space<hbm>>
      tpu.enqueue_dma source(%dma_start3A_709 : memref<4x8x128xf32, #tpu.memory_space<hbm>>) target(%dma_start3A_706 : memref<4x8x128xf32, #tpu.memory_space<vmem>>) target_semaphore(%arg38 : memref<!tpu.dma_semaphore, #tpu.memory_space<semaphore_mem>>)
      %slice3A_710 = vector.extract_strided_slice %and3A_515 {offsets = [2], sizes = [1], strides = [1]} : vector<16xi32> to vector<1xi32>
      %squeeze3A_711 = vector.extract %slice3A_710[0] : i32 from vector<1xi32>
      %multiple_of3A_712 = tpu.assume_multiple %squeeze3A_711, 128 : i32
      %slice3A_713 = vector.extract_strided_slice %and3A_518 {offsets = [2], sizes = [1], strides = [1]} : vector<16xi32> to vector<1xi32>
      %squeeze3A_714 = vector.extract %slice3A_713[0] : i32 from vector<1xi32>
      %multiple_of3A_715 = tpu.assume_multiple %squeeze3A_714, 128 : i32
      %slice3A_716 = vector.extract_strided_slice %and3A_521 {offsets = [2], sizes = [1], strides = [1]} : vector<16xi32> to vector<1xi32>
      %squeeze3A_717 = vector.extract %slice3A_716[0] : i32 from vector<1xi32>
      %multiple_of3A_718 = tpu.assume_multiple %squeeze3A_717, 128 : i32
      %dma_start3A_719 = arith.constant 0 : i32
      %dma_start3A_720 = arith.constant 1 : i32
      %dma_start3A_721 = arith.constant 2 : i32
      %dma_start3A_722 = arith.constant 0 : i32
      %dma_start3A_723 = arith.constant 0 : i32
      %dma_start3A_724 = tpu.memref_slice %arg19[%dma_start3A_720, %dma_start3A_721, %dma_start3A_722, %dma_start3A_723] : memref<2x4x8x128xf32, #tpu.memory_space<vmem>> -> memref<1x1x8x128xf32, #tpu.memory_space<vmem>>
      %dma_start3A_725 = tpu.memref_squeeze %dma_start3A_724 : memref<1x1x8x128xf32, #tpu.memory_space<vmem>> -> memref<8x128xf32, #tpu.memory_space<vmem>>
      %dma_start3A_726 = arith.constant 0 : i32
      %dma_start3A_727 = tpu.memref_slice %arg5[%dma_start3A_719, %dma_start3A_726, %multiple_of3A_712] : memref<1x8x1000000xf32, #tpu.memory_space<hbm>> -> memref<1x8x128xf32, #tpu.memory_space<hbm>>
      %dma_start3A_728 = tpu.memref_squeeze %dma_start3A_727 : memref<1x8x128xf32, #tpu.memory_space<hbm>> -> memref<8x128xf32, #tpu.memory_space<hbm>>
      %dma_start3A_729 = arith.constant 0 : i32
      %dma_start3A_730 = arith.constant 0 : i32
      %dma_start3A_731 = tpu.memref_slice %arg19[%dma_start3A_720, %dma_start3A_721, %dma_start3A_729, %dma_start3A_730] : memref<2x4x8x128xf32, #tpu.memory_space<vmem>> -> memref<1x1x8x128xf32, #tpu.memory_space<vmem>>
      %dma_start3A_732 = tpu.memref_squeeze %dma_start3A_731 : memref<1x1x8x128xf32, #tpu.memory_space<vmem>> -> memref<8x128xf32, #tpu.memory_space<vmem>>
      %dma_start3A_733 = arith.constant 0 : i32
      %dma_start3A_734 = tpu.memref_slice %arg5[%dma_start3A_719, %dma_start3A_733, %multiple_of3A_712] : memref<1x8x1000000xf32, #tpu.memory_space<hbm>> -> memref<1x8x128xf32, #tpu.memory_space<hbm>>
      %dma_start3A_735 = tpu.memref_squeeze %dma_start3A_734 : memref<1x8x128xf32, #tpu.memory_space<hbm>> -> memref<8x128xf32, #tpu.memory_space<hbm>>
      tpu.enqueue_dma source(%dma_start3A_735 : memref<8x128xf32, #tpu.memory_space<hbm>>) target(%dma_start3A_732 : memref<8x128xf32, #tpu.memory_space<vmem>>) target_semaphore(%arg34 : memref<!tpu.dma_semaphore, #tpu.memory_space<semaphore_mem>>)
      %dma_start3A_736 = arith.constant 0 : i32
      %dma_start3A_737 = arith.constant 1 : i32
      %dma_start3A_738 = arith.constant 2 : i32
      %dma_start3A_739 = arith.constant 0 : i32
      %dma_start3A_740 = arith.constant 0 : i32
      %dma_start3A_741 = tpu.memref_slice %arg20[%dma_start3A_737, %dma_start3A_738, %dma_start3A_739, %dma_start3A_740] : memref<2x4x8x128xf32, #tpu.memory_space<vmem>> -> memref<1x1x8x128xf32, #tpu.memory_space<vmem>>
      %dma_start3A_742 = tpu.memref_squeeze %dma_start3A_741 : memref<1x1x8x128xf32, #tpu.memory_space<vmem>> -> memref<8x128xf32, #tpu.memory_space<vmem>>
      %dma_start3A_743 = arith.constant 0 : i32
      %dma_start3A_744 = tpu.memref_slice %arg6[%dma_start3A_736, %dma_start3A_743, %multiple_of3A_715] : memref<1x8x1000000xf32, #tpu.memory_space<hbm>> -> memref<1x8x128xf32, #tpu.memory_space<hbm>>
      %dma_start3A_745 = tpu.memref_squeeze %dma_start3A_744 : memref<1x8x128xf32, #tpu.memory_space<hbm>> -> memref<8x128xf32, #tpu.memory_space<hbm>>
      %dma_start3A_746 = arith.constant 0 : i32
      %dma_start3A_747 = arith.constant 0 : i32
      %dma_start3A_748 = tpu.memref_slice %arg20[%dma_start3A_737, %dma_start3A_738, %dma_start3A_746, %dma_start3A_747] : memref<2x4x8x128xf32, #tpu.memory_space<vmem>> -> memref<1x1x8x128xf32, #tpu.memory_space<vmem>>
      %dma_start3A_749 = tpu.memref_squeeze %dma_start3A_748 : memref<1x1x8x128xf32, #tpu.memory_space<vmem>> -> memref<8x128xf32, #tpu.memory_space<vmem>>
      %dma_start3A_750 = arith.constant 0 : i32
      %dma_start3A_751 = tpu.memref_slice %arg6[%dma_start3A_736, %dma_start3A_750, %multiple_of3A_715] : memref<1x8x1000000xf32, #tpu.memory_space<hbm>> -> memref<1x8x128xf32, #tpu.memory_space<hbm>>
      %dma_start3A_752 = tpu.memref_squeeze %dma_start3A_751 : memref<1x8x128xf32, #tpu.memory_space<hbm>> -> memref<8x128xf32, #tpu.memory_space<hbm>>
      tpu.enqueue_dma source(%dma_start3A_752 : memref<8x128xf32, #tpu.memory_space<hbm>>) target(%dma_start3A_749 : memref<8x128xf32, #tpu.memory_space<vmem>>) target_semaphore(%arg35 : memref<!tpu.dma_semaphore, #tpu.memory_space<semaphore_mem>>)
      %dma_start3A_753 = arith.constant 1 : i32
      %dma_start3A_754 = arith.constant 4 : i32
      %dma_start3A_755 = arith.constant 0 : i32
      %dma_start3A_756 = arith.constant 0 : i32
      %dma_start3A_757 = tpu.memref_slice %arg21[%dma_start3A_753, %dma_start3A_754, %dma_start3A_755, %dma_start3A_756] : memref<2x8x8x128xf32, #tpu.memory_space<vmem>> -> memref<1x2x8x128xf32, #tpu.memory_space<vmem>>
      %dma_start3A_758 = tpu.memref_squeeze %dma_start3A_757 : memref<1x2x8x128xf32, #tpu.memory_space<vmem>> -> memref<2x8x128xf32, #tpu.memory_space<vmem>>
      %dma_start3A_759 = arith.constant 0 : i32
      %dma_start3A_760 = arith.constant 0 : i32
      %dma_start3A_761 = tpu.memref_slice %arg7[%dma_start3A_759, %dma_start3A_760, %multiple_of3A_712] : memref<2x8x1000000xf32, #tpu.memory_space<hbm>> -> memref<2x8x128xf32, #tpu.memory_space<hbm>>
      %dma_start3A_762 = arith.constant 4 : i32
      %dma_start3A_763 = arith.constant 0 : i32
      %dma_start3A_764 = arith.constant 0 : i32
      %dma_start3A_765 = tpu.memref_slice %arg21[%dma_start3A_753, %dma_start3A_762, %dma_start3A_763, %dma_start3A_764] : memref<2x8x8x128xf32, #tpu.memory_space<vmem>> -> memref<1x2x8x128xf32, #tpu.memory_space<vmem>>
      %dma_start3A_766 = tpu.memref_squeeze %dma_start3A_765 : memref<1x2x8x128xf32, #tpu.memory_space<vmem>> -> memref<2x8x128xf32, #tpu.memory_space<vmem>>
      %dma_start3A_767 = arith.constant 0 : i32
      %dma_start3A_768 = arith.constant 0 : i32
      %dma_start3A_769 = tpu.memref_slice %arg7[%dma_start3A_767, %dma_start3A_768, %multiple_of3A_712] : memref<2x8x1000000xf32, #tpu.memory_space<hbm>> -> memref<2x8x128xf32, #tpu.memory_space<hbm>>
      tpu.enqueue_dma source(%dma_start3A_769 : memref<2x8x128xf32, #tpu.memory_space<hbm>>) target(%dma_start3A_766 : memref<2x8x128xf32, #tpu.memory_space<vmem>>) target_semaphore(%arg36 : memref<!tpu.dma_semaphore, #tpu.memory_space<semaphore_mem>>)
      %dma_start3A_770 = arith.constant 1 : i32
      %dma_start3A_771 = arith.constant 4 : i32
      %dma_start3A_772 = arith.constant 0 : i32
      %dma_start3A_773 = arith.constant 0 : i32
      %dma_start3A_774 = tpu.memref_slice %arg22[%dma_start3A_770, %dma_start3A_771, %dma_start3A_772, %dma_start3A_773] : memref<2x8x8x128xf32, #tpu.memory_space<vmem>> -> memref<1x2x8x128xf32, #tpu.memory_space<vmem>>
      %dma_start3A_775 = tpu.memref_squeeze %dma_start3A_774 : memref<1x2x8x128xf32, #tpu.memory_space<vmem>> -> memref<2x8x128xf32, #tpu.memory_space<vmem>>
      %dma_start3A_776 = arith.constant 0 : i32
      %dma_start3A_777 = arith.constant 0 : i32
      %dma_start3A_778 = tpu.memref_slice %arg8[%dma_start3A_776, %dma_start3A_777, %multiple_of3A_715] : memref<2x8x1000000xf32, #tpu.memory_space<hbm>> -> memref<2x8x128xf32, #tpu.memory_space<hbm>>
      %dma_start3A_779 = arith.constant 4 : i32
      %dma_start3A_780 = arith.constant 0 : i32
      %dma_start3A_781 = arith.constant 0 : i32
      %dma_start3A_782 = tpu.memref_slice %arg22[%dma_start3A_770, %dma_start3A_779, %dma_start3A_780, %dma_start3A_781] : memref<2x8x8x128xf32, #tpu.memory_space<vmem>> -> memref<1x2x8x128xf32, #tpu.memory_space<vmem>>
      %dma_start3A_783 = tpu.memref_squeeze %dma_start3A_782 : memref<1x2x8x128xf32, #tpu.memory_space<vmem>> -> memref<2x8x128xf32, #tpu.memory_space<vmem>>
      %dma_start3A_784 = arith.constant 0 : i32
      %dma_start3A_785 = arith.constant 0 : i32
      %dma_start3A_786 = tpu.memref_slice %arg8[%dma_start3A_784, %dma_start3A_785, %multiple_of3A_715] : memref<2x8x1000000xf32, #tpu.memory_space<hbm>> -> memref<2x8x128xf32, #tpu.memory_space<hbm>>
      tpu.enqueue_dma source(%dma_start3A_786 : memref<2x8x128xf32, #tpu.memory_space<hbm>>) target(%dma_start3A_783 : memref<2x8x128xf32, #tpu.memory_space<vmem>>) target_semaphore(%arg37 : memref<!tpu.dma_semaphore, #tpu.memory_space<semaphore_mem>>)
      %dma_start3A_787 = arith.constant 1 : i32
      %dma_start3A_788 = arith.constant 8 : i32
      %dma_start3A_789 = arith.constant 0 : i32
      %dma_start3A_790 = arith.constant 0 : i32
      %dma_start3A_791 = tpu.memref_slice %arg23[%dma_start3A_787, %dma_start3A_788, %dma_start3A_789, %dma_start3A_790] : memref<2x16x8x128xf32, #tpu.memory_space<vmem>> -> memref<1x4x8x128xf32, #tpu.memory_space<vmem>>
      %dma_start3A_792 = tpu.memref_squeeze %dma_start3A_791 : memref<1x4x8x128xf32, #tpu.memory_space<vmem>> -> memref<4x8x128xf32, #tpu.memory_space<vmem>>
      %dma_start3A_793 = arith.constant 0 : i32
      %dma_start3A_794 = arith.constant 0 : i32
      %dma_start3A_795 = tpu.memref_slice %arg9[%dma_start3A_793, %dma_start3A_794, %multiple_of3A_718] : memref<4x8x1000000xf32, #tpu.memory_space<hbm>> -> memref<4x8x128xf32, #tpu.memory_space<hbm>>
      %dma_start3A_796 = arith.constant 8 : i32
      %dma_start3A_797 = arith.constant 0 : i32
      %dma_start3A_798 = arith.constant 0 : i32
      %dma_start3A_799 = tpu.memref_slice %arg23[%dma_start3A_787, %dma_start3A_796, %dma_start3A_797, %dma_start3A_798] : memref<2x16x8x128xf32, #tpu.memory_space<vmem>> -> memref<1x4x8x128xf32, #tpu.memory_space<vmem>>
      %dma_start3A_800 = tpu.memref_squeeze %dma_start3A_799 : memref<1x4x8x128xf32, #tpu.memory_space<vmem>> -> memref<4x8x128xf32, #tpu.memory_space<vmem>>
      %dma_start3A_801 = arith.constant 0 : i32
      %dma_start3A_802 = arith.constant 0 : i32
      %dma_start3A_803 = tpu.memref_slice %arg9[%dma_start3A_801, %dma_start3A_802, %multiple_of3A_718] : memref<4x8x1000000xf32, #tpu.memory_space<hbm>> -> memref<4x8x128xf32, #tpu.memory_space<hbm>>
      tpu.enqueue_dma source(%dma_start3A_803 : memref<4x8x128xf32, #tpu.memory_space<hbm>>) target(%dma_start3A_800 : memref<4x8x128xf32, #tpu.memory_space<vmem>>) target_semaphore(%arg38 : memref<!tpu.dma_semaphore, #tpu.memory_space<semaphore_mem>>)
      %slice3A_804 = vector.extract_strided_slice %and3A_515 {offsets = [3], sizes = [1], strides = [1]} : vector<16xi32> to vector<1xi32>
      %squeeze3A_805 = vector.extract %slice3A_804[0] : i32 from vector<1xi32>
      %multiple_of3A_806 = tpu.assume_multiple %squeeze3A_805, 128 : i32
      %slice3A_807 = vector.extract_strided_slice %and3A_518 {offsets = [3], sizes = [1], strides = [1]} : vector<16xi32> to vector<1xi32>
      %squeeze3A_808 = vector.extract %slice3A_807[0] : i32 from vector<1xi32>
      %multiple_of3A_809 = tpu.assume_multiple %squeeze3A_808, 128 : i32
      %slice3A_810 = vector.extract_strided_slice %and3A_521 {offsets = [3], sizes = [1], strides = [1]} : vector<16xi32> to vector<1xi32>
      %squeeze3A_811 = vector.extract %slice3A_810[0] : i32 from vector<1xi32>
      %multiple_of3A_812 = tpu.assume_multiple %squeeze3A_811, 128 : i32
      %dma_start3A_813 = arith.constant 0 : i32
      %dma_start3A_814 = arith.constant 1 : i32
      %dma_start3A_815 = arith.constant 3 : i32
      %dma_start3A_816 = arith.constant 0 : i32
      %dma_start3A_817 = arith.constant 0 : i32
      %dma_start3A_818 = tpu.memref_slice %arg19[%dma_start3A_814, %dma_start3A_815, %dma_start3A_816, %dma_start3A_817] : memref<2x4x8x128xf32, #tpu.memory_space<vmem>> -> memref<1x1x8x128xf32, #tpu.memory_space<vmem>>
      %dma_start3A_819 = tpu.memref_squeeze %dma_start3A_818 : memref<1x1x8x128xf32, #tpu.memory_space<vmem>> -> memref<8x128xf32, #tpu.memory_space<vmem>>
      %dma_start3A_820 = arith.constant 0 : i32
      %dma_start3A_821 = tpu.memref_slice %arg5[%dma_start3A_813, %dma_start3A_820, %multiple_of3A_806] : memref<1x8x1000000xf32, #tpu.memory_space<hbm>> -> memref<1x8x128xf32, #tpu.memory_space<hbm>>
      %dma_start3A_822 = tpu.memref_squeeze %dma_start3A_821 : memref<1x8x128xf32, #tpu.memory_space<hbm>> -> memref<8x128xf32, #tpu.memory_space<hbm>>
      %dma_start3A_823 = arith.constant 0 : i32
      %dma_start3A_824 = arith.constant 0 : i32
      %dma_start3A_825 = tpu.memref_slice %arg19[%dma_start3A_814, %dma_start3A_815, %dma_start3A_823, %dma_start3A_824] : memref<2x4x8x128xf32, #tpu.memory_space<vmem>> -> memref<1x1x8x128xf32, #tpu.memory_space<vmem>>
      %dma_start3A_826 = tpu.memref_squeeze %dma_start3A_825 : memref<1x1x8x128xf32, #tpu.memory_space<vmem>> -> memref<8x128xf32, #tpu.memory_space<vmem>>
      %dma_start3A_827 = arith.constant 0 : i32
      %dma_start3A_828 = tpu.memref_slice %arg5[%dma_start3A_813, %dma_start3A_827, %multiple_of3A_806] : memref<1x8x1000000xf32, #tpu.memory_space<hbm>> -> memref<1x8x128xf32, #tpu.memory_space<hbm>>
      %dma_start3A_829 = tpu.memref_squeeze %dma_start3A_828 : memref<1x8x128xf32, #tpu.memory_space<hbm>> -> memref<8x128xf32, #tpu.memory_space<hbm>>
      tpu.enqueue_dma source(%dma_start3A_829 : memref<8x128xf32, #tpu.memory_space<hbm>>) target(%dma_start3A_826 : memref<8x128xf32, #tpu.memory_space<vmem>>) target_semaphore(%arg34 : memref<!tpu.dma_semaphore, #tpu.memory_space<semaphore_mem>>)
      %dma_start3A_830 = arith.constant 0 : i32
      %dma_start3A_831 = arith.constant 1 : i32
      %dma_start3A_832 = arith.constant 3 : i32
      %dma_start3A_833 = arith.constant 0 : i32
      %dma_start3A_834 = arith.constant 0 : i32
      %dma_start3A_835 = tpu.memref_slice %arg20[%dma_start3A_831, %dma_start3A_832, %dma_start3A_833, %dma_start3A_834] : memref<2x4x8x128xf32, #tpu.memory_space<vmem>> -> memref<1x1x8x128xf32, #tpu.memory_space<vmem>>
      %dma_start3A_836 = tpu.memref_squeeze %dma_start3A_835 : memref<1x1x8x128xf32, #tpu.memory_space<vmem>> -> memref<8x128xf32, #tpu.memory_space<vmem>>
      %dma_start3A_837 = arith.constant 0 : i32
      %dma_start3A_838 = tpu.memref_slice %arg6[%dma_start3A_830, %dma_start3A_837, %multiple_of3A_809] : memref<1x8x1000000xf32, #tpu.memory_space<hbm>> -> memref<1x8x128xf32, #tpu.memory_space<hbm>>
      %dma_start3A_839 = tpu.memref_squeeze %dma_start3A_838 : memref<1x8x128xf32, #tpu.memory_space<hbm>> -> memref<8x128xf32, #tpu.memory_space<hbm>>
      %dma_start3A_840 = arith.constant 0 : i32
      %dma_start3A_841 = arith.constant 0 : i32
      %dma_start3A_842 = tpu.memref_slice %arg20[%dma_start3A_831, %dma_start3A_832, %dma_start3A_840, %dma_start3A_841] : memref<2x4x8x128xf32, #tpu.memory_space<vmem>> -> memref<1x1x8x128xf32, #tpu.memory_space<vmem>>
      %dma_start3A_843 = tpu.memref_squeeze %dma_start3A_842 : memref<1x1x8x128xf32, #tpu.memory_space<vmem>> -> memref<8x128xf32, #tpu.memory_space<vmem>>
      %dma_start3A_844 = arith.constant 0 : i32
      %dma_start3A_845 = tpu.memref_slice %arg6[%dma_start3A_830, %dma_start3A_844, %multiple_of3A_809] : memref<1x8x1000000xf32, #tpu.memory_space<hbm>> -> memref<1x8x128xf32, #tpu.memory_space<hbm>>
      %dma_start3A_846 = tpu.memref_squeeze %dma_start3A_845 : memref<1x8x128xf32, #tpu.memory_space<hbm>> -> memref<8x128xf32, #tpu.memory_space<hbm>>
      tpu.enqueue_dma source(%dma_start3A_846 : memref<8x128xf32, #tpu.memory_space<hbm>>) target(%dma_start3A_843 : memref<8x128xf32, #tpu.memory_space<vmem>>) target_semaphore(%arg35 : memref<!tpu.dma_semaphore, #tpu.memory_space<semaphore_mem>>)
      %dma_start3A_847 = arith.constant 1 : i32
      %dma_start3A_848 = arith.constant 6 : i32
      %dma_start3A_849 = arith.constant 0 : i32
      %dma_start3A_850 = arith.constant 0 : i32
      %dma_start3A_851 = tpu.memref_slice %arg21[%dma_start3A_847, %dma_start3A_848, %dma_start3A_849, %dma_start3A_850] : memref<2x8x8x128xf32, #tpu.memory_space<vmem>> -> memref<1x2x8x128xf32, #tpu.memory_space<vmem>>
      %dma_start3A_852 = tpu.memref_squeeze %dma_start3A_851 : memref<1x2x8x128xf32, #tpu.memory_space<vmem>> -> memref<2x8x128xf32, #tpu.memory_space<vmem>>
      %dma_start3A_853 = arith.constant 0 : i32
      %dma_start3A_854 = arith.constant 0 : i32
      %dma_start3A_855 = tpu.memref_slice %arg7[%dma_start3A_853, %dma_start3A_854, %multiple_of3A_806] : memref<2x8x1000000xf32, #tpu.memory_space<hbm>> -> memref<2x8x128xf32, #tpu.memory_space<hbm>>
      %dma_start3A_856 = arith.constant 6 : i32
      %dma_start3A_857 = arith.constant 0 : i32
      %dma_start3A_858 = arith.constant 0 : i32
      %dma_start3A_859 = tpu.memref_slice %arg21[%dma_start3A_847, %dma_start3A_856, %dma_start3A_857, %dma_start3A_858] : memref<2x8x8x128xf32, #tpu.memory_space<vmem>> -> memref<1x2x8x128xf32, #tpu.memory_space<vmem>>
      %dma_start3A_860 = tpu.memref_squeeze %dma_start3A_859 : memref<1x2x8x128xf32, #tpu.memory_space<vmem>> -> memref<2x8x128xf32, #tpu.memory_space<vmem>>
      %dma_start3A_861 = arith.constant 0 : i32
      %dma_start3A_862 = arith.constant 0 : i32
      %dma_start3A_863 = tpu.memref_slice %arg7[%dma_start3A_861, %dma_start3A_862, %multiple_of3A_806] : memref<2x8x1000000xf32, #tpu.memory_space<hbm>> -> memref<2x8x128xf32, #tpu.memory_space<hbm>>
      tpu.enqueue_dma source(%dma_start3A_863 : memref<2x8x128xf32, #tpu.memory_space<hbm>>) target(%dma_start3A_860 : memref<2x8x128xf32, #tpu.memory_space<vmem>>) target_semaphore(%arg36 : memref<!tpu.dma_semaphore, #tpu.memory_space<semaphore_mem>>)
      %dma_start3A_864 = arith.constant 1 : i32
      %dma_start3A_865 = arith.constant 6 : i32
      %dma_start3A_866 = arith.constant 0 : i32
      %dma_start3A_867 = arith.constant 0 : i32
      %dma_start3A_868 = tpu.memref_slice %arg22[%dma_start3A_864, %dma_start3A_865, %dma_start3A_866, %dma_start3A_867] : memref<2x8x8x128xf32, #tpu.memory_space<vmem>> -> memref<1x2x8x128xf32, #tpu.memory_space<vmem>>
      %dma_start3A_869 = tpu.memref_squeeze %dma_start3A_868 : memref<1x2x8x128xf32, #tpu.memory_space<vmem>> -> memref<2x8x128xf32, #tpu.memory_space<vmem>>
      %dma_start3A_870 = arith.constant 0 : i32
      %dma_start3A_871 = arith.constant 0 : i32
      %dma_start3A_872 = tpu.memref_slice %arg8[%dma_start3A_870, %dma_start3A_871, %multiple_of3A_809] : memref<2x8x1000000xf32, #tpu.memory_space<hbm>> -> memref<2x8x128xf32, #tpu.memory_space<hbm>>
      %dma_start3A_873 = arith.constant 6 : i32
      %dma_start3A_874 = arith.constant 0 : i32
      %dma_start3A_875 = arith.constant 0 : i32
      %dma_start3A_876 = tpu.memref_slice %arg22[%dma_start3A_864, %dma_start3A_873, %dma_start3A_874, %dma_start3A_875] : memref<2x8x8x128xf32, #tpu.memory_space<vmem>> -> memref<1x2x8x128xf32, #tpu.memory_space<vmem>>
      %dma_start3A_877 = tpu.memref_squeeze %dma_start3A_876 : memref<1x2x8x128xf32, #tpu.memory_space<vmem>> -> memref<2x8x128xf32, #tpu.memory_space<vmem>>
      %dma_start3A_878 = arith.constant 0 : i32
      %dma_start3A_879 = arith.constant 0 : i32
      %dma_start3A_880 = tpu.memref_slice %arg8[%dma_start3A_878, %dma_start3A_879, %multiple_of3A_809] : memref<2x8x1000000xf32, #tpu.memory_space<hbm>> -> memref<2x8x128xf32, #tpu.memory_space<hbm>>
      tpu.enqueue_dma source(%dma_start3A_880 : memref<2x8x128xf32, #tpu.memory_space<hbm>>) target(%dma_start3A_877 : memref<2x8x128xf32, #tpu.memory_space<vmem>>) target_semaphore(%arg37 : memref<!tpu.dma_semaphore, #tpu.memory_space<semaphore_mem>>)
      %dma_start3A_881 = arith.constant 1 : i32
      %dma_start3A_882 = arith.constant 12 : i32
      %dma_start3A_883 = arith.constant 0 : i32
      %dma_start3A_884 = arith.constant 0 : i32
      %dma_start3A_885 = tpu.memref_slice %arg23[%dma_start3A_881, %dma_start3A_882, %dma_start3A_883, %dma_start3A_884] : memref<2x16x8x128xf32, #tpu.memory_space<vmem>> -> memref<1x4x8x128xf32, #tpu.memory_space<vmem>>
      %dma_start3A_886 = tpu.memref_squeeze %dma_start3A_885 : memref<1x4x8x128xf32, #tpu.memory_space<vmem>> -> memref<4x8x128xf32, #tpu.memory_space<vmem>>
      %dma_start3A_887 = arith.constant 0 : i32
      %dma_start3A_888 = arith.constant 0 : i32
      %dma_start3A_889 = tpu.memref_slice %arg9[%dma_start3A_887, %dma_start3A_888, %multiple_of3A_812] : memref<4x8x1000000xf32, #tpu.memory_space<hbm>> -> memref<4x8x128xf32, #tpu.memory_space<hbm>>
      %dma_start3A_890 = arith.constant 12 : i32
      %dma_start3A_891 = arith.constant 0 : i32
      %dma_start3A_892 = arith.constant 0 : i32
      %dma_start3A_893 = tpu.memref_slice %arg23[%dma_start3A_881, %dma_start3A_890, %dma_start3A_891, %dma_start3A_892] : memref<2x16x8x128xf32, #tpu.memory_space<vmem>> -> memref<1x4x8x128xf32, #tpu.memory_space<vmem>>
      %dma_start3A_894 = tpu.memref_squeeze %dma_start3A_893 : memref<1x4x8x128xf32, #tpu.memory_space<vmem>> -> memref<4x8x128xf32, #tpu.memory_space<vmem>>
      %dma_start3A_895 = arith.constant 0 : i32
      %dma_start3A_896 = arith.constant 0 : i32
      %dma_start3A_897 = tpu.memref_slice %arg9[%dma_start3A_895, %dma_start3A_896, %multiple_of3A_812] : memref<4x8x1000000xf32, #tpu.memory_space<hbm>> -> memref<4x8x128xf32, #tpu.memory_space<hbm>>
      tpu.enqueue_dma source(%dma_start3A_897 : memref<4x8x128xf32, #tpu.memory_space<hbm>>) target(%dma_start3A_894 : memref<4x8x128xf32, #tpu.memory_space<vmem>>) target_semaphore(%arg38 : memref<!tpu.dma_semaphore, #tpu.memory_space<semaphore_mem>>)
      %dma_wait3A_898 = arith.constant 0 : i32
      %dma_wait3A_899 = arith.constant 0 : i32
      %dma_wait3A_900 = arith.constant 0 : i32
      %dma_wait3A_901 = arith.constant 0 : i32
      %dma_wait3A_902 = tpu.memref_slice %arg19[%dma_wait3A_898, %dma_wait3A_899, %dma_wait3A_900, %dma_wait3A_901] : memref<2x4x8x128xf32, #tpu.memory_space<vmem>> -> memref<1x4x8x128xf32, #tpu.memory_space<vmem>>
      %dma_wait3A_903 = tpu.memref_squeeze %dma_wait3A_902 : memref<1x4x8x128xf32, #tpu.memory_space<vmem>> -> memref<4x8x128xf32, #tpu.memory_space<vmem>>
      %dma_wait3A_904 = arith.constant 0 : i32
      %dma_wait3A_905 = arith.constant 0 : i32
      %dma_wait3A_906 = arith.constant 0 : i32
      %dma_wait3A_907 = tpu.memref_slice %arg10[%dma_wait3A_904, %dma_wait3A_905, %dma_wait3A_906] : memref<16x8x128xf32, #tpu.memory_space<hbm>> -> memref<4x8x128xf32, #tpu.memory_space<hbm>>
      %dma_wait3A_908 = arith.constant 0 : i32
      %dma_wait3A_909 = arith.constant 0 : i32
      %dma_wait3A_910 = arith.constant 0 : i32
      %dma_wait3A_911 = tpu.memref_slice %arg19[%dma_wait3A_898, %dma_wait3A_908, %dma_wait3A_909, %dma_wait3A_910] : memref<2x4x8x128xf32, #tpu.memory_space<vmem>> -> memref<1x4x8x128xf32, #tpu.memory_space<vmem>>
      %dma_wait3A_912 = tpu.memref_squeeze %dma_wait3A_911 : memref<1x4x8x128xf32, #tpu.memory_space<vmem>> -> memref<4x8x128xf32, #tpu.memory_space<vmem>>
      %dma_wait3A_913 = arith.constant 0 : i32
      %dma_wait3A_914 = arith.constant 0 : i32
      %dma_wait3A_915 = arith.constant 0 : i32
      %dma_wait3A_916 = tpu.memref_slice %arg10[%dma_wait3A_913, %dma_wait3A_914, %dma_wait3A_915] : memref<16x8x128xf32, #tpu.memory_space<hbm>> -> memref<4x8x128xf32, #tpu.memory_space<hbm>>
      tpu.wait_dma2 semaphore(%arg29 : memref<!tpu.dma_semaphore, #tpu.memory_space<semaphore_mem>>) src(%dma_wait3A_916 : memref<4x8x128xf32, #tpu.memory_space<hbm>>) dst(%dma_wait3A_912 : memref<4x8x128xf32, #tpu.memory_space<vmem>>)
      %dma_wait3A_917 = arith.constant 0 : i32
      %dma_wait3A_918 = arith.constant 0 : i32
      %dma_wait3A_919 = arith.constant 0 : i32
      %dma_wait3A_920 = arith.constant 0 : i32
      %dma_wait3A_921 = tpu.memref_slice %arg20[%dma_wait3A_917, %dma_wait3A_918, %dma_wait3A_919, %dma_wait3A_920] : memref<2x4x8x128xf32, #tpu.memory_space<vmem>> -> memref<1x4x8x128xf32, #tpu.memory_space<vmem>>
      %dma_wait3A_922 = tpu.memref_squeeze %dma_wait3A_921 : memref<1x4x8x128xf32, #tpu.memory_space<vmem>> -> memref<4x8x128xf32, #tpu.memory_space<vmem>>
      %dma_wait3A_923 = arith.constant 0 : i32
      %dma_wait3A_924 = arith.constant 0 : i32
      %dma_wait3A_925 = arith.constant 0 : i32
      %dma_wait3A_926 = tpu.memref_slice %arg10[%dma_wait3A_923, %dma_wait3A_924, %dma_wait3A_925] : memref<16x8x128xf32, #tpu.memory_space<hbm>> -> memref<4x8x128xf32, #tpu.memory_space<hbm>>
      %dma_wait3A_927 = arith.constant 0 : i32
      %dma_wait3A_928 = arith.constant 0 : i32
      %dma_wait3A_929 = arith.constant 0 : i32
      %dma_wait3A_930 = tpu.memref_slice %arg20[%dma_wait3A_917, %dma_wait3A_927, %dma_wait3A_928, %dma_wait3A_929] : memref<2x4x8x128xf32, #tpu.memory_space<vmem>> -> memref<1x4x8x128xf32, #tpu.memory_space<vmem>>
      %dma_wait3A_931 = tpu.memref_squeeze %dma_wait3A_930 : memref<1x4x8x128xf32, #tpu.memory_space<vmem>> -> memref<4x8x128xf32, #tpu.memory_space<vmem>>
      %dma_wait3A_932 = arith.constant 0 : i32
      %dma_wait3A_933 = arith.constant 0 : i32
      %dma_wait3A_934 = arith.constant 0 : i32
      %dma_wait3A_935 = tpu.memref_slice %arg10[%dma_wait3A_932, %dma_wait3A_933, %dma_wait3A_934] : memref<16x8x128xf32, #tpu.memory_space<hbm>> -> memref<4x8x128xf32, #tpu.memory_space<hbm>>
      tpu.wait_dma2 semaphore(%arg30 : memref<!tpu.dma_semaphore, #tpu.memory_space<semaphore_mem>>) src(%dma_wait3A_935 : memref<4x8x128xf32, #tpu.memory_space<hbm>>) dst(%dma_wait3A_931 : memref<4x8x128xf32, #tpu.memory_space<vmem>>)
      %dma_wait3A_936 = arith.constant 0 : i32
      %dma_wait3A_937 = arith.constant 0 : i32
      %dma_wait3A_938 = arith.constant 0 : i32
      %dma_wait3A_939 = arith.constant 0 : i32
      %dma_wait3A_940 = tpu.memref_slice %arg21[%dma_wait3A_936, %dma_wait3A_937, %dma_wait3A_938, %dma_wait3A_939] : memref<2x8x8x128xf32, #tpu.memory_space<vmem>> -> memref<1x8x8x128xf32, #tpu.memory_space<vmem>>
      %dma_wait3A_941 = tpu.memref_squeeze %dma_wait3A_940 : memref<1x8x8x128xf32, #tpu.memory_space<vmem>> -> memref<8x8x128xf32, #tpu.memory_space<vmem>>
      %dma_wait3A_942 = arith.constant 0 : i32
      %dma_wait3A_943 = arith.constant 0 : i32
      %dma_wait3A_944 = arith.constant 0 : i32
      %dma_wait3A_945 = tpu.memref_slice %arg10[%dma_wait3A_942, %dma_wait3A_943, %dma_wait3A_944] : memref<16x8x128xf32, #tpu.memory_space<hbm>> -> memref<8x8x128xf32, #tpu.memory_space<hbm>>
      %dma_wait3A_946 = arith.constant 0 : i32
      %dma_wait3A_947 = arith.constant 0 : i32
      %dma_wait3A_948 = arith.constant 0 : i32
      %dma_wait3A_949 = tpu.memref_slice %arg21[%dma_wait3A_936, %dma_wait3A_946, %dma_wait3A_947, %dma_wait3A_948] : memref<2x8x8x128xf32, #tpu.memory_space<vmem>> -> memref<1x8x8x128xf32, #tpu.memory_space<vmem>>
      %dma_wait3A_950 = tpu.memref_squeeze %dma_wait3A_949 : memref<1x8x8x128xf32, #tpu.memory_space<vmem>> -> memref<8x8x128xf32, #tpu.memory_space<vmem>>
      %dma_wait3A_951 = arith.constant 0 : i32
      %dma_wait3A_952 = arith.constant 0 : i32
      %dma_wait3A_953 = arith.constant 0 : i32
      %dma_wait3A_954 = tpu.memref_slice %arg10[%dma_wait3A_951, %dma_wait3A_952, %dma_wait3A_953] : memref<16x8x128xf32, #tpu.memory_space<hbm>> -> memref<8x8x128xf32, #tpu.memory_space<hbm>>
      tpu.wait_dma2 semaphore(%arg31 : memref<!tpu.dma_semaphore, #tpu.memory_space<semaphore_mem>>) src(%dma_wait3A_954 : memref<8x8x128xf32, #tpu.memory_space<hbm>>) dst(%dma_wait3A_950 : memref<8x8x128xf32, #tpu.memory_space<vmem>>)
      %dma_wait3A_955 = arith.constant 0 : i32
      %dma_wait3A_956 = arith.constant 0 : i32
      %dma_wait3A_957 = arith.constant 0 : i32
      %dma_wait3A_958 = arith.constant 0 : i32
      %dma_wait3A_959 = tpu.memref_slice %arg22[%dma_wait3A_955, %dma_wait3A_956, %dma_wait3A_957, %dma_wait3A_958] : memref<2x8x8x128xf32, #tpu.memory_space<vmem>> -> memref<1x8x8x128xf32, #tpu.memory_space<vmem>>
      %dma_wait3A_960 = tpu.memref_squeeze %dma_wait3A_959 : memref<1x8x8x128xf32, #tpu.memory_space<vmem>> -> memref<8x8x128xf32, #tpu.memory_space<vmem>>
      %dma_wait3A_961 = arith.constant 0 : i32
      %dma_wait3A_962 = arith.constant 0 : i32
      %dma_wait3A_963 = arith.constant 0 : i32
      %dma_wait3A_964 = tpu.memref_slice %arg10[%dma_wait3A_961, %dma_wait3A_962, %dma_wait3A_963] : memref<16x8x128xf32, #tpu.memory_space<hbm>> -> memref<8x8x128xf32, #tpu.memory_space<hbm>>
      %dma_wait3A_965 = arith.constant 0 : i32
      %dma_wait3A_966 = arith.constant 0 : i32
      %dma_wait3A_967 = arith.constant 0 : i32
      %dma_wait3A_968 = tpu.memref_slice %arg22[%dma_wait3A_955, %dma_wait3A_965, %dma_wait3A_966, %dma_wait3A_967] : memref<2x8x8x128xf32, #tpu.memory_space<vmem>> -> memref<1x8x8x128xf32, #tpu.memory_space<vmem>>
      %dma_wait3A_969 = tpu.memref_squeeze %dma_wait3A_968 : memref<1x8x8x128xf32, #tpu.memory_space<vmem>> -> memref<8x8x128xf32, #tpu.memory_space<vmem>>
      %dma_wait3A_970 = arith.constant 0 : i32
      %dma_wait3A_971 = arith.constant 0 : i32
      %dma_wait3A_972 = arith.constant 0 : i32
      %dma_wait3A_973 = tpu.memref_slice %arg10[%dma_wait3A_970, %dma_wait3A_971, %dma_wait3A_972] : memref<16x8x128xf32, #tpu.memory_space<hbm>> -> memref<8x8x128xf32, #tpu.memory_space<hbm>>
      tpu.wait_dma2 semaphore(%arg32 : memref<!tpu.dma_semaphore, #tpu.memory_space<semaphore_mem>>) src(%dma_wait3A_973 : memref<8x8x128xf32, #tpu.memory_space<hbm>>) dst(%dma_wait3A_969 : memref<8x8x128xf32, #tpu.memory_space<vmem>>)
      %dma_wait3A_974 = arith.constant 0 : i32
      %dma_wait3A_975 = arith.constant 0 : i32
      %dma_wait3A_976 = arith.constant 0 : i32
      %dma_wait3A_977 = arith.constant 0 : i32
      %dma_wait3A_978 = tpu.memref_slice %arg23[%dma_wait3A_974, %dma_wait3A_975, %dma_wait3A_976, %dma_wait3A_977] : memref<2x16x8x128xf32, #tpu.memory_space<vmem>> -> memref<1x16x8x128xf32, #tpu.memory_space<vmem>>
      %dma_wait3A_979 = tpu.memref_squeeze %dma_wait3A_978 : memref<1x16x8x128xf32, #tpu.memory_space<vmem>> -> memref<16x8x128xf32, #tpu.memory_space<vmem>>
      %dma_wait3A_980 = arith.constant 0 : i32
      %dma_wait3A_981 = arith.constant 0 : i32
      %dma_wait3A_982 = arith.constant 0 : i32
      %dma_wait3A_983 = tpu.memref_slice %arg10[%dma_wait3A_980, %dma_wait3A_981, %dma_wait3A_982] : memref<16x8x128xf32, #tpu.memory_space<hbm>> -> memref<16x8x128xf32, #tpu.memory_space<hbm>>
      %dma_wait3A_984 = arith.constant 0 : i32
      %dma_wait3A_985 = arith.constant 0 : i32
      %dma_wait3A_986 = arith.constant 0 : i32
      %dma_wait3A_987 = tpu.memref_slice %arg23[%dma_wait3A_974, %dma_wait3A_984, %dma_wait3A_985, %dma_wait3A_986] : memref<2x16x8x128xf32, #tpu.memory_space<vmem>> -> memref<1x16x8x128xf32, #tpu.memory_space<vmem>>
      %dma_wait3A_988 = tpu.memref_squeeze %dma_wait3A_987 : memref<1x16x8x128xf32, #tpu.memory_space<vmem>> -> memref<16x8x128xf32, #tpu.memory_space<vmem>>
      %dma_wait3A_989 = arith.constant 0 : i32
      %dma_wait3A_990 = arith.constant 0 : i32
      %dma_wait3A_991 = arith.constant 0 : i32
      %dma_wait3A_992 = tpu.memref_slice %arg10[%dma_wait3A_989, %dma_wait3A_990, %dma_wait3A_991] : memref<16x8x128xf32, #tpu.memory_space<hbm>> -> memref<16x8x128xf32, #tpu.memory_space<hbm>>
      tpu.wait_dma2 semaphore(%arg33 : memref<!tpu.dma_semaphore, #tpu.memory_space<semaphore_mem>>) src(%dma_wait3A_992 : memref<16x8x128xf32, #tpu.memory_space<hbm>>) dst(%dma_wait3A_988 : memref<16x8x128xf32, #tpu.memory_space<vmem>>)
      %mul3A_993 = arith.constant 4 : i32
      %mul3A_994 = arith.muli %mul3A_498, %mul3A_993 : i32
      %get3A_995 = arith.index_cast %mul3A_994 : i32 to index
      %get3A_996 = tpu.vector_load %arg16[%get3A_995] {strides = array<i32>} : memref<528xi32, #tpu.memory_space<vmem>>, vector<16xi32>,
      %mul3A_997 = arith.constant 4 : i32
      %mul3A_998 = arith.muli %mul3A_498, %mul3A_997 : i32
      %get3A_999 = arith.index_cast %mul3A_998 : i32 to index
      %get3A_1000 = tpu.vector_load %arg17[%get3A_999] {strides = array<i32>} : memref<528xi32, #tpu.memory_space<vmem>>, vector<16xi32>,
      %mul3A_1001 = arith.constant 4 : i32
      %mul3A_1002 = arith.muli %mul3A_498, %mul3A_1001 : i32
      %get3A_1003 = arith.index_cast %mul3A_1002 : i32 to index
      %get3A_1004 = tpu.vector_load %arg18[%get3A_1003] {strides = array<i32>} : memref<528xi32, #tpu.memory_space<vmem>>, vector<16xi32>,
      %and3A_1005 = arith.constant 127 : i32
      %and3A_1006 = vector.broadcast %and3A_1005 : i32 to vector<16xi32>
      %and3A_1007 = arith.andi %get3A_996, %and3A_1006 : vector<16xi32>
      %and3A_1008 = arith.constant 127 : i32
      %and3A_1009 = vector.broadcast %and3A_1008 : i32 to vector<16xi32>
      %and3A_1010 = arith.andi %get3A_1000, %and3A_1009 : vector<16xi32>
      %and3A_1011 = arith.constant 127 : i32
      %and3A_1012 = vector.broadcast %and3A_1011 : i32 to vector<16xi32>
      %and3A_1013 = arith.andi %get3A_1004, %and3A_1012 : vector<16xi32>
      %broadcast_in_dim3A = arith.constant 0 : i32
      %broadcast_in_dim3A_1014 = vector.broadcast %broadcast_in_dim3A : i32 to vector<16xi32>
      %add3A_1015 = arith.constant 0 : i32
      %add3A_1016 = vector.broadcast %add3A_1015 : i32 to vector<16xi32>
      %add3A_1017 = arith.addi %broadcast_in_dim3A_1014, %add3A_1016 : vector<16xi32>
      %mul3A_1018 = arith.constant 4 : i32
      %mul3A_1019 = arith.muli %mul3A_498, %mul3A_1018 : i32
      %add3A_1020 = arith.constant 0 : i32
      %add3A_1021 = arith.addi %mul3A_1019, %add3A_1020 : i32
      %broadcast_in_dim3A_1022 = arith.constant 0 : i32
      %broadcast_in_dim3A_1023 = vector.broadcast %broadcast_in_dim3A_1022 : i32 to vector<16xi32>
      %add3A_1024 = vector.broadcast %add3A_1021 : i32 to vector<16xi32>
      %add3A_1025 = arith.addi %add3A_1024, %broadcast_in_dim3A_1023 : vector<16xi32>
      %broadcast_in_dim3A_1026 = arith.constant 0 : i32
      %broadcast_in_dim3A_1027 = vector.broadcast %broadcast_in_dim3A_1026 : i32 to vector<16xi32>
      %add3A_1028 = arith.constant 0 : i32
      %add3A_1029 = vector.broadcast %add3A_1028 : i32 to vector<16xi32>
      %add3A_1030 = arith.addi %broadcast_in_dim3A_1027, %add3A_1029 : vector<16xi32>
      %slice3A_1031 = vector.extract_strided_slice %and3A_1007 {offsets = [0], sizes = [1], strides = [1]} : vector<16xi32> to vector<1xi32>
      %squeeze3A_1032 = vector.extract %slice3A_1031[0] : i32 from vector<1xi32>
      %broadcast_in_dim3A_1033 = arith.constant 0 : i32
      %broadcast_in_dim3A_1034 = vector.broadcast %broadcast_in_dim3A_1033 : i32 to vector<16xi32>
      %add3A_1035 = vector.broadcast %squeeze3A_1032 : i32 to vector<16xi32>
      %add3A_1036 = arith.addi %add3A_1035, %broadcast_in_dim3A_1034 : vector<16xi32>
      %gather3A = tpu.vector_load_idx %arg19[%add3A_1017, %add3A_1030, %and3A_4, %add3A_1036] masked %lt3A_6 : memref<2x4x8x128xf32, #tpu.memory_space<vmem>>[vector<16xi32>, vector<16xi32>, vector<16xi32>, vector<16xi32>], vector<16xf32>, vector<16xi1>
      tpu.vector_store_idx %arg24[%and3A_4, %add3A_1025], %gather3A masked %lt3A_6 : memref<8x512xf32, #tpu.memory_space<vmem>>[vector<16xi32>, vector<16xi32>], vector<16xf32>, vector<16xi1>
      %slice3A_1037 = vector.extract_strided_slice %and3A_1010 {offsets = [0], sizes = [1], strides = [1]} : vector<16xi32> to vector<1xi32>
      %squeeze3A_1038 = vector.extract %slice3A_1037[0] : i32 from vector<1xi32>
      %broadcast_in_dim3A_1039 = arith.constant 0 : i32
      %broadcast_in_dim3A_1040 = vector.broadcast %broadcast_in_dim3A_1039 : i32 to vector<16xi32>
      %add3A_1041 = vector.broadcast %squeeze3A_1038 : i32 to vector<16xi32>
      %add3A_1042 = arith.addi %add3A_1041, %broadcast_in_dim3A_1040 : vector<16xi32>
      %gather3A_1043 = tpu.vector_load_idx %arg20[%add3A_1017, %add3A_1030, %and3A_4, %add3A_1042] masked %lt3A_6 : memref<2x4x8x128xf32, #tpu.memory_space<vmem>>[vector<16xi32>, vector<16xi32>, vector<16xi32>, vector<16xi32>], vector<16xf32>, vector<16xi1>
      tpu.vector_store_idx %arg25[%and3A_4, %add3A_1025], %gather3A_1043 masked %lt3A_6 : memref<8x512xf32, #tpu.memory_space<vmem>>[vector<16xi32>, vector<16xi32>], vector<16xf32>, vector<16xi1>
      %mul3A_1044 = arith.constant 2 : i32
      %mul3A_1045 = vector.broadcast %mul3A_1044 : i32 to vector<16xi32>
      %mul3A_1046 = arith.muli %mul3A_1045, %add3A_1030 : vector<16xi32>
      %add3A_1047 = arith.addi %mul3A_1046, %shift_right_arithmetic3A_8 : vector<16xi32>
      %gather3A_1048 = tpu.vector_load_idx %arg21[%add3A_1017, %add3A_1047, %and3A_4, %add3A_1036] : memref<2x8x8x128xf32, #tpu.memory_space<vmem>>[vector<16xi32>, vector<16xi32>, vector<16xi32>, vector<16xi32>], vector<16xf32>,
      tpu.vector_store_idx %arg26[%iota3A, %add3A_1025], %gather3A_1048 : memref<16x512xf32, #tpu.memory_space<vmem>>[vector<16xi32>, vector<16xi32>], vector<16xf32>,
      %mul3A_1049 = arith.constant 2 : i32
      %mul3A_1050 = vector.broadcast %mul3A_1049 : i32 to vector<16xi32>
      %mul3A_1051 = arith.muli %mul3A_1050, %add3A_1030 : vector<16xi32>
      %add3A_1052 = arith.addi %mul3A_1051, %shift_right_arithmetic3A_8 : vector<16xi32>
      %gather3A_1053 = tpu.vector_load_idx %arg22[%add3A_1017, %add3A_1052, %and3A_4, %add3A_1042] : memref<2x8x8x128xf32, #tpu.memory_space<vmem>>[vector<16xi32>, vector<16xi32>, vector<16xi32>, vector<16xi32>], vector<16xf32>,
      tpu.vector_store_idx %arg27[%iota3A, %add3A_1025], %gather3A_1053 : memref<16x512xf32, #tpu.memory_space<vmem>>[vector<16xi32>, vector<16xi32>], vector<16xf32>,
      %slice3A_1054 = vector.extract_strided_slice %and3A_1013 {offsets = [0], sizes = [1], strides = [1]} : vector<16xi32> to vector<1xi32>
      %squeeze3A_1055 = vector.extract %slice3A_1054[0] : i32 from vector<1xi32>
      %broadcast_in_dim3A_1056 = arith.constant 0 : i32
      %broadcast_in_dim3A_1057 = vector.broadcast %broadcast_in_dim3A_1056 : i32 to vector<16xi32>
      %add3A_1058 = vector.broadcast %squeeze3A_1055 : i32 to vector<16xi32>
      %add3A_1059 = arith.addi %add3A_1058, %broadcast_in_dim3A_1057 : vector<16xi32>
      %mul3A_1060 = arith.constant 4 : i32
      %mul3A_1061 = vector.broadcast %mul3A_1060 : i32 to vector<16xi32>
      %mul3A_1062 = arith.muli %mul3A_1061, %add3A_1030 : vector<16xi32>
      %add3A_1063 = arith.addi %mul3A_1062, %shift_right_arithmetic3A_8 : vector<16xi32>
      %gather3A_1064 = tpu.vector_load_idx %arg23[%add3A_1017, %add3A_1063, %and3A_4, %add3A_1059] : memref<2x16x8x128xf32, #tpu.memory_space<vmem>>[vector<16xi32>, vector<16xi32>, vector<16xi32>, vector<16xi32>], vector<16xf32>,
      tpu.vector_store_idx %arg28[%iota3A, %add3A_1025], %gather3A_1064 : memref<32x512xf32, #tpu.memory_space<vmem>>[vector<16xi32>, vector<16xi32>], vector<16xf32>,
      %mul3A_1065 = arith.constant 4 : i32
      %mul3A_1066 = vector.broadcast %mul3A_1065 : i32 to vector<16xi32>
      %mul3A_1067 = arith.muli %mul3A_1066, %add3A_1030 : vector<16xi32>
      %add3A_1068 = arith.constant 2 : i32
      %add3A_1069 = vector.broadcast %add3A_1068 : i32 to vector<16xi32>
      %add3A_1070 = arith.addi %mul3A_1067, %add3A_1069 : vector<16xi32>
      %add3A_1071 = arith.addi %add3A_1070, %shift_right_arithmetic3A_8 : vector<16xi32>
      %gather3A_1072 = tpu.vector_load_idx %arg23[%add3A_1017, %add3A_1071, %and3A_4, %add3A_1059] : memref<2x16x8x128xf32, #tpu.memory_space<vmem>>[vector<16xi32>, vector<16xi32>, vector<16xi32>, vector<16xi32>], vector<16xf32>,
      %add3A_1073 = arith.constant 16 : i32
      %add3A_1074 = vector.broadcast %add3A_1073 : i32 to vector<16xi32>
      %add3A_1075 = arith.addi %add3A_1074, %iota3A : vector<16xi32>
      tpu.vector_store_idx %arg28[%add3A_1075, %add3A_1025], %gather3A_1072 : memref<32x512xf32, #tpu.memory_space<vmem>>[vector<16xi32>, vector<16xi32>], vector<16xf32>,
      %mul3A_1076 = arith.constant 4 : i32
      %mul3A_1077 = arith.muli %mul3A_498, %mul3A_1076 : i32
      %add3A_1078 = arith.constant 1 : i32
      %add3A_1079 = arith.addi %mul3A_1077, %add3A_1078 : i32
      %broadcast_in_dim3A_1080 = arith.constant 0 : i32
      %broadcast_in_dim3A_1081 = vector.broadcast %broadcast_in_dim3A_1080 : i32 to vector<16xi32>
      %add3A_1082 = vector.broadcast %add3A_1079 : i32 to vector<16xi32>
      %add3A_1083 = arith.addi %add3A_1082, %broadcast_in_dim3A_1081 : vector<16xi32>
      %broadcast_in_dim3A_1084 = arith.constant 0 : i32
      %broadcast_in_dim3A_1085 = vector.broadcast %broadcast_in_dim3A_1084 : i32 to vector<16xi32>
      %add3A_1086 = arith.constant 1 : i32
      %add3A_1087 = vector.broadcast %add3A_1086 : i32 to vector<16xi32>
      %add3A_1088 = arith.addi %broadcast_in_dim3A_1085, %add3A_1087 : vector<16xi32>
      %slice3A_1089 = vector.extract_strided_slice %and3A_1007 {offsets = [1], sizes = [1], strides = [1]} : vector<16xi32> to vector<1xi32>
      %squeeze3A_1090 = vector.extract %slice3A_1089[0] : i32 from vector<1xi32>
      %broadcast_in_dim3A_1091 = arith.constant 0 : i32
      %broadcast_in_dim3A_1092 = vector.broadcast %broadcast_in_dim3A_1091 : i32 to vector<16xi32>
      %add3A_1093 = vector.broadcast %squeeze3A_1090 : i32 to vector<16xi32>
      %add3A_1094 = arith.addi %add3A_1093, %broadcast_in_dim3A_1092 : vector<16xi32>
      %gather3A_1095 = tpu.vector_load_idx %arg19[%add3A_1017, %add3A_1088, %and3A_4, %add3A_1094] masked %lt3A_6 : memref<2x4x8x128xf32, #tpu.memory_space<vmem>>[vector<16xi32>, vector<16xi32>, vector<16xi32>, vector<16xi32>], vector<16xf32>, vector<16xi1>
      tpu.vector_store_idx %arg24[%and3A_4, %add3A_1083], %gather3A_1095 masked %lt3A_6 : memref<8x512xf32, #tpu.memory_space<vmem>>[vector<16xi32>, vector<16xi32>], vector<16xf32>, vector<16xi1>
      %slice3A_1096 = vector.extract_strided_slice %and3A_1010 {offsets = [1], sizes = [1], strides = [1]} : vector<16xi32> to vector<1xi32>
      %squeeze3A_1097 = vector.extract %slice3A_1096[0] : i32 from vector<1xi32>
      %broadcast_in_dim3A_1098 = arith.constant 0 : i32
      %broadcast_in_dim3A_1099 = vector.broadcast %broadcast_in_dim3A_1098 : i32 to vector<16xi32>
      %add3A_1100 = vector.broadcast %squeeze3A_1097 : i32 to vector<16xi32>
      %add3A_1101 = arith.addi %add3A_1100, %broadcast_in_dim3A_1099 : vector<16xi32>
      %gather3A_1102 = tpu.vector_load_idx %arg20[%add3A_1017, %add3A_1088, %and3A_4, %add3A_1101] masked %lt3A_6 : memref<2x4x8x128xf32, #tpu.memory_space<vmem>>[vector<16xi32>, vector<16xi32>, vector<16xi32>, vector<16xi32>], vector<16xf32>, vector<16xi1>
      tpu.vector_store_idx %arg25[%and3A_4, %add3A_1083], %gather3A_1102 masked %lt3A_6 : memref<8x512xf32, #tpu.memory_space<vmem>>[vector<16xi32>, vector<16xi32>], vector<16xf32>, vector<16xi1>
      %mul3A_1103 = arith.constant 2 : i32
      %mul3A_1104 = vector.broadcast %mul3A_1103 : i32 to vector<16xi32>
      %mul3A_1105 = arith.muli %mul3A_1104, %add3A_1088 : vector<16xi32>
      %add3A_1106 = arith.addi %mul3A_1105, %shift_right_arithmetic3A_8 : vector<16xi32>
      %gather3A_1107 = tpu.vector_load_idx %arg21[%add3A_1017, %add3A_1106, %and3A_4, %add3A_1094] : memref<2x8x8x128xf32, #tpu.memory_space<vmem>>[vector<16xi32>, vector<16xi32>, vector<16xi32>, vector<16xi32>], vector<16xf32>,
      tpu.vector_store_idx %arg26[%iota3A, %add3A_1083], %gather3A_1107 : memref<16x512xf32, #tpu.memory_space<vmem>>[vector<16xi32>, vector<16xi32>], vector<16xf32>,
      %mul3A_1108 = arith.constant 2 : i32
      %mul3A_1109 = vector.broadcast %mul3A_1108 : i32 to vector<16xi32>
      %mul3A_1110 = arith.muli %mul3A_1109, %add3A_1088 : vector<16xi32>
      %add3A_1111 = arith.addi %mul3A_1110, %shift_right_arithmetic3A_8 : vector<16xi32>
      %gather3A_1112 = tpu.vector_load_idx %arg22[%add3A_1017, %add3A_1111, %and3A_4, %add3A_1101] : memref<2x8x8x128xf32, #tpu.memory_space<vmem>>[vector<16xi32>, vector<16xi32>, vector<16xi32>, vector<16xi32>], vector<16xf32>,
      tpu.vector_store_idx %arg27[%iota3A, %add3A_1083], %gather3A_1112 : memref<16x512xf32, #tpu.memory_space<vmem>>[vector<16xi32>, vector<16xi32>], vector<16xf32>,
      %slice3A_1113 = vector.extract_strided_slice %and3A_1013 {offsets = [1], sizes = [1], strides = [1]} : vector<16xi32> to vector<1xi32>
      %squeeze3A_1114 = vector.extract %slice3A_1113[0] : i32 from vector<1xi32>
      %broadcast_in_dim3A_1115 = arith.constant 0 : i32
      %broadcast_in_dim3A_1116 = vector.broadcast %broadcast_in_dim3A_1115 : i32 to vector<16xi32>
      %add3A_1117 = vector.broadcast %squeeze3A_1114 : i32 to vector<16xi32>
      %add3A_1118 = arith.addi %add3A_1117, %broadcast_in_dim3A_1116 : vector<16xi32>
      %mul3A_1119 = arith.constant 4 : i32
      %mul3A_1120 = vector.broadcast %mul3A_1119 : i32 to vector<16xi32>
      %mul3A_1121 = arith.muli %mul3A_1120, %add3A_1088 : vector<16xi32>
      %add3A_1122 = arith.addi %mul3A_1121, %shift_right_arithmetic3A_8 : vector<16xi32>
      %gather3A_1123 = tpu.vector_load_idx %arg23[%add3A_1017, %add3A_1122, %and3A_4, %add3A_1118] : memref<2x16x8x128xf32, #tpu.memory_space<vmem>>[vector<16xi32>, vector<16xi32>, vector<16xi32>, vector<16xi32>], vector<16xf32>,
      tpu.vector_store_idx %arg28[%iota3A, %add3A_1083], %gather3A_1123 : memref<32x512xf32, #tpu.memory_space<vmem>>[vector<16xi32>, vector<16xi32>], vector<16xf32>,
      %mul3A_1124 = arith.constant 4 : i32
      %mul3A_1125 = vector.broadcast %mul3A_1124 : i32 to vector<16xi32>
      %mul3A_1126 = arith.muli %mul3A_1125, %add3A_1088 : vector<16xi32>
      %add3A_1127 = arith.constant 2 : i32
      %add3A_1128 = vector.broadcast %add3A_1127 : i32 to vector<16xi32>
      %add3A_1129 = arith.addi %mul3A_1126, %add3A_1128 : vector<16xi32>
      %add3A_1130 = arith.addi %add3A_1129, %shift_right_arithmetic3A_8 : vector<16xi32>
      %gather3A_1131 = tpu.vector_load_idx %arg23[%add3A_1017, %add3A_1130, %and3A_4, %add3A_1118] : memref<2x16x8x128xf32, #tpu.memory_space<vmem>>[vector<16xi32>, vector<16xi32>, vector<16xi32>, vector<16xi32>], vector<16xf32>,
      %add3A_1132 = arith.constant 16 : i32
      %add3A_1133 = vector.broadcast %add3A_1132 : i32 to vector<16xi32>
      %add3A_1134 = arith.addi %add3A_1133, %iota3A : vector<16xi32>
      tpu.vector_store_idx %arg28[%add3A_1134, %add3A_1083], %gather3A_1131 : memref<32x512xf32, #tpu.memory_space<vmem>>[vector<16xi32>, vector<16xi32>], vector<16xf32>,
      %mul3A_1135 = arith.constant 4 : i32
      %mul3A_1136 = arith.muli %mul3A_498, %mul3A_1135 : i32
      %add3A_1137 = arith.constant 2 : i32
      %add3A_1138 = arith.addi %mul3A_1136, %add3A_1137 : i32
      %broadcast_in_dim3A_1139 = arith.constant 0 : i32
      %broadcast_in_dim3A_1140 = vector.broadcast %broadcast_in_dim3A_1139 : i32 to vector<16xi32>
      %add3A_1141 = vector.broadcast %add3A_1138 : i32 to vector<16xi32>
      %add3A_1142 = arith.addi %add3A_1141, %broadcast_in_dim3A_1140 : vector<16xi32>
      %broadcast_in_dim3A_1143 = arith.constant 0 : i32
      %broadcast_in_dim3A_1144 = vector.broadcast %broadcast_in_dim3A_1143 : i32 to vector<16xi32>
      %add3A_1145 = arith.constant 2 : i32
      %add3A_1146 = vector.broadcast %add3A_1145 : i32 to vector<16xi32>
      %add3A_1147 = arith.addi %broadcast_in_dim3A_1144, %add3A_1146 : vector<16xi32>
      %slice3A_1148 = vector.extract_strided_slice %and3A_1007 {offsets = [2], sizes = [1], strides = [1]} : vector<16xi32> to vector<1xi32>
      %squeeze3A_1149 = vector.extract %slice3A_1148[0] : i32 from vector<1xi32>
      %broadcast_in_dim3A_1150 = arith.constant 0 : i32
      %broadcast_in_dim3A_1151 = vector.broadcast %broadcast_in_dim3A_1150 : i32 to vector<16xi32>
      %add3A_1152 = vector.broadcast %squeeze3A_1149 : i32 to vector<16xi32>
      %add3A_1153 = arith.addi %add3A_1152, %broadcast_in_dim3A_1151 : vector<16xi32>
      %gather3A_1154 = tpu.vector_load_idx %arg19[%add3A_1017, %add3A_1147, %and3A_4, %add3A_1153] masked %lt3A_6 : memref<2x4x8x128xf32, #tpu.memory_space<vmem>>[vector<16xi32>, vector<16xi32>, vector<16xi32>, vector<16xi32>], vector<16xf32>, vector<16xi1>
      tpu.vector_store_idx %arg24[%and3A_4, %add3A_1142], %gather3A_1154 masked %lt3A_6 : memref<8x512xf32, #tpu.memory_space<vmem>>[vector<16xi32>, vector<16xi32>], vector<16xf32>, vector<16xi1>
      %slice3A_1155 = vector.extract_strided_slice %and3A_1010 {offsets = [2], sizes = [1], strides = [1]} : vector<16xi32> to vector<1xi32>
      %squeeze3A_1156 = vector.extract %slice3A_1155[0] : i32 from vector<1xi32>
      %broadcast_in_dim3A_1157 = arith.constant 0 : i32
      %broadcast_in_dim3A_1158 = vector.broadcast %broadcast_in_dim3A_1157 : i32 to vector<16xi32>
      %add3A_1159 = vector.broadcast %squeeze3A_1156 : i32 to vector<16xi32>
      %add3A_1160 = arith.addi %add3A_1159, %broadcast_in_dim3A_1158 : vector<16xi32>
      %gather3A_1161 = tpu.vector_load_idx %arg20[%add3A_1017, %add3A_1147, %and3A_4, %add3A_1160] masked %lt3A_6 : memref<2x4x8x128xf32, #tpu.memory_space<vmem>>[vector<16xi32>, vector<16xi32>, vector<16xi32>, vector<16xi32>], vector<16xf32>, vector<16xi1>
      tpu.vector_store_idx %arg25[%and3A_4, %add3A_1142], %gather3A_1161 masked %lt3A_6 : memref<8x512xf32, #tpu.memory_space<vmem>>[vector<16xi32>, vector<16xi32>], vector<16xf32>, vector<16xi1>
      %mul3A_1162 = arith.constant 2 : i32
      %mul3A_1163 = vector.broadcast %mul3A_1162 : i32 to vector<16xi32>
      %mul3A_1164 = arith.muli %mul3A_1163, %add3A_1147 : vector<16xi32>
      %add3A_1165 = arith.addi %mul3A_1164, %shift_right_arithmetic3A_8 : vector<16xi32>
      %gather3A_1166 = tpu.vector_load_idx %arg21[%add3A_1017, %add3A_1165, %and3A_4, %add3A_1153] : memref<2x8x8x128xf32, #tpu.memory_space<vmem>>[vector<16xi32>, vector<16xi32>, vector<16xi32>, vector<16xi32>], vector<16xf32>,
      tpu.vector_store_idx %arg26[%iota3A, %add3A_1142], %gather3A_1166 : memref<16x512xf32, #tpu.memory_space<vmem>>[vector<16xi32>, vector<16xi32>], vector<16xf32>,
      %mul3A_1167 = arith.constant 2 : i32
      %mul3A_1168 = vector.broadcast %mul3A_1167 : i32 to vector<16xi32>
      %mul3A_1169 = arith.muli %mul3A_1168, %add3A_1147 : vector<16xi32>
      %add3A_1170 = arith.addi %mul3A_1169, %shift_right_arithmetic3A_8 : vector<16xi32>
      %gather3A_1171 = tpu.vector_load_idx %arg22[%add3A_1017, %add3A_1170, %and3A_4, %add3A_1160] : memref<2x8x8x128xf32, #tpu.memory_space<vmem>>[vector<16xi32>, vector<16xi32>, vector<16xi32>, vector<16xi32>], vector<16xf32>,
      tpu.vector_store_idx %arg27[%iota3A, %add3A_1142], %gather3A_1171 : memref<16x512xf32, #tpu.memory_space<vmem>>[vector<16xi32>, vector<16xi32>], vector<16xf32>,
      %slice3A_1172 = vector.extract_strided_slice %and3A_1013 {offsets = [2], sizes = [1], strides = [1]} : vector<16xi32> to vector<1xi32>
      %squeeze3A_1173 = vector.extract %slice3A_1172[0] : i32 from vector<1xi32>
      %broadcast_in_dim3A_1174 = arith.constant 0 : i32
      %broadcast_in_dim3A_1175 = vector.broadcast %broadcast_in_dim3A_1174 : i32 to vector<16xi32>
      %add3A_1176 = vector.broadcast %squeeze3A_1173 : i32 to vector<16xi32>
      %add3A_1177 = arith.addi %add3A_1176, %broadcast_in_dim3A_1175 : vector<16xi32>
      %mul3A_1178 = arith.constant 4 : i32
      %mul3A_1179 = vector.broadcast %mul3A_1178 : i32 to vector<16xi32>
      %mul3A_1180 = arith.muli %mul3A_1179, %add3A_1147 : vector<16xi32>
      %add3A_1181 = arith.addi %mul3A_1180, %shift_right_arithmetic3A_8 : vector<16xi32>
      %gather3A_1182 = tpu.vector_load_idx %arg23[%add3A_1017, %add3A_1181, %and3A_4, %add3A_1177] : memref<2x16x8x128xf32, #tpu.memory_space<vmem>>[vector<16xi32>, vector<16xi32>, vector<16xi32>, vector<16xi32>], vector<16xf32>,
      tpu.vector_store_idx %arg28[%iota3A, %add3A_1142], %gather3A_1182 : memref<32x512xf32, #tpu.memory_space<vmem>>[vector<16xi32>, vector<16xi32>], vector<16xf32>,
      %mul3A_1183 = arith.constant 4 : i32
      %mul3A_1184 = vector.broadcast %mul3A_1183 : i32 to vector<16xi32>
      %mul3A_1185 = arith.muli %mul3A_1184, %add3A_1147 : vector<16xi32>
      %add3A_1186 = arith.constant 2 : i32
      %add3A_1187 = vector.broadcast %add3A_1186 : i32 to vector<16xi32>
      %add3A_1188 = arith.addi %mul3A_1185, %add3A_1187 : vector<16xi32>
      %add3A_1189 = arith.addi %add3A_1188, %shift_right_arithmetic3A_8 : vector<16xi32>
      %gather3A_1190 = tpu.vector_load_idx %arg23[%add3A_1017, %add3A_1189, %and3A_4, %add3A_1177] : memref<2x16x8x128xf32, #tpu.memory_space<vmem>>[vector<16xi32>, vector<16xi32>, vector<16xi32>, vector<16xi32>], vector<16xf32>,
      %add3A_1191 = arith.constant 16 : i32
      %add3A_1192 = vector.broadcast %add3A_1191 : i32 to vector<16xi32>
      %add3A_1193 = arith.addi %add3A_1192, %iota3A : vector<16xi32>
      tpu.vector_store_idx %arg28[%add3A_1193, %add3A_1142], %gather3A_1190 : memref<32x512xf32, #tpu.memory_space<vmem>>[vector<16xi32>, vector<16xi32>], vector<16xf32>,
      %mul3A_1194 = arith.constant 4 : i32
      %mul3A_1195 = arith.muli %mul3A_498, %mul3A_1194 : i32
      %add3A_1196 = arith.constant 3 : i32
      %add3A_1197 = arith.addi %mul3A_1195, %add3A_1196 : i32
      %broadcast_in_dim3A_1198 = arith.constant 0 : i32
      %broadcast_in_dim3A_1199 = vector.broadcast %broadcast_in_dim3A_1198 : i32 to vector<16xi32>
      %add3A_1200 = vector.broadcast %add3A_1197 : i32 to vector<16xi32>
      %add3A_1201 = arith.addi %add3A_1200, %broadcast_in_dim3A_1199 : vector<16xi32>
      %broadcast_in_dim3A_1202 = arith.constant 0 : i32
      %broadcast_in_dim3A_1203 = vector.broadcast %broadcast_in_dim3A_1202 : i32 to vector<16xi32>
      %add3A_1204 = arith.constant 3 : i32
      %add3A_1205 = vector.broadcast %add3A_1204 : i32 to vector<16xi32>
      %add3A_1206 = arith.addi %broadcast_in_dim3A_1203, %add3A_1205 : vector<16xi32>
      %slice3A_1207 = vector.extract_strided_slice %and3A_1007 {offsets = [3], sizes = [1], strides = [1]} : vector<16xi32> to vector<1xi32>
      %squeeze3A_1208 = vector.extract %slice3A_1207[0] : i32 from vector<1xi32>
      %broadcast_in_dim3A_1209 = arith.constant 0 : i32
      %broadcast_in_dim3A_1210 = vector.broadcast %broadcast_in_dim3A_1209 : i32 to vector<16xi32>
      %add3A_1211 = vector.broadcast %squeeze3A_1208 : i32 to vector<16xi32>
      %add3A_1212 = arith.addi %add3A_1211, %broadcast_in_dim3A_1210 : vector<16xi32>
      %gather3A_1213 = tpu.vector_load_idx %arg19[%add3A_1017, %add3A_1206, %and3A_4, %add3A_1212] masked %lt3A_6 : memref<2x4x8x128xf32, #tpu.memory_space<vmem>>[vector<16xi32>, vector<16xi32>, vector<16xi32>, vector<16xi32>], vector<16xf32>, vector<16xi1>
      tpu.vector_store_idx %arg24[%and3A_4, %add3A_1201], %gather3A_1213 masked %lt3A_6 : memref<8x512xf32, #tpu.memory_space<vmem>>[vector<16xi32>, vector<16xi32>], vector<16xf32>, vector<16xi1>
      %slice3A_1214 = vector.extract_strided_slice %and3A_1010 {offsets = [3], sizes = [1], strides = [1]} : vector<16xi32> to vector<1xi32>
      %squeeze3A_1215 = vector.extract %slice3A_1214[0] : i32 from vector<1xi32>
      %broadcast_in_dim3A_1216 = arith.constant 0 : i32
      %broadcast_in_dim3A_1217 = vector.broadcast %broadcast_in_dim3A_1216 : i32 to vector<16xi32>
      %add3A_1218 = vector.broadcast %squeeze3A_1215 : i32 to vector<16xi32>
      %add3A_1219 = arith.addi %add3A_1218, %broadcast_in_dim3A_1217 : vector<16xi32>
      %gather3A_1220 = tpu.vector_load_idx %arg20[%add3A_1017, %add3A_1206, %and3A_4, %add3A_1219] masked %lt3A_6 : memref<2x4x8x128xf32, #tpu.memory_space<vmem>>[vector<16xi32>, vector<16xi32>, vector<16xi32>, vector<16xi32>], vector<16xf32>, vector<16xi1>
      tpu.vector_store_idx %arg25[%and3A_4, %add3A_1201], %gather3A_1220 masked %lt3A_6 : memref<8x512xf32, #tpu.memory_space<vmem>>[vector<16xi32>, vector<16xi32>], vector<16xf32>, vector<16xi1>
      %mul3A_1221 = arith.constant 2 : i32
      %mul3A_1222 = vector.broadcast %mul3A_1221 : i32 to vector<16xi32>
      %mul3A_1223 = arith.muli %mul3A_1222, %add3A_1206 : vector<16xi32>
      %add3A_1224 = arith.addi %mul3A_1223, %shift_right_arithmetic3A_8 : vector<16xi32>
      %gather3A_1225 = tpu.vector_load_idx %arg21[%add3A_1017, %add3A_1224, %and3A_4, %add3A_1212] : memref<2x8x8x128xf32, #tpu.memory_space<vmem>>[vector<16xi32>, vector<16xi32>, vector<16xi32>, vector<16xi32>], vector<16xf32>,
      tpu.vector_store_idx %arg26[%iota3A, %add3A_1201], %gather3A_1225 : memref<16x512xf32, #tpu.memory_space<vmem>>[vector<16xi32>, vector<16xi32>], vector<16xf32>,
      %mul3A_1226 = arith.constant 2 : i32
      %mul3A_1227 = vector.broadcast %mul3A_1226 : i32 to vector<16xi32>
      %mul3A_1228 = arith.muli %mul3A_1227, %add3A_1206 : vector<16xi32>
      %add3A_1229 = arith.addi %mul3A_1228, %shift_right_arithmetic3A_8 : vector<16xi32>
      %gather3A_1230 = tpu.vector_load_idx %arg22[%add3A_1017, %add3A_1229, %and3A_4, %add3A_1219] : memref<2x8x8x128xf32, #tpu.memory_space<vmem>>[vector<16xi32>, vector<16xi32>, vector<16xi32>, vector<16xi32>], vector<16xf32>,
      tpu.vector_store_idx %arg27[%iota3A, %add3A_1201], %gather3A_1230 : memref<16x512xf32, #tpu.memory_space<vmem>>[vector<16xi32>, vector<16xi32>], vector<16xf32>,
      %slice3A_1231 = vector.extract_strided_slice %and3A_1013 {offsets = [3], sizes = [1], strides = [1]} : vector<16xi32> to vector<1xi32>
      %squeeze3A_1232 = vector.extract %slice3A_1231[0] : i32 from vector<1xi32>
      %broadcast_in_dim3A_1233 = arith.constant 0 : i32
      %broadcast_in_dim3A_1234 = vector.broadcast %broadcast_in_dim3A_1233 : i32 to vector<16xi32>
      %add3A_1235 = vector.broadcast %squeeze3A_1232 : i32 to vector<16xi32>
      %add3A_1236 = arith.addi %add3A_1235, %broadcast_in_dim3A_1234 : vector<16xi32>
      %mul3A_1237 = arith.constant 4 : i32
      %mul3A_1238 = vector.broadcast %mul3A_1237 : i32 to vector<16xi32>
      %mul3A_1239 = arith.muli %mul3A_1238, %add3A_1206 : vector<16xi32>
      %add3A_1240 = arith.addi %mul3A_1239, %shift_right_arithmetic3A_8 : vector<16xi32>
      %gather3A_1241 = tpu.vector_load_idx %arg23[%add3A_1017, %add3A_1240, %and3A_4, %add3A_1236] : memref<2x16x8x128xf32, #tpu.memory_space<vmem>>[vector<16xi32>, vector<16xi32>, vector<16xi32>, vector<16xi32>], vector<16xf32>,
      tpu.vector_store_idx %arg28[%iota3A, %add3A_1201], %gather3A_1241 : memref<32x512xf32, #tpu.memory_space<vmem>>[vector<16xi32>, vector<16xi32>], vector<16xf32>,
      %mul3A_1242 = arith.constant 4 : i32
      %mul3A_1243 = vector.broadcast %mul3A_1242 : i32 to vector<16xi32>
      %mul3A_1244 = arith.muli %mul3A_1243, %add3A_1206 : vector<16xi32>
      %add3A_1245 = arith.constant 2 : i32
      %add3A_1246 = vector.broadcast %add3A_1245 : i32 to vector<16xi32>
      %add3A_1247 = arith.addi %mul3A_1244, %add3A_1246 : vector<16xi32>
      %add3A_1248 = arith.addi %add3A_1247, %shift_right_arithmetic3A_8 : vector<16xi32>
      %gather3A_1249 = tpu.vector_load_idx %arg23[%add3A_1017, %add3A_1248, %and3A_4, %add3A_1236] : memref<2x16x8x128xf32, #tpu.memory_space<vmem>>[vector<16xi32>, vector<16xi32>, vector<16xi32>, vector<16xi32>], vector<16xf32>,
      %add3A_1250 = arith.constant 16 : i32
      %add3A_1251 = vector.broadcast %add3A_1250 : i32 to vector<16xi32>
      %add3A_1252 = arith.addi %add3A_1251, %iota3A : vector<16xi32>
      tpu.vector_store_idx %arg28[%add3A_1252, %add3A_1201], %gather3A_1249 : memref<32x512xf32, #tpu.memory_space<vmem>>[vector<16xi32>, vector<16xi32>], vector<16xf32>,
      %add3A_1253 = arith.constant 2 : i32
      %add3A_1254 = arith.addi %mul3A_498, %add3A_1253 : i32
      %min3A = arith.constant 127 : i32
      %min3A_1255 = arith.minsi %add3A_1254, %min3A : i32
      %mul3A_1256 = arith.constant 4 : i32
      %mul3A_1257 = arith.muli %min3A_1255, %mul3A_1256 : i32
      %get3A_1258 = arith.index_cast %mul3A_1257 : i32 to index
      %get3A_1259 = tpu.vector_load %arg16[%get3A_1258] {strides = array<i32>} : memref<528xi32, #tpu.memory_space<vmem>>, vector<16xi32>,
      %mul3A_1260 = arith.constant 4 : i32
      %mul3A_1261 = arith.muli %min3A_1255, %mul3A_1260 : i32
      %get3A_1262 = arith.index_cast %mul3A_1261 : i32 to index
      %get3A_1263 = tpu.vector_load %arg17[%get3A_1262] {strides = array<i32>} : memref<528xi32, #tpu.memory_space<vmem>>, vector<16xi32>,
      %mul3A_1264 = arith.constant 4 : i32
      %mul3A_1265 = arith.muli %min3A_1255, %mul3A_1264 : i32
      %get3A_1266 = arith.index_cast %mul3A_1265 : i32 to index
      %get3A_1267 = tpu.vector_load %arg18[%get3A_1266] {strides = array<i32>} : memref<528xi32, #tpu.memory_space<vmem>>, vector<16xi32>,
      %and3A_1268 = arith.constant -128 : i32
      %and3A_1269 = vector.broadcast %and3A_1268 : i32 to vector<16xi32>
      %and3A_1270 = arith.andi %get3A_1259, %and3A_1269 : vector<16xi32>
      %and3A_1271 = arith.constant -128 : i32
      %and3A_1272 = vector.broadcast %and3A_1271 : i32 to vector<16xi32>
      %and3A_1273 = arith.andi %get3A_1263, %and3A_1272 : vector<16xi32>
      %and3A_1274 = arith.constant -128 : i32
      %and3A_1275 = vector.broadcast %and3A_1274 : i32 to vector<16xi32>
      %and3A_1276 = arith.andi %get3A_1267, %and3A_1275 : vector<16xi32>
      %slice3A_1277 = vector.extract_strided_slice %and3A_1270 {offsets = [0], sizes = [1], strides = [1]} : vector<16xi32> to vector<1xi32>
      %squeeze3A_1278 = vector.extract %slice3A_1277[0] : i32 from vector<1xi32>
      %multiple_of3A_1279 = tpu.assume_multiple %squeeze3A_1278, 128 : i32
      %slice3A_1280 = vector.extract_strided_slice %and3A_1273 {offsets = [0], sizes = [1], strides = [1]} : vector<16xi32> to vector<1xi32>
      %squeeze3A_1281 = vector.extract %slice3A_1280[0] : i32 from vector<1xi32>
      %multiple_of3A_1282 = tpu.assume_multiple %squeeze3A_1281, 128 : i32
      %slice3A_1283 = vector.extract_strided_slice %and3A_1276 {offsets = [0], sizes = [1], strides = [1]} : vector<16xi32> to vector<1xi32>
      %squeeze3A_1284 = vector.extract %slice3A_1283[0] : i32 from vector<1xi32>
      %multiple_of3A_1285 = tpu.assume_multiple %squeeze3A_1284, 128 : i32
      %dma_start3A_1286 = arith.constant 0 : i32
      %dma_start3A_1287 = arith.constant 0 : i32
      %dma_start3A_1288 = arith.constant 0 : i32
      %dma_start3A_1289 = arith.constant 0 : i32
      %dma_start3A_1290 = arith.constant 0 : i32
      %dma_start3A_1291 = tpu.memref_slice %arg19[%dma_start3A_1287, %dma_start3A_1288, %dma_start3A_1289, %dma_start3A_1290] : memref<2x4x8x128xf32, #tpu.memory_space<vmem>> -> memref<1x1x8x128xf32, #tpu.memory_space<vmem>>
      %dma_start3A_1292 = tpu.memref_squeeze %dma_start3A_1291 : memref<1x1x8x128xf32, #tpu.memory_space<vmem>> -> memref<8x128xf32, #tpu.memory_space<vmem>>
      %dma_start3A_1293 = arith.constant 0 : i32
      %dma_start3A_1294 = tpu.memref_slice %arg5[%dma_start3A_1286, %dma_start3A_1293, %multiple_of3A_1279] : memref<1x8x1000000xf32, #tpu.memory_space<hbm>> -> memref<1x8x128xf32, #tpu.memory_space<hbm>>
      %dma_start3A_1295 = tpu.memref_squeeze %dma_start3A_1294 : memref<1x8x128xf32, #tpu.memory_space<hbm>> -> memref<8x128xf32, #tpu.memory_space<hbm>>
      %dma_start3A_1296 = arith.constant 0 : i32
      %dma_start3A_1297 = arith.constant 0 : i32
      %dma_start3A_1298 = tpu.memref_slice %arg19[%dma_start3A_1287, %dma_start3A_1288, %dma_start3A_1296, %dma_start3A_1297] : memref<2x4x8x128xf32, #tpu.memory_space<vmem>> -> memref<1x1x8x128xf32, #tpu.memory_space<vmem>>
      %dma_start3A_1299 = tpu.memref_squeeze %dma_start3A_1298 : memref<1x1x8x128xf32, #tpu.memory_space<vmem>> -> memref<8x128xf32, #tpu.memory_space<vmem>>
      %dma_start3A_1300 = arith.constant 0 : i32
      %dma_start3A_1301 = tpu.memref_slice %arg5[%dma_start3A_1286, %dma_start3A_1300, %multiple_of3A_1279] : memref<1x8x1000000xf32, #tpu.memory_space<hbm>> -> memref<1x8x128xf32, #tpu.memory_space<hbm>>
      %dma_start3A_1302 = tpu.memref_squeeze %dma_start3A_1301 : memref<1x8x128xf32, #tpu.memory_space<hbm>> -> memref<8x128xf32, #tpu.memory_space<hbm>>
      tpu.enqueue_dma source(%dma_start3A_1302 : memref<8x128xf32, #tpu.memory_space<hbm>>) target(%dma_start3A_1299 : memref<8x128xf32, #tpu.memory_space<vmem>>) target_semaphore(%arg29 : memref<!tpu.dma_semaphore, #tpu.memory_space<semaphore_mem>>)
      %dma_start3A_1303 = arith.constant 0 : i32
      %dma_start3A_1304 = arith.constant 0 : i32
      %dma_start3A_1305 = arith.constant 0 : i32
      %dma_start3A_1306 = arith.constant 0 : i32
      %dma_start3A_1307 = arith.constant 0 : i32
      %dma_start3A_1308 = tpu.memref_slice %arg20[%dma_start3A_1304, %dma_start3A_1305, %dma_start3A_1306, %dma_start3A_1307] : memref<2x4x8x128xf32, #tpu.memory_space<vmem>> -> memref<1x1x8x128xf32, #tpu.memory_space<vmem>>
      %dma_start3A_1309 = tpu.memref_squeeze %dma_start3A_1308 : memref<1x1x8x128xf32, #tpu.memory_space<vmem>> -> memref<8x128xf32, #tpu.memory_space<vmem>>
      %dma_start3A_1310 = arith.constant 0 : i32
      %dma_start3A_1311 = tpu.memref_slice %arg6[%dma_start3A_1303, %dma_start3A_1310, %multiple_of3A_1282] : memref<1x8x1000000xf32, #tpu.memory_space<hbm>> -> memref<1x8x128xf32, #tpu.memory_space<hbm>>
      %dma_start3A_1312 = tpu.memref_squeeze %dma_start3A_1311 : memref<1x8x128xf32, #tpu.memory_space<hbm>> -> memref<8x128xf32, #tpu.memory_space<hbm>>
      %dma_start3A_1313 = arith.constant 0 : i32
      %dma_start3A_1314 = arith.constant 0 : i32
      %dma_start3A_1315 = tpu.memref_slice %arg20[%dma_start3A_1304, %dma_start3A_1305, %dma_start3A_1313, %dma_start3A_1314] : memref<2x4x8x128xf32, #tpu.memory_space<vmem>> -> memref<1x1x8x128xf32, #tpu.memory_space<vmem>>
      %dma_start3A_1316 = tpu.memref_squeeze %dma_start3A_1315 : memref<1x1x8x128xf32, #tpu.memory_space<vmem>> -> memref<8x128xf32, #tpu.memory_space<vmem>>
      %dma_start3A_1317 = arith.constant 0 : i32
      %dma_start3A_1318 = tpu.memref_slice %arg6[%dma_start3A_1303, %dma_start3A_1317, %multiple_of3A_1282] : memref<1x8x1000000xf32, #tpu.memory_space<hbm>> -> memref<1x8x128xf32, #tpu.memory_space<hbm>>
      %dma_start3A_1319 = tpu.memref_squeeze %dma_start3A_1318 : memref<1x8x128xf32, #tpu.memory_space<hbm>> -> memref<8x128xf32, #tpu.memory_space<hbm>>
      tpu.enqueue_dma source(%dma_start3A_1319 : memref<8x128xf32, #tpu.memory_space<hbm>>) target(%dma_start3A_1316 : memref<8x128xf32, #tpu.memory_space<vmem>>) target_semaphore(%arg30 : memref<!tpu.dma_semaphore, #tpu.memory_space<semaphore_mem>>)
      %dma_start3A_1320 = arith.constant 0 : i32
      %dma_start3A_1321 = arith.constant 0 : i32
      %dma_start3A_1322 = arith.constant 0 : i32
      %dma_start3A_1323 = arith.constant 0 : i32
      %dma_start3A_1324 = tpu.memref_slice %arg21[%dma_start3A_1320, %dma_start3A_1321, %dma_start3A_1322, %dma_start3A_1323] : memref<2x8x8x128xf32, #tpu.memory_space<vmem>> -> memref<1x2x8x128xf32, #tpu.memory_space<vmem>>
      %dma_start3A_1325 = tpu.memref_squeeze %dma_start3A_1324 : memref<1x2x8x128xf32, #tpu.memory_space<vmem>> -> memref<2x8x128xf32, #tpu.memory_space<vmem>>
      %dma_start3A_1326 = arith.constant 0 : i32
      %dma_start3A_1327 = arith.constant 0 : i32
      %dma_start3A_1328 = tpu.memref_slice %arg7[%dma_start3A_1326, %dma_start3A_1327, %multiple_of3A_1279] : memref<2x8x1000000xf32, #tpu.memory_space<hbm>> -> memref<2x8x128xf32, #tpu.memory_space<hbm>>
      %dma_start3A_1329 = arith.constant 0 : i32
      %dma_start3A_1330 = arith.constant 0 : i32
      %dma_start3A_1331 = arith.constant 0 : i32
      %dma_start3A_1332 = tpu.memref_slice %arg21[%dma_start3A_1320, %dma_start3A_1329, %dma_start3A_1330, %dma_start3A_1331] : memref<2x8x8x128xf32, #tpu.memory_space<vmem>> -> memref<1x2x8x128xf32, #tpu.memory_space<vmem>>
      %dma_start3A_1333 = tpu.memref_squeeze %dma_start3A_1332 : memref<1x2x8x128xf32, #tpu.memory_space<vmem>> -> memref<2x8x128xf32, #tpu.memory_space<vmem>>
      %dma_start3A_1334 = arith.constant 0 : i32
      %dma_start3A_1335 = arith.constant 0 : i32
      %dma_start3A_1336 = tpu.memref_slice %arg7[%dma_start3A_1334, %dma_start3A_1335, %multiple_of3A_1279] : memref<2x8x1000000xf32, #tpu.memory_space<hbm>> -> memref<2x8x128xf32, #tpu.memory_space<hbm>>
      tpu.enqueue_dma source(%dma_start3A_1336 : memref<2x8x128xf32, #tpu.memory_space<hbm>>) target(%dma_start3A_1333 : memref<2x8x128xf32, #tpu.memory_space<vmem>>) target_semaphore(%arg31 : memref<!tpu.dma_semaphore, #tpu.memory_space<semaphore_mem>>)
      %dma_start3A_1337 = arith.constant 0 : i32
      %dma_start3A_1338 = arith.constant 0 : i32
      %dma_start3A_1339 = arith.constant 0 : i32
      %dma_start3A_1340 = arith.constant 0 : i32
      %dma_start3A_1341 = tpu.memref_slice %arg22[%dma_start3A_1337, %dma_start3A_1338, %dma_start3A_1339, %dma_start3A_1340] : memref<2x8x8x128xf32, #tpu.memory_space<vmem>> -> memref<1x2x8x128xf32, #tpu.memory_space<vmem>>
      %dma_start3A_1342 = tpu.memref_squeeze %dma_start3A_1341 : memref<1x2x8x128xf32, #tpu.memory_space<vmem>> -> memref<2x8x128xf32, #tpu.memory_space<vmem>>
      %dma_start3A_1343 = arith.constant 0 : i32
      %dma_start3A_1344 = arith.constant 0 : i32
      %dma_start3A_1345 = tpu.memref_slice %arg8[%dma_start3A_1343, %dma_start3A_1344, %multiple_of3A_1282] : memref<2x8x1000000xf32, #tpu.memory_space<hbm>> -> memref<2x8x128xf32, #tpu.memory_space<hbm>>
      %dma_start3A_1346 = arith.constant 0 : i32
      %dma_start3A_1347 = arith.constant 0 : i32
      %dma_start3A_1348 = arith.constant 0 : i32
      %dma_start3A_1349 = tpu.memref_slice %arg22[%dma_start3A_1337, %dma_start3A_1346, %dma_start3A_1347, %dma_start3A_1348] : memref<2x8x8x128xf32, #tpu.memory_space<vmem>> -> memref<1x2x8x128xf32, #tpu.memory_space<vmem>>
      %dma_start3A_1350 = tpu.memref_squeeze %dma_start3A_1349 : memref<1x2x8x128xf32, #tpu.memory_space<vmem>> -> memref<2x8x128xf32, #tpu.memory_space<vmem>>
      %dma_start3A_1351 = arith.constant 0 : i32
      %dma_start3A_1352 = arith.constant 0 : i32
      %dma_start3A_1353 = tpu.memref_slice %arg8[%dma_start3A_1351, %dma_start3A_1352, %multiple_of3A_1282] : memref<2x8x1000000xf32, #tpu.memory_space<hbm>> -> memref<2x8x128xf32, #tpu.memory_space<hbm>>
      tpu.enqueue_dma source(%dma_start3A_1353 : memref<2x8x128xf32, #tpu.memory_space<hbm>>) target(%dma_start3A_1350 : memref<2x8x128xf32, #tpu.memory_space<vmem>>) target_semaphore(%arg32 : memref<!tpu.dma_semaphore, #tpu.memory_space<semaphore_mem>>)
      %dma_start3A_1354 = arith.constant 0 : i32
      %dma_start3A_1355 = arith.constant 0 : i32
      %dma_start3A_1356 = arith.constant 0 : i32
      %dma_start3A_1357 = arith.constant 0 : i32
      %dma_start3A_1358 = tpu.memref_slice %arg23[%dma_start3A_1354, %dma_start3A_1355, %dma_start3A_1356, %dma_start3A_1357] : memref<2x16x8x128xf32, #tpu.memory_space<vmem>> -> memref<1x4x8x128xf32, #tpu.memory_space<vmem>>
      %dma_start3A_1359 = tpu.memref_squeeze %dma_start3A_1358 : memref<1x4x8x128xf32, #tpu.memory_space<vmem>> -> memref<4x8x128xf32, #tpu.memory_space<vmem>>
      %dma_start3A_1360 = arith.constant 0 : i32
      %dma_start3A_1361 = arith.constant 0 : i32
      %dma_start3A_1362 = tpu.memref_slice %arg9[%dma_start3A_1360, %dma_start3A_1361, %multiple_of3A_1285] : memref<4x8x1000000xf32, #tpu.memory_space<hbm>> -> memref<4x8x128xf32, #tpu.memory_space<hbm>>
      %dma_start3A_1363 = arith.constant 0 : i32
      %dma_start3A_1364 = arith.constant 0 : i32
      %dma_start3A_1365 = arith.constant 0 : i32
      %dma_start3A_1366 = tpu.memref_slice %arg23[%dma_start3A_1354, %dma_start3A_1363, %dma_start3A_1364, %dma_start3A_1365] : memref<2x16x8x128xf32, #tpu.memory_space<vmem>> -> memref<1x4x8x128xf32, #tpu.memory_space<vmem>>
      %dma_start3A_1367 = tpu.memref_squeeze %dma_start3A_1366 : memref<1x4x8x128xf32, #tpu.memory_space<vmem>> -> memref<4x8x128xf32, #tpu.memory_space<vmem>>
      %dma_start3A_1368 = arith.constant 0 : i32
      %dma_start3A_1369 = arith.constant 0 : i32
      %dma_start3A_1370 = tpu.memref_slice %arg9[%dma_start3A_1368, %dma_start3A_1369, %multiple_of3A_1285] : memref<4x8x1000000xf32, #tpu.memory_space<hbm>> -> memref<4x8x128xf32, #tpu.memory_space<hbm>>
      tpu.enqueue_dma source(%dma_start3A_1370 : memref<4x8x128xf32, #tpu.memory_space<hbm>>) target(%dma_start3A_1367 : memref<4x8x128xf32, #tpu.memory_space<vmem>>) target_semaphore(%arg33 : memref<!tpu.dma_semaphore, #tpu.memory_space<semaphore_mem>>)
      %slice3A_1371 = vector.extract_strided_slice %and3A_1270 {offsets = [1], sizes = [1], strides = [1]} : vector<16xi32> to vector<1xi32>
      %squeeze3A_1372 = vector.extract %slice3A_1371[0] : i32 from vector<1xi32>
      %multiple_of3A_1373 = tpu.assume_multiple %squeeze3A_1372, 128 : i32
      %slice3A_1374 = vector.extract_strided_slice %and3A_1273 {offsets = [1], sizes = [1], strides = [1]} : vector<16xi32> to vector<1xi32>
      %squeeze3A_1375 = vector.extract %slice3A_1374[0] : i32 from vector<1xi32>
      %multiple_of3A_1376 = tpu.assume_multiple %squeeze3A_1375, 128 : i32
      %slice3A_1377 = vector.extract_strided_slice %and3A_1276 {offsets = [1], sizes = [1], strides = [1]} : vector<16xi32> to vector<1xi32>
      %squeeze3A_1378 = vector.extract %slice3A_1377[0] : i32 from vector<1xi32>
      %multiple_of3A_1379 = tpu.assume_multiple %squeeze3A_1378, 128 : i32
      %dma_start3A_1380 = arith.constant 0 : i32
      %dma_start3A_1381 = arith.constant 0 : i32
      %dma_start3A_1382 = arith.constant 1 : i32
      %dma_start3A_1383 = arith.constant 0 : i32
      %dma_start3A_1384 = arith.constant 0 : i32
      %dma_start3A_1385 = tpu.memref_slice %arg19[%dma_start3A_1381, %dma_start3A_1382, %dma_start3A_1383, %dma_start3A_1384] : memref<2x4x8x128xf32, #tpu.memory_space<vmem>> -> memref<1x1x8x128xf32, #tpu.memory_space<vmem>>
      %dma_start3A_1386 = tpu.memref_squeeze %dma_start3A_1385 : memref<1x1x8x128xf32, #tpu.memory_space<vmem>> -> memref<8x128xf32, #tpu.memory_space<vmem>>
      %dma_start3A_1387 = arith.constant 0 : i32
      %dma_start3A_1388 = tpu.memref_slice %arg5[%dma_start3A_1380, %dma_start3A_1387, %multiple_of3A_1373] : memref<1x8x1000000xf32, #tpu.memory_space<hbm>> -> memref<1x8x128xf32, #tpu.memory_space<hbm>>
      %dma_start3A_1389 = tpu.memref_squeeze %dma_start3A_1388 : memref<1x8x128xf32, #tpu.memory_space<hbm>> -> memref<8x128xf32, #tpu.memory_space<hbm>>
      %dma_start3A_1390 = arith.constant 0 : i32
      %dma_start3A_1391 = arith.constant 0 : i32
      %dma_start3A_1392 = tpu.memref_slice %arg19[%dma_start3A_1381, %dma_start3A_1382, %dma_start3A_1390, %dma_start3A_1391] : memref<2x4x8x128xf32, #tpu.memory_space<vmem>> -> memref<1x1x8x128xf32, #tpu.memory_space<vmem>>
      %dma_start3A_1393 = tpu.memref_squeeze %dma_start3A_1392 : memref<1x1x8x128xf32, #tpu.memory_space<vmem>> -> memref<8x128xf32, #tpu.memory_space<vmem>>
      %dma_start3A_1394 = arith.constant 0 : i32
      %dma_start3A_1395 = tpu.memref_slice %arg5[%dma_start3A_1380, %dma_start3A_1394, %multiple_of3A_1373] : memref<1x8x1000000xf32, #tpu.memory_space<hbm>> -> memref<1x8x128xf32, #tpu.memory_space<hbm>>
      %dma_start3A_1396 = tpu.memref_squeeze %dma_start3A_1395 : memref<1x8x128xf32, #tpu.memory_space<hbm>> -> memref<8x128xf32, #tpu.memory_space<hbm>>
      tpu.enqueue_dma source(%dma_start3A_1396 : memref<8x128xf32, #tpu.memory_space<hbm>>) target(%dma_start3A_1393 : memref<8x128xf32, #tpu.memory_space<vmem>>) target_semaphore(%arg29 : memref<!tpu.dma_semaphore, #tpu.memory_space<semaphore_mem>>)
      %dma_start3A_1397 = arith.constant 0 : i32
      %dma_start3A_1398 = arith.constant 0 : i32
      %dma_start3A_1399 = arith.constant 1 : i32
      %dma_start3A_1400 = arith.constant 0 : i32
      %dma_start3A_1401 = arith.constant 0 : i32
      %dma_start3A_1402 = tpu.memref_slice %arg20[%dma_start3A_1398, %dma_start3A_1399, %dma_start3A_1400, %dma_start3A_1401] : memref<2x4x8x128xf32, #tpu.memory_space<vmem>> -> memref<1x1x8x128xf32, #tpu.memory_space<vmem>>
      %dma_start3A_1403 = tpu.memref_squeeze %dma_start3A_1402 : memref<1x1x8x128xf32, #tpu.memory_space<vmem>> -> memref<8x128xf32, #tpu.memory_space<vmem>>
      %dma_start3A_1404 = arith.constant 0 : i32
      %dma_start3A_1405 = tpu.memref_slice %arg6[%dma_start3A_1397, %dma_start3A_1404, %multiple_of3A_1376] : memref<1x8x1000000xf32, #tpu.memory_space<hbm>> -> memref<1x8x128xf32, #tpu.memory_space<hbm>>
      %dma_start3A_1406 = tpu.memref_squeeze %dma_start3A_1405 : memref<1x8x128xf32, #tpu.memory_space<hbm>> -> memref<8x128xf32, #tpu.memory_space<hbm>>
      %dma_start3A_1407 = arith.constant 0 : i32
      %dma_start3A_1408 = arith.constant 0 : i32
      %dma_start3A_1409 = tpu.memref_slice %arg20[%dma_start3A_1398, %dma_start3A_1399, %dma_start3A_1407, %dma_start3A_1408] : memref<2x4x8x128xf32, #tpu.memory_space<vmem>> -> memref<1x1x8x128xf32, #tpu.memory_space<vmem>>
      %dma_start3A_1410 = tpu.memref_squeeze %dma_start3A_1409 : memref<1x1x8x128xf32, #tpu.memory_space<vmem>> -> memref<8x128xf32, #tpu.memory_space<vmem>>
      %dma_start3A_1411 = arith.constant 0 : i32
      %dma_start3A_1412 = tpu.memref_slice %arg6[%dma_start3A_1397, %dma_start3A_1411, %multiple_of3A_1376] : memref<1x8x1000000xf32, #tpu.memory_space<hbm>> -> memref<1x8x128xf32, #tpu.memory_space<hbm>>
      %dma_start3A_1413 = tpu.memref_squeeze %dma_start3A_1412 : memref<1x8x128xf32, #tpu.memory_space<hbm>> -> memref<8x128xf32, #tpu.memory_space<hbm>>
      tpu.enqueue_dma source(%dma_start3A_1413 : memref<8x128xf32, #tpu.memory_space<hbm>>) target(%dma_start3A_1410 : memref<8x128xf32, #tpu.memory_space<vmem>>) target_semaphore(%arg30 : memref<!tpu.dma_semaphore, #tpu.memory_space<semaphore_mem>>)
      %dma_start3A_1414 = arith.constant 0 : i32
      %dma_start3A_1415 = arith.constant 2 : i32
      %dma_start3A_1416 = arith.constant 0 : i32
      %dma_start3A_1417 = arith.constant 0 : i32
      %dma_start3A_1418 = tpu.memref_slice %arg21[%dma_start3A_1414, %dma_start3A_1415, %dma_start3A_1416, %dma_start3A_1417] : memref<2x8x8x128xf32, #tpu.memory_space<vmem>> -> memref<1x2x8x128xf32, #tpu.memory_space<vmem>>
      %dma_start3A_1419 = tpu.memref_squeeze %dma_start3A_1418 : memref<1x2x8x128xf32, #tpu.memory_space<vmem>> -> memref<2x8x128xf32, #tpu.memory_space<vmem>>
      %dma_start3A_1420 = arith.constant 0 : i32
      %dma_start3A_1421 = arith.constant 0 : i32
      %dma_start3A_1422 = tpu.memref_slice %arg7[%dma_start3A_1420, %dma_start3A_1421, %multiple_of3A_1373] : memref<2x8x1000000xf32, #tpu.memory_space<hbm>> -> memref<2x8x128xf32, #tpu.memory_space<hbm>>
      %dma_start3A_1423 = arith.constant 2 : i32
      %dma_start3A_1424 = arith.constant 0 : i32
      %dma_start3A_1425 = arith.constant 0 : i32
      %dma_start3A_1426 = tpu.memref_slice %arg21[%dma_start3A_1414, %dma_start3A_1423, %dma_start3A_1424, %dma_start3A_1425] : memref<2x8x8x128xf32, #tpu.memory_space<vmem>> -> memref<1x2x8x128xf32, #tpu.memory_space<vmem>>
      %dma_start3A_1427 = tpu.memref_squeeze %dma_start3A_1426 : memref<1x2x8x128xf32, #tpu.memory_space<vmem>> -> memref<2x8x128xf32, #tpu.memory_space<vmem>>
      %dma_start3A_1428 = arith.constant 0 : i32
      %dma_start3A_1429 = arith.constant 0 : i32
      %dma_start3A_1430 = tpu.memref_slice %arg7[%dma_start3A_1428, %dma_start3A_1429, %multiple_of3A_1373] : memref<2x8x1000000xf32, #tpu.memory_space<hbm>> -> memref<2x8x128xf32, #tpu.memory_space<hbm>>
      tpu.enqueue_dma source(%dma_start3A_1430 : memref<2x8x128xf32, #tpu.memory_space<hbm>>) target(%dma_start3A_1427 : memref<2x8x128xf32, #tpu.memory_space<vmem>>) target_semaphore(%arg31 : memref<!tpu.dma_semaphore, #tpu.memory_space<semaphore_mem>>)
      %dma_start3A_1431 = arith.constant 0 : i32
      %dma_start3A_1432 = arith.constant 2 : i32
      %dma_start3A_1433 = arith.constant 0 : i32
      %dma_start3A_1434 = arith.constant 0 : i32
      %dma_start3A_1435 = tpu.memref_slice %arg22[%dma_start3A_1431, %dma_start3A_1432, %dma_start3A_1433, %dma_start3A_1434] : memref<2x8x8x128xf32, #tpu.memory_space<vmem>> -> memref<1x2x8x128xf32, #tpu.memory_space<vmem>>
      %dma_start3A_1436 = tpu.memref_squeeze %dma_start3A_1435 : memref<1x2x8x128xf32, #tpu.memory_space<vmem>> -> memref<2x8x128xf32, #tpu.memory_space<vmem>>
      %dma_start3A_1437 = arith.constant 0 : i32
      %dma_start3A_1438 = arith.constant 0 : i32
      %dma_start3A_1439 = tpu.memref_slice %arg8[%dma_start3A_1437, %dma_start3A_1438, %multiple_of3A_1376] : memref<2x8x1000000xf32, #tpu.memory_space<hbm>> -> memref<2x8x128xf32, #tpu.memory_space<hbm>>
      %dma_start3A_1440 = arith.constant 2 : i32
      %dma_start3A_1441 = arith.constant 0 : i32
      %dma_start3A_1442 = arith.constant 0 : i32
      %dma_start3A_1443 = tpu.memref_slice %arg22[%dma_start3A_1431, %dma_start3A_1440, %dma_start3A_1441, %dma_start3A_1442] : memref<2x8x8x128xf32, #tpu.memory_space<vmem>> -> memref<1x2x8x128xf32, #tpu.memory_space<vmem>>
      %dma_start3A_1444 = tpu.memref_squeeze %dma_start3A_1443 : memref<1x2x8x128xf32, #tpu.memory_space<vmem>> -> memref<2x8x128xf32, #tpu.memory_space<vmem>>
      %dma_start3A_1445 = arith.constant 0 : i32
      %dma_start3A_1446 = arith.constant 0 : i32
      %dma_start3A_1447 = tpu.memref_slice %arg8[%dma_start3A_1445, %dma_start3A_1446, %multiple_of3A_1376] : memref<2x8x1000000xf32, #tpu.memory_space<hbm>> -> memref<2x8x128xf32, #tpu.memory_space<hbm>>
      tpu.enqueue_dma source(%dma_start3A_1447 : memref<2x8x128xf32, #tpu.memory_space<hbm>>) target(%dma_start3A_1444 : memref<2x8x128xf32, #tpu.memory_space<vmem>>) target_semaphore(%arg32 : memref<!tpu.dma_semaphore, #tpu.memory_space<semaphore_mem>>)
      %dma_start3A_1448 = arith.constant 0 : i32
      %dma_start3A_1449 = arith.constant 4 : i32
      %dma_start3A_1450 = arith.constant 0 : i32
      %dma_start3A_1451 = arith.constant 0 : i32
      %dma_start3A_1452 = tpu.memref_slice %arg23[%dma_start3A_1448, %dma_start3A_1449, %dma_start3A_1450, %dma_start3A_1451] : memref<2x16x8x128xf32, #tpu.memory_space<vmem>> -> memref<1x4x8x128xf32, #tpu.memory_space<vmem>>
      %dma_start3A_1453 = tpu.memref_squeeze %dma_start3A_1452 : memref<1x4x8x128xf32, #tpu.memory_space<vmem>> -> memref<4x8x128xf32, #tpu.memory_space<vmem>>
      %dma_start3A_1454 = arith.constant 0 : i32
      %dma_start3A_1455 = arith.constant 0 : i32
      %dma_start3A_1456 = tpu.memref_slice %arg9[%dma_start3A_1454, %dma_start3A_1455, %multiple_of3A_1379] : memref<4x8x1000000xf32, #tpu.memory_space<hbm>> -> memref<4x8x128xf32, #tpu.memory_space<hbm>>
      %dma_start3A_1457 = arith.constant 4 : i32
      %dma_start3A_1458 = arith.constant 0 : i32
      %dma_start3A_1459 = arith.constant 0 : i32
      %dma_start3A_1460 = tpu.memref_slice %arg23[%dma_start3A_1448, %dma_start3A_1457, %dma_start3A_1458, %dma_start3A_1459] : memref<2x16x8x128xf32, #tpu.memory_space<vmem>> -> memref<1x4x8x128xf32, #tpu.memory_space<vmem>>
      %dma_start3A_1461 = tpu.memref_squeeze %dma_start3A_1460 : memref<1x4x8x128xf32, #tpu.memory_space<vmem>> -> memref<4x8x128xf32, #tpu.memory_space<vmem>>
      %dma_start3A_1462 = arith.constant 0 : i32
      %dma_start3A_1463 = arith.constant 0 : i32
      %dma_start3A_1464 = tpu.memref_slice %arg9[%dma_start3A_1462, %dma_start3A_1463, %multiple_of3A_1379] : memref<4x8x1000000xf32, #tpu.memory_space<hbm>> -> memref<4x8x128xf32, #tpu.memory_space<hbm>>
      tpu.enqueue_dma source(%dma_start3A_1464 : memref<4x8x128xf32, #tpu.memory_space<hbm>>) target(%dma_start3A_1461 : memref<4x8x128xf32, #tpu.memory_space<vmem>>) target_semaphore(%arg33 : memref<!tpu.dma_semaphore, #tpu.memory_space<semaphore_mem>>)
      %slice3A_1465 = vector.extract_strided_slice %and3A_1270 {offsets = [2], sizes = [1], strides = [1]} : vector<16xi32> to vector<1xi32>
      %squeeze3A_1466 = vector.extract %slice3A_1465[0] : i32 from vector<1xi32>
      %multiple_of3A_1467 = tpu.assume_multiple %squeeze3A_1466, 128 : i32
      %slice3A_1468 = vector.extract_strided_slice %and3A_1273 {offsets = [2], sizes = [1], strides = [1]} : vector<16xi32> to vector<1xi32>
      %squeeze3A_1469 = vector.extract %slice3A_1468[0] : i32 from vector<1xi32>
      %multiple_of3A_1470 = tpu.assume_multiple %squeeze3A_1469, 128 : i32
      %slice3A_1471 = vector.extract_strided_slice %and3A_1276 {offsets = [2], sizes = [1], strides = [1]} : vector<16xi32> to vector<1xi32>
      %squeeze3A_1472 = vector.extract %slice3A_1471[0] : i32 from vector<1xi32>
      %multiple_of3A_1473 = tpu.assume_multiple %squeeze3A_1472, 128 : i32
      %dma_start3A_1474 = arith.constant 0 : i32
      %dma_start3A_1475 = arith.constant 0 : i32
      %dma_start3A_1476 = arith.constant 2 : i32
      %dma_start3A_1477 = arith.constant 0 : i32
      %dma_start3A_1478 = arith.constant 0 : i32
      %dma_start3A_1479 = tpu.memref_slice %arg19[%dma_start3A_1475, %dma_start3A_1476, %dma_start3A_1477, %dma_start3A_1478] : memref<2x4x8x128xf32, #tpu.memory_space<vmem>> -> memref<1x1x8x128xf32, #tpu.memory_space<vmem>>
      %dma_start3A_1480 = tpu.memref_squeeze %dma_start3A_1479 : memref<1x1x8x128xf32, #tpu.memory_space<vmem>> -> memref<8x128xf32, #tpu.memory_space<vmem>>
      %dma_start3A_1481 = arith.constant 0 : i32
      %dma_start3A_1482 = tpu.memref_slice %arg5[%dma_start3A_1474, %dma_start3A_1481, %multiple_of3A_1467] : memref<1x8x1000000xf32, #tpu.memory_space<hbm>> -> memref<1x8x128xf32, #tpu.memory_space<hbm>>
      %dma_start3A_1483 = tpu.memref_squeeze %dma_start3A_1482 : memref<1x8x128xf32, #tpu.memory_space<hbm>> -> memref<8x128xf32, #tpu.memory_space<hbm>>
      %dma_start3A_1484 = arith.constant 0 : i32
      %dma_start3A_1485 = arith.constant 0 : i32
      %dma_start3A_1486 = tpu.memref_slice %arg19[%dma_start3A_1475, %dma_start3A_1476, %dma_start3A_1484, %dma_start3A_1485] : memref<2x4x8x128xf32, #tpu.memory_space<vmem>> -> memref<1x1x8x128xf32, #tpu.memory_space<vmem>>
      %dma_start3A_1487 = tpu.memref_squeeze %dma_start3A_1486 : memref<1x1x8x128xf32, #tpu.memory_space<vmem>> -> memref<8x128xf32, #tpu.memory_space<vmem>>
      %dma_start3A_1488 = arith.constant 0 : i32
      %dma_start3A_1489 = tpu.memref_slice %arg5[%dma_start3A_1474, %dma_start3A_1488, %multiple_of3A_1467] : memref<1x8x1000000xf32, #tpu.memory_space<hbm>> -> memref<1x8x128xf32, #tpu.memory_space<hbm>>
      %dma_start3A_1490 = tpu.memref_squeeze %dma_start3A_1489 : memref<1x8x128xf32, #tpu.memory_space<hbm>> -> memref<8x128xf32, #tpu.memory_space<hbm>>
      tpu.enqueue_dma source(%dma_start3A_1490 : memref<8x128xf32, #tpu.memory_space<hbm>>) target(%dma_start3A_1487 : memref<8x128xf32, #tpu.memory_space<vmem>>) target_semaphore(%arg29 : memref<!tpu.dma_semaphore, #tpu.memory_space<semaphore_mem>>)
      %dma_start3A_1491 = arith.constant 0 : i32
      %dma_start3A_1492 = arith.constant 0 : i32
      %dma_start3A_1493 = arith.constant 2 : i32
      %dma_start3A_1494 = arith.constant 0 : i32
      %dma_start3A_1495 = arith.constant 0 : i32
      %dma_start3A_1496 = tpu.memref_slice %arg20[%dma_start3A_1492, %dma_start3A_1493, %dma_start3A_1494, %dma_start3A_1495] : memref<2x4x8x128xf32, #tpu.memory_space<vmem>> -> memref<1x1x8x128xf32, #tpu.memory_space<vmem>>
      %dma_start3A_1497 = tpu.memref_squeeze %dma_start3A_1496 : memref<1x1x8x128xf32, #tpu.memory_space<vmem>> -> memref<8x128xf32, #tpu.memory_space<vmem>>
      %dma_start3A_1498 = arith.constant 0 : i32
      %dma_start3A_1499 = tpu.memref_slice %arg6[%dma_start3A_1491, %dma_start3A_1498, %multiple_of3A_1470] : memref<1x8x1000000xf32, #tpu.memory_space<hbm>> -> memref<1x8x128xf32, #tpu.memory_space<hbm>>
      %dma_start3A_1500 = tpu.memref_squeeze %dma_start3A_1499 : memref<1x8x128xf32, #tpu.memory_space<hbm>> -> memref<8x128xf32, #tpu.memory_space<hbm>>
      %dma_start3A_1501 = arith.constant 0 : i32
      %dma_start3A_1502 = arith.constant 0 : i32
      %dma_start3A_1503 = tpu.memref_slice %arg20[%dma_start3A_1492, %dma_start3A_1493, %dma_start3A_1501, %dma_start3A_1502] : memref<2x4x8x128xf32, #tpu.memory_space<vmem>> -> memref<1x1x8x128xf32, #tpu.memory_space<vmem>>
      %dma_start3A_1504 = tpu.memref_squeeze %dma_start3A_1503 : memref<1x1x8x128xf32, #tpu.memory_space<vmem>> -> memref<8x128xf32, #tpu.memory_space<vmem>>
      %dma_start3A_1505 = arith.constant 0 : i32
      %dma_start3A_1506 = tpu.memref_slice %arg6[%dma_start3A_1491, %dma_start3A_1505, %multiple_of3A_1470] : memref<1x8x1000000xf32, #tpu.memory_space<hbm>> -> memref<1x8x128xf32, #tpu.memory_space<hbm>>
      %dma_start3A_1507 = tpu.memref_squeeze %dma_start3A_1506 : memref<1x8x128xf32, #tpu.memory_space<hbm>> -> memref<8x128xf32, #tpu.memory_space<hbm>>
      tpu.enqueue_dma source(%dma_start3A_1507 : memref<8x128xf32, #tpu.memory_space<hbm>>) target(%dma_start3A_1504 : memref<8x128xf32, #tpu.memory_space<vmem>>) target_semaphore(%arg30 : memref<!tpu.dma_semaphore, #tpu.memory_space<semaphore_mem>>)
      %dma_start3A_1508 = arith.constant 0 : i32
      %dma_start3A_1509 = arith.constant 4 : i32
      %dma_start3A_1510 = arith.constant 0 : i32
      %dma_start3A_1511 = arith.constant 0 : i32
      %dma_start3A_1512 = tpu.memref_slice %arg21[%dma_start3A_1508, %dma_start3A_1509, %dma_start3A_1510, %dma_start3A_1511] : memref<2x8x8x128xf32, #tpu.memory_space<vmem>> -> memref<1x2x8x128xf32, #tpu.memory_space<vmem>>
      %dma_start3A_1513 = tpu.memref_squeeze %dma_start3A_1512 : memref<1x2x8x128xf32, #tpu.memory_space<vmem>> -> memref<2x8x128xf32, #tpu.memory_space<vmem>>
      %dma_start3A_1514 = arith.constant 0 : i32
      %dma_start3A_1515 = arith.constant 0 : i32
      %dma_start3A_1516 = tpu.memref_slice %arg7[%dma_start3A_1514, %dma_start3A_1515, %multiple_of3A_1467] : memref<2x8x1000000xf32, #tpu.memory_space<hbm>> -> memref<2x8x128xf32, #tpu.memory_space<hbm>>
      %dma_start3A_1517 = arith.constant 4 : i32
      %dma_start3A_1518 = arith.constant 0 : i32
      %dma_start3A_1519 = arith.constant 0 : i32
      %dma_start3A_1520 = tpu.memref_slice %arg21[%dma_start3A_1508, %dma_start3A_1517, %dma_start3A_1518, %dma_start3A_1519] : memref<2x8x8x128xf32, #tpu.memory_space<vmem>> -> memref<1x2x8x128xf32, #tpu.memory_space<vmem>>
      %dma_start3A_1521 = tpu.memref_squeeze %dma_start3A_1520 : memref<1x2x8x128xf32, #tpu.memory_space<vmem>> -> memref<2x8x128xf32, #tpu.memory_space<vmem>>
      %dma_start3A_1522 = arith.constant 0 : i32
      %dma_start3A_1523 = arith.constant 0 : i32
      %dma_start3A_1524 = tpu.memref_slice %arg7[%dma_start3A_1522, %dma_start3A_1523, %multiple_of3A_1467] : memref<2x8x1000000xf32, #tpu.memory_space<hbm>> -> memref<2x8x128xf32, #tpu.memory_space<hbm>>
      tpu.enqueue_dma source(%dma_start3A_1524 : memref<2x8x128xf32, #tpu.memory_space<hbm>>) target(%dma_start3A_1521 : memref<2x8x128xf32, #tpu.memory_space<vmem>>) target_semaphore(%arg31 : memref<!tpu.dma_semaphore, #tpu.memory_space<semaphore_mem>>)
      %dma_start3A_1525 = arith.constant 0 : i32
      %dma_start3A_1526 = arith.constant 4 : i32
      %dma_start3A_1527 = arith.constant 0 : i32
      %dma_start3A_1528 = arith.constant 0 : i32
      %dma_start3A_1529 = tpu.memref_slice %arg22[%dma_start3A_1525, %dma_start3A_1526, %dma_start3A_1527, %dma_start3A_1528] : memref<2x8x8x128xf32, #tpu.memory_space<vmem>> -> memref<1x2x8x128xf32, #tpu.memory_space<vmem>>
      %dma_start3A_1530 = tpu.memref_squeeze %dma_start3A_1529 : memref<1x2x8x128xf32, #tpu.memory_space<vmem>> -> memref<2x8x128xf32, #tpu.memory_space<vmem>>
      %dma_start3A_1531 = arith.constant 0 : i32
      %dma_start3A_1532 = arith.constant 0 : i32
      %dma_start3A_1533 = tpu.memref_slice %arg8[%dma_start3A_1531, %dma_start3A_1532, %multiple_of3A_1470] : memref<2x8x1000000xf32, #tpu.memory_space<hbm>> -> memref<2x8x128xf32, #tpu.memory_space<hbm>>
      %dma_start3A_1534 = arith.constant 4 : i32
      %dma_start3A_1535 = arith.constant 0 : i32
      %dma_start3A_1536 = arith.constant 0 : i32
      %dma_start3A_1537 = tpu.memref_slice %arg22[%dma_start3A_1525, %dma_start3A_1534, %dma_start3A_1535, %dma_start3A_1536] : memref<2x8x8x128xf32, #tpu.memory_space<vmem>> -> memref<1x2x8x128xf32, #tpu.memory_space<vmem>>
      %dma_start3A_1538 = tpu.memref_squeeze %dma_start3A_1537 : memref<1x2x8x128xf32, #tpu.memory_space<vmem>> -> memref<2x8x128xf32, #tpu.memory_space<vmem>>
      %dma_start3A_1539 = arith.constant 0 : i32
      %dma_start3A_1540 = arith.constant 0 : i32
      %dma_start3A_1541 = tpu.memref_slice %arg8[%dma_start3A_1539, %dma_start3A_1540, %multiple_of3A_1470] : memref<2x8x1000000xf32, #tpu.memory_space<hbm>> -> memref<2x8x128xf32, #tpu.memory_space<hbm>>
      tpu.enqueue_dma source(%dma_start3A_1541 : memref<2x8x128xf32, #tpu.memory_space<hbm>>) target(%dma_start3A_1538 : memref<2x8x128xf32, #tpu.memory_space<vmem>>) target_semaphore(%arg32 : memref<!tpu.dma_semaphore, #tpu.memory_space<semaphore_mem>>)
      %dma_start3A_1542 = arith.constant 0 : i32
      %dma_start3A_1543 = arith.constant 8 : i32
      %dma_start3A_1544 = arith.constant 0 : i32
      %dma_start3A_1545 = arith.constant 0 : i32
      %dma_start3A_1546 = tpu.memref_slice %arg23[%dma_start3A_1542, %dma_start3A_1543, %dma_start3A_1544, %dma_start3A_1545] : memref<2x16x8x128xf32, #tpu.memory_space<vmem>> -> memref<1x4x8x128xf32, #tpu.memory_space<vmem>>
      %dma_start3A_1547 = tpu.memref_squeeze %dma_start3A_1546 : memref<1x4x8x128xf32, #tpu.memory_space<vmem>> -> memref<4x8x128xf32, #tpu.memory_space<vmem>>
      %dma_start3A_1548 = arith.constant 0 : i32
      %dma_start3A_1549 = arith.constant 0 : i32
      %dma_start3A_1550 = tpu.memref_slice %arg9[%dma_start3A_1548, %dma_start3A_1549, %multiple_of3A_1473] : memref<4x8x1000000xf32, #tpu.memory_space<hbm>> -> memref<4x8x128xf32, #tpu.memory_space<hbm>>
      %dma_start3A_1551 = arith.constant 8 : i32
      %dma_start3A_1552 = arith.constant 0 : i32
      %dma_start3A_1553 = arith.constant 0 : i32
      %dma_start3A_1554 = tpu.memref_slice %arg23[%dma_start3A_1542, %dma_start3A_1551, %dma_start3A_1552, %dma_start3A_1553] : memref<2x16x8x128xf32, #tpu.memory_space<vmem>> -> memref<1x4x8x128xf32, #tpu.memory_space<vmem>>
      %dma_start3A_1555 = tpu.memref_squeeze %dma_start3A_1554 : memref<1x4x8x128xf32, #tpu.memory_space<vmem>> -> memref<4x8x128xf32, #tpu.memory_space<vmem>>
      %dma_start3A_1556 = arith.constant 0 : i32
      %dma_start3A_1557 = arith.constant 0 : i32
      %dma_start3A_1558 = tpu.memref_slice %arg9[%dma_start3A_1556, %dma_start3A_1557, %multiple_of3A_1473] : memref<4x8x1000000xf32, #tpu.memory_space<hbm>> -> memref<4x8x128xf32, #tpu.memory_space<hbm>>
      tpu.enqueue_dma source(%dma_start3A_1558 : memref<4x8x128xf32, #tpu.memory_space<hbm>>) target(%dma_start3A_1555 : memref<4x8x128xf32, #tpu.memory_space<vmem>>) target_semaphore(%arg33 : memref<!tpu.dma_semaphore, #tpu.memory_space<semaphore_mem>>)
      %slice3A_1559 = vector.extract_strided_slice %and3A_1270 {offsets = [3], sizes = [1], strides = [1]} : vector<16xi32> to vector<1xi32>
      %squeeze3A_1560 = vector.extract %slice3A_1559[0] : i32 from vector<1xi32>
      %multiple_of3A_1561 = tpu.assume_multiple %squeeze3A_1560, 128 : i32
      %slice3A_1562 = vector.extract_strided_slice %and3A_1273 {offsets = [3], sizes = [1], strides = [1]} : vector<16xi32> to vector<1xi32>
      %squeeze3A_1563 = vector.extract %slice3A_1562[0] : i32 from vector<1xi32>
      %multiple_of3A_1564 = tpu.assume_multiple %squeeze3A_1563, 128 : i32
      %slice3A_1565 = vector.extract_strided_slice %and3A_1276 {offsets = [3], sizes = [1], strides = [1]} : vector<16xi32> to vector<1xi32>
      %squeeze3A_1566 = vector.extract %slice3A_1565[0] : i32 from vector<1xi32>
      %multiple_of3A_1567 = tpu.assume_multiple %squeeze3A_1566, 128 : i32
      %dma_start3A_1568 = arith.constant 0 : i32
      %dma_start3A_1569 = arith.constant 0 : i32
      %dma_start3A_1570 = arith.constant 3 : i32
      %dma_start3A_1571 = arith.constant 0 : i32
      %dma_start3A_1572 = arith.constant 0 : i32
      %dma_start3A_1573 = tpu.memref_slice %arg19[%dma_start3A_1569, %dma_start3A_1570, %dma_start3A_1571, %dma_start3A_1572] : memref<2x4x8x128xf32, #tpu.memory_space<vmem>> -> memref<1x1x8x128xf32, #tpu.memory_space<vmem>>
      %dma_start3A_1574 = tpu.memref_squeeze %dma_start3A_1573 : memref<1x1x8x128xf32, #tpu.memory_space<vmem>> -> memref<8x128xf32, #tpu.memory_space<vmem>>
      %dma_start3A_1575 = arith.constant 0 : i32
      %dma_start3A_1576 = tpu.memref_slice %arg5[%dma_start3A_1568, %dma_start3A_1575, %multiple_of3A_1561] : memref<1x8x1000000xf32, #tpu.memory_space<hbm>> -> memref<1x8x128xf32, #tpu.memory_space<hbm>>
      %dma_start3A_1577 = tpu.memref_squeeze %dma_start3A_1576 : memref<1x8x128xf32, #tpu.memory_space<hbm>> -> memref<8x128xf32, #tpu.memory_space<hbm>>
      %dma_start3A_1578 = arith.constant 0 : i32
      %dma_start3A_1579 = arith.constant 0 : i32
      %dma_start3A_1580 = tpu.memref_slice %arg19[%dma_start3A_1569, %dma_start3A_1570, %dma_start3A_1578, %dma_start3A_1579] : memref<2x4x8x128xf32, #tpu.memory_space<vmem>> -> memref<1x1x8x128xf32, #tpu.memory_space<vmem>>
      %dma_start3A_1581 = tpu.memref_squeeze %dma_start3A_1580 : memref<1x1x8x128xf32, #tpu.memory_space<vmem>> -> memref<8x128xf32, #tpu.memory_space<vmem>>
      %dma_start3A_1582 = arith.constant 0 : i32
      %dma_start3A_1583 = tpu.memref_slice %arg5[%dma_start3A_1568, %dma_start3A_1582, %multiple_of3A_1561] : memref<1x8x1000000xf32, #tpu.memory_space<hbm>> -> memref<1x8x128xf32, #tpu.memory_space<hbm>>
      %dma_start3A_1584 = tpu.memref_squeeze %dma_start3A_1583 : memref<1x8x128xf32, #tpu.memory_space<hbm>> -> memref<8x128xf32, #tpu.memory_space<hbm>>
      tpu.enqueue_dma source(%dma_start3A_1584 : memref<8x128xf32, #tpu.memory_space<hbm>>) target(%dma_start3A_1581 : memref<8x128xf32, #tpu.memory_space<vmem>>) target_semaphore(%arg29 : memref<!tpu.dma_semaphore, #tpu.memory_space<semaphore_mem>>)
      %dma_start3A_1585 = arith.constant 0 : i32
      %dma_start3A_1586 = arith.constant 0 : i32
      %dma_start3A_1587 = arith.constant 3 : i32
      %dma_start3A_1588 = arith.constant 0 : i32
      %dma_start3A_1589 = arith.constant 0 : i32
      %dma_start3A_1590 = tpu.memref_slice %arg20[%dma_start3A_1586, %dma_start3A_1587, %dma_start3A_1588, %dma_start3A_1589] : memref<2x4x8x128xf32, #tpu.memory_space<vmem>> -> memref<1x1x8x128xf32, #tpu.memory_space<vmem>>
      %dma_start3A_1591 = tpu.memref_squeeze %dma_start3A_1590 : memref<1x1x8x128xf32, #tpu.memory_space<vmem>> -> memref<8x128xf32, #tpu.memory_space<vmem>>
      %dma_start3A_1592 = arith.constant 0 : i32
      %dma_start3A_1593 = tpu.memref_slice %arg6[%dma_start3A_1585, %dma_start3A_1592, %multiple_of3A_1564] : memref<1x8x1000000xf32, #tpu.memory_space<hbm>> -> memref<1x8x128xf32, #tpu.memory_space<hbm>>
      %dma_start3A_1594 = tpu.memref_squeeze %dma_start3A_1593 : memref<1x8x128xf32, #tpu.memory_space<hbm>> -> memref<8x128xf32, #tpu.memory_space<hbm>>
      %dma_start3A_1595 = arith.constant 0 : i32
      %dma_start3A_1596 = arith.constant 0 : i32
      %dma_start3A_1597 = tpu.memref_slice %arg20[%dma_start3A_1586, %dma_start3A_1587, %dma_start3A_1595, %dma_start3A_1596] : memref<2x4x8x128xf32, #tpu.memory_space<vmem>> -> memref<1x1x8x128xf32, #tpu.memory_space<vmem>>
      %dma_start3A_1598 = tpu.memref_squeeze %dma_start3A_1597 : memref<1x1x8x128xf32, #tpu.memory_space<vmem>> -> memref<8x128xf32, #tpu.memory_space<vmem>>
      %dma_start3A_1599 = arith.constant 0 : i32
      %dma_start3A_1600 = tpu.memref_slice %arg6[%dma_start3A_1585, %dma_start3A_1599, %multiple_of3A_1564] : memref<1x8x1000000xf32, #tpu.memory_space<hbm>> -> memref<1x8x128xf32, #tpu.memory_space<hbm>>
      %dma_start3A_1601 = tpu.memref_squeeze %dma_start3A_1600 : memref<1x8x128xf32, #tpu.memory_space<hbm>> -> memref<8x128xf32, #tpu.memory_space<hbm>>
      tpu.enqueue_dma source(%dma_start3A_1601 : memref<8x128xf32, #tpu.memory_space<hbm>>) target(%dma_start3A_1598 : memref<8x128xf32, #tpu.memory_space<vmem>>) target_semaphore(%arg30 : memref<!tpu.dma_semaphore, #tpu.memory_space<semaphore_mem>>)
      %dma_start3A_1602 = arith.constant 0 : i32
      %dma_start3A_1603 = arith.constant 6 : i32
      %dma_start3A_1604 = arith.constant 0 : i32
      %dma_start3A_1605 = arith.constant 0 : i32
      %dma_start3A_1606 = tpu.memref_slice %arg21[%dma_start3A_1602, %dma_start3A_1603, %dma_start3A_1604, %dma_start3A_1605] : memref<2x8x8x128xf32, #tpu.memory_space<vmem>> -> memref<1x2x8x128xf32, #tpu.memory_space<vmem>>
      %dma_start3A_1607 = tpu.memref_squeeze %dma_start3A_1606 : memref<1x2x8x128xf32, #tpu.memory_space<vmem>> -> memref<2x8x128xf32, #tpu.memory_space<vmem>>
      %dma_start3A_1608 = arith.constant 0 : i32
      %dma_start3A_1609 = arith.constant 0 : i32
      %dma_start3A_1610 = tpu.memref_slice %arg7[%dma_start3A_1608, %dma_start3A_1609, %multiple_of3A_1561] : memref<2x8x1000000xf32, #tpu.memory_space<hbm>> -> memref<2x8x128xf32, #tpu.memory_space<hbm>>
      %dma_start3A_1611 = arith.constant 6 : i32
      %dma_start3A_1612 = arith.constant 0 : i32
      %dma_start3A_1613 = arith.constant 0 : i32
      %dma_start3A_1614 = tpu.memref_slice %arg21[%dma_start3A_1602, %dma_start3A_1611, %dma_start3A_1612, %dma_start3A_1613] : memref<2x8x8x128xf32, #tpu.memory_space<vmem>> -> memref<1x2x8x128xf32, #tpu.memory_space<vmem>>
      %dma_start3A_1615 = tpu.memref_squeeze %dma_start3A_1614 : memref<1x2x8x128xf32, #tpu.memory_space<vmem>> -> memref<2x8x128xf32, #tpu.memory_space<vmem>>
      %dma_start3A_1616 = arith.constant 0 : i32
      %dma_start3A_1617 = arith.constant 0 : i32
      %dma_start3A_1618 = tpu.memref_slice %arg7[%dma_start3A_1616, %dma_start3A_1617, %multiple_of3A_1561] : memref<2x8x1000000xf32, #tpu.memory_space<hbm>> -> memref<2x8x128xf32, #tpu.memory_space<hbm>>
      tpu.enqueue_dma source(%dma_start3A_1618 : memref<2x8x128xf32, #tpu.memory_space<hbm>>) target(%dma_start3A_1615 : memref<2x8x128xf32, #tpu.memory_space<vmem>>) target_semaphore(%arg31 : memref<!tpu.dma_semaphore, #tpu.memory_space<semaphore_mem>>)
      %dma_start3A_1619 = arith.constant 0 : i32
      %dma_start3A_1620 = arith.constant 6 : i32
      %dma_start3A_1621 = arith.constant 0 : i32
      %dma_start3A_1622 = arith.constant 0 : i32
      %dma_start3A_1623 = tpu.memref_slice %arg22[%dma_start3A_1619, %dma_start3A_1620, %dma_start3A_1621, %dma_start3A_1622] : memref<2x8x8x128xf32, #tpu.memory_space<vmem>> -> memref<1x2x8x128xf32, #tpu.memory_space<vmem>>
      %dma_start3A_1624 = tpu.memref_squeeze %dma_start3A_1623 : memref<1x2x8x128xf32, #tpu.memory_space<vmem>> -> memref<2x8x128xf32, #tpu.memory_space<vmem>>
      %dma_start3A_1625 = arith.constant 0 : i32
      %dma_start3A_1626 = arith.constant 0 : i32
      %dma_start3A_1627 = tpu.memref_slice %arg8[%dma_start3A_1625, %dma_start3A_1626, %multiple_of3A_1564] : memref<2x8x1000000xf32, #tpu.memory_space<hbm>> -> memref<2x8x128xf32, #tpu.memory_space<hbm>>
      %dma_start3A_1628 = arith.constant 6 : i32
      %dma_start3A_1629 = arith.constant 0 : i32
      %dma_start3A_1630 = arith.constant 0 : i32
      %dma_start3A_1631 = tpu.memref_slice %arg22[%dma_start3A_1619, %dma_start3A_1628, %dma_start3A_1629, %dma_start3A_1630] : memref<2x8x8x128xf32, #tpu.memory_space<vmem>> -> memref<1x2x8x128xf32, #tpu.memory_space<vmem>>
      %dma_start3A_1632 = tpu.memref_squeeze %dma_start3A_1631 : memref<1x2x8x128xf32, #tpu.memory_space<vmem>> -> memref<2x8x128xf32, #tpu.memory_space<vmem>>
      %dma_start3A_1633 = arith.constant 0 : i32
      %dma_start3A_1634 = arith.constant 0 : i32
      %dma_start3A_1635 = tpu.memref_slice %arg8[%dma_start3A_1633, %dma_start3A_1634, %multiple_of3A_1564] : memref<2x8x1000000xf32, #tpu.memory_space<hbm>> -> memref<2x8x128xf32, #tpu.memory_space<hbm>>
      tpu.enqueue_dma source(%dma_start3A_1635 : memref<2x8x128xf32, #tpu.memory_space<hbm>>) target(%dma_start3A_1632 : memref<2x8x128xf32, #tpu.memory_space<vmem>>) target_semaphore(%arg32 : memref<!tpu.dma_semaphore, #tpu.memory_space<semaphore_mem>>)
      %dma_start3A_1636 = arith.constant 0 : i32
      %dma_start3A_1637 = arith.constant 12 : i32
      %dma_start3A_1638 = arith.constant 0 : i32
      %dma_start3A_1639 = arith.constant 0 : i32
      %dma_start3A_1640 = tpu.memref_slice %arg23[%dma_start3A_1636, %dma_start3A_1637, %dma_start3A_1638, %dma_start3A_1639] : memref<2x16x8x128xf32, #tpu.memory_space<vmem>> -> memref<1x4x8x128xf32, #tpu.memory_space<vmem>>
      %dma_start3A_1641 = tpu.memref_squeeze %dma_start3A_1640 : memref<1x4x8x128xf32, #tpu.memory_space<vmem>> -> memref<4x8x128xf32, #tpu.memory_space<vmem>>
      %dma_start3A_1642 = arith.constant 0 : i32
      %dma_start3A_1643 = arith.constant 0 : i32
      %dma_start3A_1644 = tpu.memref_slice %arg9[%dma_start3A_1642, %dma_start3A_1643, %multiple_of3A_1567] : memref<4x8x1000000xf32, #tpu.memory_space<hbm>> -> memref<4x8x128xf32, #tpu.memory_space<hbm>>
      %dma_start3A_1645 = arith.constant 12 : i32
      %dma_start3A_1646 = arith.constant 0 : i32
      %dma_start3A_1647 = arith.constant 0 : i32
      %dma_start3A_1648 = tpu.memref_slice %arg23[%dma_start3A_1636, %dma_start3A_1645, %dma_start3A_1646, %dma_start3A_1647] : memref<2x16x8x128xf32, #tpu.memory_space<vmem>> -> memref<1x4x8x128xf32, #tpu.memory_space<vmem>>
      %dma_start3A_1649 = tpu.memref_squeeze %dma_start3A_1648 : memref<1x4x8x128xf32, #tpu.memory_space<vmem>> -> memref<4x8x128xf32, #tpu.memory_space<vmem>>
      %dma_start3A_1650 = arith.constant 0 : i32
      %dma_start3A_1651 = arith.constant 0 : i32
      %dma_start3A_1652 = tpu.memref_slice %arg9[%dma_start3A_1650, %dma_start3A_1651, %multiple_of3A_1567] : memref<4x8x1000000xf32, #tpu.memory_space<hbm>> -> memref<4x8x128xf32, #tpu.memory_space<hbm>>
      tpu.enqueue_dma source(%dma_start3A_1652 : memref<4x8x128xf32, #tpu.memory_space<hbm>>) target(%dma_start3A_1649 : memref<4x8x128xf32, #tpu.memory_space<vmem>>) target_semaphore(%arg33 : memref<!tpu.dma_semaphore, #tpu.memory_space<semaphore_mem>>)
      %dma_wait3A_1653 = arith.constant 1 : i32
      %dma_wait3A_1654 = arith.constant 0 : i32
      %dma_wait3A_1655 = arith.constant 0 : i32
      %dma_wait3A_1656 = arith.constant 0 : i32
      %dma_wait3A_1657 = tpu.memref_slice %arg19[%dma_wait3A_1653, %dma_wait3A_1654, %dma_wait3A_1655, %dma_wait3A_1656] : memref<2x4x8x128xf32, #tpu.memory_space<vmem>> -> memref<1x4x8x128xf32, #tpu.memory_space<vmem>>
      %dma_wait3A_1658 = tpu.memref_squeeze %dma_wait3A_1657 : memref<1x4x8x128xf32, #tpu.memory_space<vmem>> -> memref<4x8x128xf32, #tpu.memory_space<vmem>>
      %dma_wait3A_1659 = arith.constant 0 : i32
      %dma_wait3A_1660 = arith.constant 0 : i32
      %dma_wait3A_1661 = arith.constant 0 : i32
      %dma_wait3A_1662 = tpu.memref_slice %arg10[%dma_wait3A_1659, %dma_wait3A_1660, %dma_wait3A_1661] : memref<16x8x128xf32, #tpu.memory_space<hbm>> -> memref<4x8x128xf32, #tpu.memory_space<hbm>>
      %dma_wait3A_1663 = arith.constant 0 : i32
      %dma_wait3A_1664 = arith.constant 0 : i32
      %dma_wait3A_1665 = arith.constant 0 : i32
      %dma_wait3A_1666 = tpu.memref_slice %arg19[%dma_wait3A_1653, %dma_wait3A_1663, %dma_wait3A_1664, %dma_wait3A_1665] : memref<2x4x8x128xf32, #tpu.memory_space<vmem>> -> memref<1x4x8x128xf32, #tpu.memory_space<vmem>>
      %dma_wait3A_1667 = tpu.memref_squeeze %dma_wait3A_1666 : memref<1x4x8x128xf32, #tpu.memory_space<vmem>> -> memref<4x8x128xf32, #tpu.memory_space<vmem>>
      %dma_wait3A_1668 = arith.constant 0 : i32
      %dma_wait3A_1669 = arith.constant 0 : i32
      %dma_wait3A_1670 = arith.constant 0 : i32
      %dma_wait3A_1671 = tpu.memref_slice %arg10[%dma_wait3A_1668, %dma_wait3A_1669, %dma_wait3A_1670] : memref<16x8x128xf32, #tpu.memory_space<hbm>> -> memref<4x8x128xf32, #tpu.memory_space<hbm>>
      tpu.wait_dma2 semaphore(%arg34 : memref<!tpu.dma_semaphore, #tpu.memory_space<semaphore_mem>>) src(%dma_wait3A_1671 : memref<4x8x128xf32, #tpu.memory_space<hbm>>) dst(%dma_wait3A_1667 : memref<4x8x128xf32, #tpu.memory_space<vmem>>)
      %dma_wait3A_1672 = arith.constant 1 : i32
      %dma_wait3A_1673 = arith.constant 0 : i32
      %dma_wait3A_1674 = arith.constant 0 : i32
      %dma_wait3A_1675 = arith.constant 0 : i32
      %dma_wait3A_1676 = tpu.memref_slice %arg20[%dma_wait3A_1672, %dma_wait3A_1673, %dma_wait3A_1674, %dma_wait3A_1675] : memref<2x4x8x128xf32, #tpu.memory_space<vmem>> -> memref<1x4x8x128xf32, #tpu.memory_space<vmem>>
      %dma_wait3A_1677 = tpu.memref_squeeze %dma_wait3A_1676 : memref<1x4x8x128xf32, #tpu.memory_space<vmem>> -> memref<4x8x128xf32, #tpu.memory_space<vmem>>
      %dma_wait3A_1678 = arith.constant 0 : i32
      %dma_wait3A_1679 = arith.constant 0 : i32
      %dma_wait3A_1680 = arith.constant 0 : i32
      %dma_wait3A_1681 = tpu.memref_slice %arg10[%dma_wait3A_1678, %dma_wait3A_1679, %dma_wait3A_1680] : memref<16x8x128xf32, #tpu.memory_space<hbm>> -> memref<4x8x128xf32, #tpu.memory_space<hbm>>
      %dma_wait3A_1682 = arith.constant 0 : i32
      %dma_wait3A_1683 = arith.constant 0 : i32
      %dma_wait3A_1684 = arith.constant 0 : i32
      %dma_wait3A_1685 = tpu.memref_slice %arg20[%dma_wait3A_1672, %dma_wait3A_1682, %dma_wait3A_1683, %dma_wait3A_1684] : memref<2x4x8x128xf32, #tpu.memory_space<vmem>> -> memref<1x4x8x128xf32, #tpu.memory_space<vmem>>
      %dma_wait3A_1686 = tpu.memref_squeeze %dma_wait3A_1685 : memref<1x4x8x128xf32, #tpu.memory_space<vmem>> -> memref<4x8x128xf32, #tpu.memory_space<vmem>>
      %dma_wait3A_1687 = arith.constant 0 : i32
      %dma_wait3A_1688 = arith.constant 0 : i32
      %dma_wait3A_1689 = arith.constant 0 : i32
      %dma_wait3A_1690 = tpu.memref_slice %arg10[%dma_wait3A_1687, %dma_wait3A_1688, %dma_wait3A_1689] : memref<16x8x128xf32, #tpu.memory_space<hbm>> -> memref<4x8x128xf32, #tpu.memory_space<hbm>>
      tpu.wait_dma2 semaphore(%arg35 : memref<!tpu.dma_semaphore, #tpu.memory_space<semaphore_mem>>) src(%dma_wait3A_1690 : memref<4x8x128xf32, #tpu.memory_space<hbm>>) dst(%dma_wait3A_1686 : memref<4x8x128xf32, #tpu.memory_space<vmem>>)
      %dma_wait3A_1691 = arith.constant 1 : i32
      %dma_wait3A_1692 = arith.constant 0 : i32
      %dma_wait3A_1693 = arith.constant 0 : i32
      %dma_wait3A_1694 = arith.constant 0 : i32
      %dma_wait3A_1695 = tpu.memref_slice %arg21[%dma_wait3A_1691, %dma_wait3A_1692, %dma_wait3A_1693, %dma_wait3A_1694] : memref<2x8x8x128xf32, #tpu.memory_space<vmem>> -> memref<1x8x8x128xf32, #tpu.memory_space<vmem>>
      %dma_wait3A_1696 = tpu.memref_squeeze %dma_wait3A_1695 : memref<1x8x8x128xf32, #tpu.memory_space<vmem>> -> memref<8x8x128xf32, #tpu.memory_space<vmem>>
      %dma_wait3A_1697 = arith.constant 0 : i32
      %dma_wait3A_1698 = arith.constant 0 : i32
      %dma_wait3A_1699 = arith.constant 0 : i32
      %dma_wait3A_1700 = tpu.memref_slice %arg10[%dma_wait3A_1697, %dma_wait3A_1698, %dma_wait3A_1699] : memref<16x8x128xf32, #tpu.memory_space<hbm>> -> memref<8x8x128xf32, #tpu.memory_space<hbm>>
      %dma_wait3A_1701 = arith.constant 0 : i32
      %dma_wait3A_1702 = arith.constant 0 : i32
      %dma_wait3A_1703 = arith.constant 0 : i32
      %dma_wait3A_1704 = tpu.memref_slice %arg21[%dma_wait3A_1691, %dma_wait3A_1701, %dma_wait3A_1702, %dma_wait3A_1703] : memref<2x8x8x128xf32, #tpu.memory_space<vmem>> -> memref<1x8x8x128xf32, #tpu.memory_space<vmem>>
      %dma_wait3A_1705 = tpu.memref_squeeze %dma_wait3A_1704 : memref<1x8x8x128xf32, #tpu.memory_space<vmem>> -> memref<8x8x128xf32, #tpu.memory_space<vmem>>
      %dma_wait3A_1706 = arith.constant 0 : i32
      %dma_wait3A_1707 = arith.constant 0 : i32
      %dma_wait3A_1708 = arith.constant 0 : i32
      %dma_wait3A_1709 = tpu.memref_slice %arg10[%dma_wait3A_1706, %dma_wait3A_1707, %dma_wait3A_1708] : memref<16x8x128xf32, #tpu.memory_space<hbm>> -> memref<8x8x128xf32, #tpu.memory_space<hbm>>
      tpu.wait_dma2 semaphore(%arg36 : memref<!tpu.dma_semaphore, #tpu.memory_space<semaphore_mem>>) src(%dma_wait3A_1709 : memref<8x8x128xf32, #tpu.memory_space<hbm>>) dst(%dma_wait3A_1705 : memref<8x8x128xf32, #tpu.memory_space<vmem>>)
      %dma_wait3A_1710 = arith.constant 1 : i32
      %dma_wait3A_1711 = arith.constant 0 : i32
      %dma_wait3A_1712 = arith.constant 0 : i32
      %dma_wait3A_1713 = arith.constant 0 : i32
      %dma_wait3A_1714 = tpu.memref_slice %arg22[%dma_wait3A_1710, %dma_wait3A_1711, %dma_wait3A_1712, %dma_wait3A_1713] : memref<2x8x8x128xf32, #tpu.memory_space<vmem>> -> memref<1x8x8x128xf32, #tpu.memory_space<vmem>>
      %dma_wait3A_1715 = tpu.memref_squeeze %dma_wait3A_1714 : memref<1x8x8x128xf32, #tpu.memory_space<vmem>> -> memref<8x8x128xf32, #tpu.memory_space<vmem>>
      %dma_wait3A_1716 = arith.constant 0 : i32
      %dma_wait3A_1717 = arith.constant 0 : i32
      %dma_wait3A_1718 = arith.constant 0 : i32
      %dma_wait3A_1719 = tpu.memref_slice %arg10[%dma_wait3A_1716, %dma_wait3A_1717, %dma_wait3A_1718] : memref<16x8x128xf32, #tpu.memory_space<hbm>> -> memref<8x8x128xf32, #tpu.memory_space<hbm>>
      %dma_wait3A_1720 = arith.constant 0 : i32
      %dma_wait3A_1721 = arith.constant 0 : i32
      %dma_wait3A_1722 = arith.constant 0 : i32
      %dma_wait3A_1723 = tpu.memref_slice %arg22[%dma_wait3A_1710, %dma_wait3A_1720, %dma_wait3A_1721, %dma_wait3A_1722] : memref<2x8x8x128xf32, #tpu.memory_space<vmem>> -> memref<1x8x8x128xf32, #tpu.memory_space<vmem>>
      %dma_wait3A_1724 = tpu.memref_squeeze %dma_wait3A_1723 : memref<1x8x8x128xf32, #tpu.memory_space<vmem>> -> memref<8x8x128xf32, #tpu.memory_space<vmem>>
      %dma_wait3A_1725 = arith.constant 0 : i32
      %dma_wait3A_1726 = arith.constant 0 : i32
      %dma_wait3A_1727 = arith.constant 0 : i32
      %dma_wait3A_1728 = tpu.memref_slice %arg10[%dma_wait3A_1725, %dma_wait3A_1726, %dma_wait3A_1727] : memref<16x8x128xf32, #tpu.memory_space<hbm>> -> memref<8x8x128xf32, #tpu.memory_space<hbm>>
      tpu.wait_dma2 semaphore(%arg37 : memref<!tpu.dma_semaphore, #tpu.memory_space<semaphore_mem>>) src(%dma_wait3A_1728 : memref<8x8x128xf32, #tpu.memory_space<hbm>>) dst(%dma_wait3A_1724 : memref<8x8x128xf32, #tpu.memory_space<vmem>>)
      %dma_wait3A_1729 = arith.constant 1 : i32
      %dma_wait3A_1730 = arith.constant 0 : i32
      %dma_wait3A_1731 = arith.constant 0 : i32
      %dma_wait3A_1732 = arith.constant 0 : i32
      %dma_wait3A_1733 = tpu.memref_slice %arg23[%dma_wait3A_1729, %dma_wait3A_1730, %dma_wait3A_1731, %dma_wait3A_1732] : memref<2x16x8x128xf32, #tpu.memory_space<vmem>> -> memref<1x16x8x128xf32, #tpu.memory_space<vmem>>
      %dma_wait3A_1734 = tpu.memref_squeeze %dma_wait3A_1733 : memref<1x16x8x128xf32, #tpu.memory_space<vmem>> -> memref<16x8x128xf32, #tpu.memory_space<vmem>>
      %dma_wait3A_1735 = arith.constant 0 : i32
      %dma_wait3A_1736 = arith.constant 0 : i32
      %dma_wait3A_1737 = arith.constant 0 : i32
      %dma_wait3A_1738 = tpu.memref_slice %arg10[%dma_wait3A_1735, %dma_wait3A_1736, %dma_wait3A_1737] : memref<16x8x128xf32, #tpu.memory_space<hbm>> -> memref<16x8x128xf32, #tpu.memory_space<hbm>>
      %dma_wait3A_1739 = arith.constant 0 : i32
      %dma_wait3A_1740 = arith.constant 0 : i32
      %dma_wait3A_1741 = arith.constant 0 : i32
      %dma_wait3A_1742 = tpu.memref_slice %arg23[%dma_wait3A_1729, %dma_wait3A_1739, %dma_wait3A_1740, %dma_wait3A_1741] : memref<2x16x8x128xf32, #tpu.memory_space<vmem>> -> memref<1x16x8x128xf32, #tpu.memory_space<vmem>>
      %dma_wait3A_1743 = tpu.memref_squeeze %dma_wait3A_1742 : memref<1x16x8x128xf32, #tpu.memory_space<vmem>> -> memref<16x8x128xf32, #tpu.memory_space<vmem>>
      %dma_wait3A_1744 = arith.constant 0 : i32
      %dma_wait3A_1745 = arith.constant 0 : i32
      %dma_wait3A_1746 = arith.constant 0 : i32
      %dma_wait3A_1747 = tpu.memref_slice %arg10[%dma_wait3A_1744, %dma_wait3A_1745, %dma_wait3A_1746] : memref<16x8x128xf32, #tpu.memory_space<hbm>> -> memref<16x8x128xf32, #tpu.memory_space<hbm>>
      tpu.wait_dma2 semaphore(%arg38 : memref<!tpu.dma_semaphore, #tpu.memory_space<semaphore_mem>>) src(%dma_wait3A_1747 : memref<16x8x128xf32, #tpu.memory_space<hbm>>) dst(%dma_wait3A_1743 : memref<16x8x128xf32, #tpu.memory_space<vmem>>)
      %add3A_1748 = arith.constant 1 : i32
      %add3A_1749 = arith.addi %mul3A_498, %add3A_1748 : i32
      %mul3A_1750 = arith.constant 4 : i32
      %mul3A_1751 = arith.muli %add3A_1749, %mul3A_1750 : i32
      %get3A_1752 = arith.index_cast %mul3A_1751 : i32 to index
      %get3A_1753 = tpu.vector_load %arg16[%get3A_1752] {strides = array<i32>} : memref<528xi32, #tpu.memory_space<vmem>>, vector<16xi32>,
      %mul3A_1754 = arith.constant 4 : i32
      %mul3A_1755 = arith.muli %add3A_1749, %mul3A_1754 : i32
      %get3A_1756 = arith.index_cast %mul3A_1755 : i32 to index
      %get3A_1757 = tpu.vector_load %arg17[%get3A_1756] {strides = array<i32>} : memref<528xi32, #tpu.memory_space<vmem>>, vector<16xi32>,
      %mul3A_1758 = arith.constant 4 : i32
      %mul3A_1759 = arith.muli %add3A_1749, %mul3A_1758 : i32
      %get3A_1760 = arith.index_cast %mul3A_1759 : i32 to index
      %get3A_1761 = tpu.vector_load %arg18[%get3A_1760] {strides = array<i32>} : memref<528xi32, #tpu.memory_space<vmem>>, vector<16xi32>,
      %and3A_1762 = arith.constant 127 : i32
      %and3A_1763 = vector.broadcast %and3A_1762 : i32 to vector<16xi32>
      %and3A_1764 = arith.andi %get3A_1753, %and3A_1763 : vector<16xi32>
      %and3A_1765 = arith.constant 127 : i32
      %and3A_1766 = vector.broadcast %and3A_1765 : i32 to vector<16xi32>
      %and3A_1767 = arith.andi %get3A_1757, %and3A_1766 : vector<16xi32>
      %and3A_1768 = arith.constant 127 : i32
      %and3A_1769 = vector.broadcast %and3A_1768 : i32 to vector<16xi32>
      %and3A_1770 = arith.andi %get3A_1761, %and3A_1769 : vector<16xi32>
      %broadcast_in_dim3A_1771 = arith.constant 0 : i32
      %broadcast_in_dim3A_1772 = vector.broadcast %broadcast_in_dim3A_1771 : i32 to vector<16xi32>
      %add3A_1773 = arith.constant 1 : i32
      %add3A_1774 = vector.broadcast %add3A_1773 : i32 to vector<16xi32>
      %add3A_1775 = arith.addi %broadcast_in_dim3A_1772, %add3A_1774 : vector<16xi32>
      %mul3A_1776 = arith.constant 4 : i32
      %mul3A_1777 = arith.muli %add3A_1749, %mul3A_1776 : i32
      %add3A_1778 = arith.constant 0 : i32
      %add3A_1779 = arith.addi %mul3A_1777, %add3A_1778 : i32
      %broadcast_in_dim3A_1780 = arith.constant 0 : i32
      %broadcast_in_dim3A_1781 = vector.broadcast %broadcast_in_dim3A_1780 : i32 to vector<16xi32>
      %add3A_1782 = vector.broadcast %add3A_1779 : i32 to vector<16xi32>
      %add3A_1783 = arith.addi %add3A_1782, %broadcast_in_dim3A_1781 : vector<16xi32>
      %broadcast_in_dim3A_1784 = arith.constant 0 : i32
      %broadcast_in_dim3A_1785 = vector.broadcast %broadcast_in_dim3A_1784 : i32 to vector<16xi32>
      %add3A_1786 = arith.constant 0 : i32
      %add3A_1787 = vector.broadcast %add3A_1786 : i32 to vector<16xi32>
      %add3A_1788 = arith.addi %broadcast_in_dim3A_1785, %add3A_1787 : vector<16xi32>
      %slice3A_1789 = vector.extract_strided_slice %and3A_1764 {offsets = [0], sizes = [1], strides = [1]} : vector<16xi32> to vector<1xi32>
      %squeeze3A_1790 = vector.extract %slice3A_1789[0] : i32 from vector<1xi32>
      %broadcast_in_dim3A_1791 = arith.constant 0 : i32
      %broadcast_in_dim3A_1792 = vector.broadcast %broadcast_in_dim3A_1791 : i32 to vector<16xi32>
      %add3A_1793 = vector.broadcast %squeeze3A_1790 : i32 to vector<16xi32>
      %add3A_1794 = arith.addi %add3A_1793, %broadcast_in_dim3A_1792 : vector<16xi32>
      %gather3A_1795 = tpu.vector_load_idx %arg19[%add3A_1775, %add3A_1788, %and3A_4, %add3A_1794] masked %lt3A_6 : memref<2x4x8x128xf32, #tpu.memory_space<vmem>>[vector<16xi32>, vector<16xi32>, vector<16xi32>, vector<16xi32>], vector<16xf32>, vector<16xi1>
      tpu.vector_store_idx %arg24[%and3A_4, %add3A_1783], %gather3A_1795 masked %lt3A_6 : memref<8x512xf32, #tpu.memory_space<vmem>>[vector<16xi32>, vector<16xi32>], vector<16xf32>, vector<16xi1>
      %slice3A_1796 = vector.extract_strided_slice %and3A_1767 {offsets = [0], sizes = [1], strides = [1]} : vector<16xi32> to vector<1xi32>
      %squeeze3A_1797 = vector.extract %slice3A_1796[0] : i32 from vector<1xi32>
      %broadcast_in_dim3A_1798 = arith.constant 0 : i32
      %broadcast_in_dim3A_1799 = vector.broadcast %broadcast_in_dim3A_1798 : i32 to vector<16xi32>
      %add3A_1800 = vector.broadcast %squeeze3A_1797 : i32 to vector<16xi32>
      %add3A_1801 = arith.addi %add3A_1800, %broadcast_in_dim3A_1799 : vector<16xi32>
      %gather3A_1802 = tpu.vector_load_idx %arg20[%add3A_1775, %add3A_1788, %and3A_4, %add3A_1801] masked %lt3A_6 : memref<2x4x8x128xf32, #tpu.memory_space<vmem>>[vector<16xi32>, vector<16xi32>, vector<16xi32>, vector<16xi32>], vector<16xf32>, vector<16xi1>
      tpu.vector_store_idx %arg25[%and3A_4, %add3A_1783], %gather3A_1802 masked %lt3A_6 : memref<8x512xf32, #tpu.memory_space<vmem>>[vector<16xi32>, vector<16xi32>], vector<16xf32>, vector<16xi1>
      %mul3A_1803 = arith.constant 2 : i32
      %mul3A_1804 = vector.broadcast %mul3A_1803 : i32 to vector<16xi32>
      %mul3A_1805 = arith.muli %mul3A_1804, %add3A_1788 : vector<16xi32>
      %add3A_1806 = arith.addi %mul3A_1805, %shift_right_arithmetic3A_8 : vector<16xi32>
      %gather3A_1807 = tpu.vector_load_idx %arg21[%add3A_1775, %add3A_1806, %and3A_4, %add3A_1794] : memref<2x8x8x128xf32, #tpu.memory_space<vmem>>[vector<16xi32>, vector<16xi32>, vector<16xi32>, vector<16xi32>], vector<16xf32>,
      tpu.vector_store_idx %arg26[%iota3A, %add3A_1783], %gather3A_1807 : memref<16x512xf32, #tpu.memory_space<vmem>>[vector<16xi32>, vector<16xi32>], vector<16xf32>,
      %mul3A_1808 = arith.constant 2 : i32
      %mul3A_1809 = vector.broadcast %mul3A_1808 : i32 to vector<16xi32>
      %mul3A_1810 = arith.muli %mul3A_1809, %add3A_1788 : vector<16xi32>
      %add3A_1811 = arith.addi %mul3A_1810, %shift_right_arithmetic3A_8 : vector<16xi32>
      %gather3A_1812 = tpu.vector_load_idx %arg22[%add3A_1775, %add3A_1811, %and3A_4, %add3A_1801] : memref<2x8x8x128xf32, #tpu.memory_space<vmem>>[vector<16xi32>, vector<16xi32>, vector<16xi32>, vector<16xi32>], vector<16xf32>,
      tpu.vector_store_idx %arg27[%iota3A, %add3A_1783], %gather3A_1812 : memref<16x512xf32, #tpu.memory_space<vmem>>[vector<16xi32>, vector<16xi32>], vector<16xf32>,
      %slice3A_1813 = vector.extract_strided_slice %and3A_1770 {offsets = [0], sizes = [1], strides = [1]} : vector<16xi32> to vector<1xi32>
      %squeeze3A_1814 = vector.extract %slice3A_1813[0] : i32 from vector<1xi32>
      %broadcast_in_dim3A_1815 = arith.constant 0 : i32
      %broadcast_in_dim3A_1816 = vector.broadcast %broadcast_in_dim3A_1815 : i32 to vector<16xi32>
      %add3A_1817 = vector.broadcast %squeeze3A_1814 : i32 to vector<16xi32>
      %add3A_1818 = arith.addi %add3A_1817, %broadcast_in_dim3A_1816 : vector<16xi32>
      %mul3A_1819 = arith.constant 4 : i32
      %mul3A_1820 = vector.broadcast %mul3A_1819 : i32 to vector<16xi32>
      %mul3A_1821 = arith.muli %mul3A_1820, %add3A_1788 : vector<16xi32>
      %add3A_1822 = arith.addi %mul3A_1821, %shift_right_arithmetic3A_8 : vector<16xi32>
      %gather3A_1823 = tpu.vector_load_idx %arg23[%add3A_1775, %add3A_1822, %and3A_4, %add3A_1818] : memref<2x16x8x128xf32, #tpu.memory_space<vmem>>[vector<16xi32>, vector<16xi32>, vector<16xi32>, vector<16xi32>], vector<16xf32>,
      tpu.vector_store_idx %arg28[%iota3A, %add3A_1783], %gather3A_1823 : memref<32x512xf32, #tpu.memory_space<vmem>>[vector<16xi32>, vector<16xi32>], vector<16xf32>,
      %mul3A_1824 = arith.constant 4 : i32
      %mul3A_1825 = vector.broadcast %mul3A_1824 : i32 to vector<16xi32>
      %mul3A_1826 = arith.muli %mul3A_1825, %add3A_1788 : vector<16xi32>
      %add3A_1827 = arith.constant 2 : i32
      %add3A_1828 = vector.broadcast %add3A_1827 : i32 to vector<16xi32>
      %add3A_1829 = arith.addi %mul3A_1826, %add3A_1828 : vector<16xi32>
      %add3A_1830 = arith.addi %add3A_1829, %shift_right_arithmetic3A_8 : vector<16xi32>
      %gather3A_1831 = tpu.vector_load_idx %arg23[%add3A_1775, %add3A_1830, %and3A_4, %add3A_1818] : memref<2x16x8x128xf32, #tpu.memory_space<vmem>>[vector<16xi32>, vector<16xi32>, vector<16xi32>, vector<16xi32>], vector<16xf32>,
      %add3A_1832 = arith.constant 16 : i32
      %add3A_1833 = vector.broadcast %add3A_1832 : i32 to vector<16xi32>
      %add3A_1834 = arith.addi %add3A_1833, %iota3A : vector<16xi32>
      tpu.vector_store_idx %arg28[%add3A_1834, %add3A_1783], %gather3A_1831 : memref<32x512xf32, #tpu.memory_space<vmem>>[vector<16xi32>, vector<16xi32>], vector<16xf32>,
      %mul3A_1835 = arith.constant 4 : i32
      %mul3A_1836 = arith.muli %add3A_1749, %mul3A_1835 : i32
      %add3A_1837 = arith.constant 1 : i32
      %add3A_1838 = arith.addi %mul3A_1836, %add3A_1837 : i32
      %broadcast_in_dim3A_1839 = arith.constant 0 : i32
      %broadcast_in_dim3A_1840 = vector.broadcast %broadcast_in_dim3A_1839 : i32 to vector<16xi32>
      %add3A_1841 = vector.broadcast %add3A_1838 : i32 to vector<16xi32>
      %add3A_1842 = arith.addi %add3A_1841, %broadcast_in_dim3A_1840 : vector<16xi32>
      %broadcast_in_dim3A_1843 = arith.constant 0 : i32
      %broadcast_in_dim3A_1844 = vector.broadcast %broadcast_in_dim3A_1843 : i32 to vector<16xi32>
      %add3A_1845 = arith.constant 1 : i32
      %add3A_1846 = vector.broadcast %add3A_1845 : i32 to vector<16xi32>
      %add3A_1847 = arith.addi %broadcast_in_dim3A_1844, %add3A_1846 : vector<16xi32>
      %slice3A_1848 = vector.extract_strided_slice %and3A_1764 {offsets = [1], sizes = [1], strides = [1]} : vector<16xi32> to vector<1xi32>
      %squeeze3A_1849 = vector.extract %slice3A_1848[0] : i32 from vector<1xi32>
      %broadcast_in_dim3A_1850 = arith.constant 0 : i32
      %broadcast_in_dim3A_1851 = vector.broadcast %broadcast_in_dim3A_1850 : i32 to vector<16xi32>
      %add3A_1852 = vector.broadcast %squeeze3A_1849 : i32 to vector<16xi32>
      %add3A_1853 = arith.addi %add3A_1852, %broadcast_in_dim3A_1851 : vector<16xi32>
      %gather3A_1854 = tpu.vector_load_idx %arg19[%add3A_1775, %add3A_1847, %and3A_4, %add3A_1853] masked %lt3A_6 : memref<2x4x8x128xf32, #tpu.memory_space<vmem>>[vector<16xi32>, vector<16xi32>, vector<16xi32>, vector<16xi32>], vector<16xf32>, vector<16xi1>
      tpu.vector_store_idx %arg24[%and3A_4, %add3A_1842], %gather3A_1854 masked %lt3A_6 : memref<8x512xf32, #tpu.memory_space<vmem>>[vector<16xi32>, vector<16xi32>], vector<16xf32>, vector<16xi1>
      %slice3A_1855 = vector.extract_strided_slice %and3A_1767 {offsets = [1], sizes = [1], strides = [1]} : vector<16xi32> to vector<1xi32>
      %squeeze3A_1856 = vector.extract %slice3A_1855[0] : i32 from vector<1xi32>
      %broadcast_in_dim3A_1857 = arith.constant 0 : i32
      %broadcast_in_dim3A_1858 = vector.broadcast %broadcast_in_dim3A_1857 : i32 to vector<16xi32>
      %add3A_1859 = vector.broadcast %squeeze3A_1856 : i32 to vector<16xi32>
      %add3A_1860 = arith.addi %add3A_1859, %broadcast_in_dim3A_1858 : vector<16xi32>
      %gather3A_1861 = tpu.vector_load_idx %arg20[%add3A_1775, %add3A_1847, %and3A_4, %add3A_1860] masked %lt3A_6 : memref<2x4x8x128xf32, #tpu.memory_space<vmem>>[vector<16xi32>, vector<16xi32>, vector<16xi32>, vector<16xi32>], vector<16xf32>, vector<16xi1>
      tpu.vector_store_idx %arg25[%and3A_4, %add3A_1842], %gather3A_1861 masked %lt3A_6 : memref<8x512xf32, #tpu.memory_space<vmem>>[vector<16xi32>, vector<16xi32>], vector<16xf32>, vector<16xi1>
      %mul3A_1862 = arith.constant 2 : i32
      %mul3A_1863 = vector.broadcast %mul3A_1862 : i32 to vector<16xi32>
      %mul3A_1864 = arith.muli %mul3A_1863, %add3A_1847 : vector<16xi32>
      %add3A_1865 = arith.addi %mul3A_1864, %shift_right_arithmetic3A_8 : vector<16xi32>
      %gather3A_1866 = tpu.vector_load_idx %arg21[%add3A_1775, %add3A_1865, %and3A_4, %add3A_1853] : memref<2x8x8x128xf32, #tpu.memory_space<vmem>>[vector<16xi32>, vector<16xi32>, vector<16xi32>, vector<16xi32>], vector<16xf32>,
      tpu.vector_store_idx %arg26[%iota3A, %add3A_1842], %gather3A_1866 : memref<16x512xf32, #tpu.memory_space<vmem>>[vector<16xi32>, vector<16xi32>], vector<16xf32>,
      %mul3A_1867 = arith.constant 2 : i32
      %mul3A_1868 = vector.broadcast %mul3A_1867 : i32 to vector<16xi32>
      %mul3A_1869 = arith.muli %mul3A_1868, %add3A_1847 : vector<16xi32>
      %add3A_1870 = arith.addi %mul3A_1869, %shift_right_arithmetic3A_8 : vector<16xi32>
      %gather3A_1871 = tpu.vector_load_idx %arg22[%add3A_1775, %add3A_1870, %and3A_4, %add3A_1860] : memref<2x8x8x128xf32, #tpu.memory_space<vmem>>[vector<16xi32>, vector<16xi32>, vector<16xi32>, vector<16xi32>], vector<16xf32>,
      tpu.vector_store_idx %arg27[%iota3A, %add3A_1842], %gather3A_1871 : memref<16x512xf32, #tpu.memory_space<vmem>>[vector<16xi32>, vector<16xi32>], vector<16xf32>,
      %slice3A_1872 = vector.extract_strided_slice %and3A_1770 {offsets = [1], sizes = [1], strides = [1]} : vector<16xi32> to vector<1xi32>
      %squeeze3A_1873 = vector.extract %slice3A_1872[0] : i32 from vector<1xi32>
      %broadcast_in_dim3A_1874 = arith.constant 0 : i32
      %broadcast_in_dim3A_1875 = vector.broadcast %broadcast_in_dim3A_1874 : i32 to vector<16xi32>
      %add3A_1876 = vector.broadcast %squeeze3A_1873 : i32 to vector<16xi32>
      %add3A_1877 = arith.addi %add3A_1876, %broadcast_in_dim3A_1875 : vector<16xi32>
      %mul3A_1878 = arith.constant 4 : i32
      %mul3A_1879 = vector.broadcast %mul3A_1878 : i32 to vector<16xi32>
      %mul3A_1880 = arith.muli %mul3A_1879, %add3A_1847 : vector<16xi32>
      %add3A_1881 = arith.addi %mul3A_1880, %shift_right_arithmetic3A_8 : vector<16xi32>
      %gather3A_1882 = tpu.vector_load_idx %arg23[%add3A_1775, %add3A_1881, %and3A_4, %add3A_1877] : memref<2x16x8x128xf32, #tpu.memory_space<vmem>>[vector<16xi32>, vector<16xi32>, vector<16xi32>, vector<16xi32>], vector<16xf32>,
      tpu.vector_store_idx %arg28[%iota3A, %add3A_1842], %gather3A_1882 : memref<32x512xf32, #tpu.memory_space<vmem>>[vector<16xi32>, vector<16xi32>], vector<16xf32>,
      %mul3A_1883 = arith.constant 4 : i32
      %mul3A_1884 = vector.broadcast %mul3A_1883 : i32 to vector<16xi32>
      %mul3A_1885 = arith.muli %mul3A_1884, %add3A_1847 : vector<16xi32>
      %add3A_1886 = arith.constant 2 : i32
      %add3A_1887 = vector.broadcast %add3A_1886 : i32 to vector<16xi32>
      %add3A_1888 = arith.addi %mul3A_1885, %add3A_1887 : vector<16xi32>
      %add3A_1889 = arith.addi %add3A_1888, %shift_right_arithmetic3A_8 : vector<16xi32>
      %gather3A_1890 = tpu.vector_load_idx %arg23[%add3A_1775, %add3A_1889, %and3A_4, %add3A_1877] : memref<2x16x8x128xf32, #tpu.memory_space<vmem>>[vector<16xi32>, vector<16xi32>, vector<16xi32>, vector<16xi32>], vector<16xf32>,
      %add3A_1891 = arith.constant 16 : i32
      %add3A_1892 = vector.broadcast %add3A_1891 : i32 to vector<16xi32>
      %add3A_1893 = arith.addi %add3A_1892, %iota3A : vector<16xi32>
      tpu.vector_store_idx %arg28[%add3A_1893, %add3A_1842], %gather3A_1890 : memref<32x512xf32, #tpu.memory_space<vmem>>[vector<16xi32>, vector<16xi32>], vector<16xf32>,
      %mul3A_1894 = arith.constant 4 : i32
      %mul3A_1895 = arith.muli %add3A_1749, %mul3A_1894 : i32
      %add3A_1896 = arith.constant 2 : i32
      %add3A_1897 = arith.addi %mul3A_1895, %add3A_1896 : i32
      %broadcast_in_dim3A_1898 = arith.constant 0 : i32
      %broadcast_in_dim3A_1899 = vector.broadcast %broadcast_in_dim3A_1898 : i32 to vector<16xi32>
      %add3A_1900 = vector.broadcast %add3A_1897 : i32 to vector<16xi32>
      %add3A_1901 = arith.addi %add3A_1900, %broadcast_in_dim3A_1899 : vector<16xi32>
      %broadcast_in_dim3A_1902 = arith.constant 0 : i32
      %broadcast_in_dim3A_1903 = vector.broadcast %broadcast_in_dim3A_1902 : i32 to vector<16xi32>
      %add3A_1904 = arith.constant 2 : i32
      %add3A_1905 = vector.broadcast %add3A_1904 : i32 to vector<16xi32>
      %add3A_1906 = arith.addi %broadcast_in_dim3A_1903, %add3A_1905 : vector<16xi32>
      %slice3A_1907 = vector.extract_strided_slice %and3A_1764 {offsets = [2], sizes = [1], strides = [1]} : vector<16xi32> to vector<1xi32>
      %squeeze3A_1908 = vector.extract %slice3A_1907[0] : i32 from vector<1xi32>
      %broadcast_in_dim3A_1909 = arith.constant 0 : i32
      %broadcast_in_dim3A_1910 = vector.broadcast %broadcast_in_dim3A_1909 : i32 to vector<16xi32>
      %add3A_1911 = vector.broadcast %squeeze3A_1908 : i32 to vector<16xi32>
      %add3A_1912 = arith.addi %add3A_1911, %broadcast_in_dim3A_1910 : vector<16xi32>
      %gather3A_1913 = tpu.vector_load_idx %arg19[%add3A_1775, %add3A_1906, %and3A_4, %add3A_1912] masked %lt3A_6 : memref<2x4x8x128xf32, #tpu.memory_space<vmem>>[vector<16xi32>, vector<16xi32>, vector<16xi32>, vector<16xi32>], vector<16xf32>, vector<16xi1>
      tpu.vector_store_idx %arg24[%and3A_4, %add3A_1901], %gather3A_1913 masked %lt3A_6 : memref<8x512xf32, #tpu.memory_space<vmem>>[vector<16xi32>, vector<16xi32>], vector<16xf32>, vector<16xi1>
      %slice3A_1914 = vector.extract_strided_slice %and3A_1767 {offsets = [2], sizes = [1], strides = [1]} : vector<16xi32> to vector<1xi32>
      %squeeze3A_1915 = vector.extract %slice3A_1914[0] : i32 from vector<1xi32>
      %broadcast_in_dim3A_1916 = arith.constant 0 : i32
      %broadcast_in_dim3A_1917 = vector.broadcast %broadcast_in_dim3A_1916 : i32 to vector<16xi32>
      %add3A_1918 = vector.broadcast %squeeze3A_1915 : i32 to vector<16xi32>
      %add3A_1919 = arith.addi %add3A_1918, %broadcast_in_dim3A_1917 : vector<16xi32>
      %gather3A_1920 = tpu.vector_load_idx %arg20[%add3A_1775, %add3A_1906, %and3A_4, %add3A_1919] masked %lt3A_6 : memref<2x4x8x128xf32, #tpu.memory_space<vmem>>[vector<16xi32>, vector<16xi32>, vector<16xi32>, vector<16xi32>], vector<16xf32>, vector<16xi1>
      tpu.vector_store_idx %arg25[%and3A_4, %add3A_1901], %gather3A_1920 masked %lt3A_6 : memref<8x512xf32, #tpu.memory_space<vmem>>[vector<16xi32>, vector<16xi32>], vector<16xf32>, vector<16xi1>
      %mul3A_1921 = arith.constant 2 : i32
      %mul3A_1922 = vector.broadcast %mul3A_1921 : i32 to vector<16xi32>
      %mul3A_1923 = arith.muli %mul3A_1922, %add3A_1906 : vector<16xi32>
      %add3A_1924 = arith.addi %mul3A_1923, %shift_right_arithmetic3A_8 : vector<16xi32>
      %gather3A_1925 = tpu.vector_load_idx %arg21[%add3A_1775, %add3A_1924, %and3A_4, %add3A_1912] : memref<2x8x8x128xf32, #tpu.memory_space<vmem>>[vector<16xi32>, vector<16xi32>, vector<16xi32>, vector<16xi32>], vector<16xf32>,
      tpu.vector_store_idx %arg26[%iota3A, %add3A_1901], %gather3A_1925 : memref<16x512xf32, #tpu.memory_space<vmem>>[vector<16xi32>, vector<16xi32>], vector<16xf32>,
      %mul3A_1926 = arith.constant 2 : i32
      %mul3A_1927 = vector.broadcast %mul3A_1926 : i32 to vector<16xi32>
      %mul3A_1928 = arith.muli %mul3A_1927, %add3A_1906 : vector<16xi32>
      %add3A_1929 = arith.addi %mul3A_1928, %shift_right_arithmetic3A_8 : vector<16xi32>
      %gather3A_1930 = tpu.vector_load_idx %arg22[%add3A_1775, %add3A_1929, %and3A_4, %add3A_1919] : memref<2x8x8x128xf32, #tpu.memory_space<vmem>>[vector<16xi32>, vector<16xi32>, vector<16xi32>, vector<16xi32>], vector<16xf32>,
      tpu.vector_store_idx %arg27[%iota3A, %add3A_1901], %gather3A_1930 : memref<16x512xf32, #tpu.memory_space<vmem>>[vector<16xi32>, vector<16xi32>], vector<16xf32>,
      %slice3A_1931 = vector.extract_strided_slice %and3A_1770 {offsets = [2], sizes = [1], strides = [1]} : vector<16xi32> to vector<1xi32>
      %squeeze3A_1932 = vector.extract %slice3A_1931[0] : i32 from vector<1xi32>
      %broadcast_in_dim3A_1933 = arith.constant 0 : i32
      %broadcast_in_dim3A_1934 = vector.broadcast %broadcast_in_dim3A_1933 : i32 to vector<16xi32>
      %add3A_1935 = vector.broadcast %squeeze3A_1932 : i32 to vector<16xi32>
      %add3A_1936 = arith.addi %add3A_1935, %broadcast_in_dim3A_1934 : vector<16xi32>
      %mul3A_1937 = arith.constant 4 : i32
      %mul3A_1938 = vector.broadcast %mul3A_1937 : i32 to vector<16xi32>
      %mul3A_1939 = arith.muli %mul3A_1938, %add3A_1906 : vector<16xi32>
      %add3A_1940 = arith.addi %mul3A_1939, %shift_right_arithmetic3A_8 : vector<16xi32>
      %gather3A_1941 = tpu.vector_load_idx %arg23[%add3A_1775, %add3A_1940, %and3A_4, %add3A_1936] : memref<2x16x8x128xf32, #tpu.memory_space<vmem>>[vector<16xi32>, vector<16xi32>, vector<16xi32>, vector<16xi32>], vector<16xf32>,
      tpu.vector_store_idx %arg28[%iota3A, %add3A_1901], %gather3A_1941 : memref<32x512xf32, #tpu.memory_space<vmem>>[vector<16xi32>, vector<16xi32>], vector<16xf32>,
      %mul3A_1942 = arith.constant 4 : i32
      %mul3A_1943 = vector.broadcast %mul3A_1942 : i32 to vector<16xi32>
      %mul3A_1944 = arith.muli %mul3A_1943, %add3A_1906 : vector<16xi32>
      %add3A_1945 = arith.constant 2 : i32
      %add3A_1946 = vector.broadcast %add3A_1945 : i32 to vector<16xi32>
      %add3A_1947 = arith.addi %mul3A_1944, %add3A_1946 : vector<16xi32>
      %add3A_1948 = arith.addi %add3A_1947, %shift_right_arithmetic3A_8 : vector<16xi32>
      %gather3A_1949 = tpu.vector_load_idx %arg23[%add3A_1775, %add3A_1948, %and3A_4, %add3A_1936] : memref<2x16x8x128xf32, #tpu.memory_space<vmem>>[vector<16xi32>, vector<16xi32>, vector<16xi32>, vector<16xi32>], vector<16xf32>,
      %add3A_1950 = arith.constant 16 : i32
      %add3A_1951 = vector.broadcast %add3A_1950 : i32 to vector<16xi32>
      %add3A_1952 = arith.addi %add3A_1951, %iota3A : vector<16xi32>
      tpu.vector_store_idx %arg28[%add3A_1952, %add3A_1901], %gather3A_1949 : memref<32x512xf32, #tpu.memory_space<vmem>>[vector<16xi32>, vector<16xi32>], vector<16xf32>,
      %mul3A_1953 = arith.constant 4 : i32
      %mul3A_1954 = arith.muli %add3A_1749, %mul3A_1953 : i32
      %add3A_1955 = arith.constant 3 : i32
      %add3A_1956 = arith.addi %mul3A_1954, %add3A_1955 : i32
      %broadcast_in_dim3A_1957 = arith.constant 0 : i32
      %broadcast_in_dim3A_1958 = vector.broadcast %broadcast_in_dim3A_1957 : i32 to vector<16xi32>
      %add3A_1959 = vector.broadcast %add3A_1956 : i32 to vector<16xi32>
      %add3A_1960 = arith.addi %add3A_1959, %broadcast_in_dim3A_1958 : vector<16xi32>
      %broadcast_in_dim3A_1961 = arith.constant 0 : i32
      %broadcast_in_dim3A_1962 = vector.broadcast %broadcast_in_dim3A_1961 : i32 to vector<16xi32>
      %add3A_1963 = arith.constant 3 : i32
      %add3A_1964 = vector.broadcast %add3A_1963 : i32 to vector<16xi32>
      %add3A_1965 = arith.addi %broadcast_in_dim3A_1962, %add3A_1964 : vector<16xi32>
      %slice3A_1966 = vector.extract_strided_slice %and3A_1764 {offsets = [3], sizes = [1], strides = [1]} : vector<16xi32> to vector<1xi32>
      %squeeze3A_1967 = vector.extract %slice3A_1966[0] : i32 from vector<1xi32>
      %broadcast_in_dim3A_1968 = arith.constant 0 : i32
      %broadcast_in_dim3A_1969 = vector.broadcast %broadcast_in_dim3A_1968 : i32 to vector<16xi32>
      %add3A_1970 = vector.broadcast %squeeze3A_1967 : i32 to vector<16xi32>
      %add3A_1971 = arith.addi %add3A_1970, %broadcast_in_dim3A_1969 : vector<16xi32>
      %gather3A_1972 = tpu.vector_load_idx %arg19[%add3A_1775, %add3A_1965, %and3A_4, %add3A_1971] masked %lt3A_6 : memref<2x4x8x128xf32, #tpu.memory_space<vmem>>[vector<16xi32>, vector<16xi32>, vector<16xi32>, vector<16xi32>], vector<16xf32>, vector<16xi1>
      tpu.vector_store_idx %arg24[%and3A_4, %add3A_1960], %gather3A_1972 masked %lt3A_6 : memref<8x512xf32, #tpu.memory_space<vmem>>[vector<16xi32>, vector<16xi32>], vector<16xf32>, vector<16xi1>
      %slice3A_1973 = vector.extract_strided_slice %and3A_1767 {offsets = [3], sizes = [1], strides = [1]} : vector<16xi32> to vector<1xi32>
      %squeeze3A_1974 = vector.extract %slice3A_1973[0] : i32 from vector<1xi32>
      %broadcast_in_dim3A_1975 = arith.constant 0 : i32
      %broadcast_in_dim3A_1976 = vector.broadcast %broadcast_in_dim3A_1975 : i32 to vector<16xi32>
      %add3A_1977 = vector.broadcast %squeeze3A_1974 : i32 to vector<16xi32>
      %add3A_1978 = arith.addi %add3A_1977, %broadcast_in_dim3A_1976 : vector<16xi32>
      %gather3A_1979 = tpu.vector_load_idx %arg20[%add3A_1775, %add3A_1965, %and3A_4, %add3A_1978] masked %lt3A_6 : memref<2x4x8x128xf32, #tpu.memory_space<vmem>>[vector<16xi32>, vector<16xi32>, vector<16xi32>, vector<16xi32>], vector<16xf32>, vector<16xi1>
      tpu.vector_store_idx %arg25[%and3A_4, %add3A_1960], %gather3A_1979 masked %lt3A_6 : memref<8x512xf32, #tpu.memory_space<vmem>>[vector<16xi32>, vector<16xi32>], vector<16xf32>, vector<16xi1>
      %mul3A_1980 = arith.constant 2 : i32
      %mul3A_1981 = vector.broadcast %mul3A_1980 : i32 to vector<16xi32>
      %mul3A_1982 = arith.muli %mul3A_1981, %add3A_1965 : vector<16xi32>
      %add3A_1983 = arith.addi %mul3A_1982, %shift_right_arithmetic3A_8 : vector<16xi32>
      %gather3A_1984 = tpu.vector_load_idx %arg21[%add3A_1775, %add3A_1983, %and3A_4, %add3A_1971] : memref<2x8x8x128xf32, #tpu.memory_space<vmem>>[vector<16xi32>, vector<16xi32>, vector<16xi32>, vector<16xi32>], vector<16xf32>,
      tpu.vector_store_idx %arg26[%iota3A, %add3A_1960], %gather3A_1984 : memref<16x512xf32, #tpu.memory_space<vmem>>[vector<16xi32>, vector<16xi32>], vector<16xf32>,
      %mul3A_1985 = arith.constant 2 : i32
      %mul3A_1986 = vector.broadcast %mul3A_1985 : i32 to vector<16xi32>
      %mul3A_1987 = arith.muli %mul3A_1986, %add3A_1965 : vector<16xi32>
      %add3A_1988 = arith.addi %mul3A_1987, %shift_right_arithmetic3A_8 : vector<16xi32>
      %gather3A_1989 = tpu.vector_load_idx %arg22[%add3A_1775, %add3A_1988, %and3A_4, %add3A_1978] : memref<2x8x8x128xf32, #tpu.memory_space<vmem>>[vector<16xi32>, vector<16xi32>, vector<16xi32>, vector<16xi32>], vector<16xf32>,
      tpu.vector_store_idx %arg27[%iota3A, %add3A_1960], %gather3A_1989 : memref<16x512xf32, #tpu.memory_space<vmem>>[vector<16xi32>, vector<16xi32>], vector<16xf32>,
      %slice3A_1990 = vector.extract_strided_slice %and3A_1770 {offsets = [3], sizes = [1], strides = [1]} : vector<16xi32> to vector<1xi32>
      %squeeze3A_1991 = vector.extract %slice3A_1990[0] : i32 from vector<1xi32>
      %broadcast_in_dim3A_1992 = arith.constant 0 : i32
      %broadcast_in_dim3A_1993 = vector.broadcast %broadcast_in_dim3A_1992 : i32 to vector<16xi32>
      %add3A_1994 = vector.broadcast %squeeze3A_1991 : i32 to vector<16xi32>
      %add3A_1995 = arith.addi %add3A_1994, %broadcast_in_dim3A_1993 : vector<16xi32>
      %mul3A_1996 = arith.constant 4 : i32
      %mul3A_1997 = vector.broadcast %mul3A_1996 : i32 to vector<16xi32>
      %mul3A_1998 = arith.muli %mul3A_1997, %add3A_1965 : vector<16xi32>
      %add3A_1999 = arith.addi %mul3A_1998, %shift_right_arithmetic3A_8 : vector<16xi32>
      %gather3A_2000 = tpu.vector_load_idx %arg23[%add3A_1775, %add3A_1999, %and3A_4, %add3A_1995] : memref<2x16x8x128xf32, #tpu.memory_space<vmem>>[vector<16xi32>, vector<16xi32>, vector<16xi32>, vector<16xi32>], vector<16xf32>,
      tpu.vector_store_idx %arg28[%iota3A, %add3A_1960], %gather3A_2000 : memref<32x512xf32, #tpu.memory_space<vmem>>[vector<16xi32>, vector<16xi32>], vector<16xf32>,
      %mul3A_2001 = arith.constant 4 : i32
      %mul3A_2002 = vector.broadcast %mul3A_2001 : i32 to vector<16xi32>
      %mul3A_2003 = arith.muli %mul3A_2002, %add3A_1965 : vector<16xi32>
      %add3A_2004 = arith.constant 2 : i32
      %add3A_2005 = vector.broadcast %add3A_2004 : i32 to vector<16xi32>
      %add3A_2006 = arith.addi %mul3A_2003, %add3A_2005 : vector<16xi32>
      %add3A_2007 = arith.addi %add3A_2006, %shift_right_arithmetic3A_8 : vector<16xi32>
      %gather3A_2008 = tpu.vector_load_idx %arg23[%add3A_1775, %add3A_2007, %and3A_4, %add3A_1995] : memref<2x16x8x128xf32, #tpu.memory_space<vmem>>[vector<16xi32>, vector<16xi32>, vector<16xi32>, vector<16xi32>], vector<16xf32>,
      %add3A_2009 = arith.constant 16 : i32
      %add3A_2010 = vector.broadcast %add3A_2009 : i32 to vector<16xi32>
      %add3A_2011 = arith.addi %add3A_2010, %iota3A : vector<16xi32>
      tpu.vector_store_idx %arg28[%add3A_2011, %add3A_1960], %gather3A_2008 : memref<32x512xf32, #tpu.memory_space<vmem>>[vector<16xi32>, vector<16xi32>], vector<16xf32>,
      %scan3A_2012 = arith.constant 0 : i32
      scf.yield %scan3A_2012 : i32
    }
    %scan3A_400 = arith.constant 64 : i32
    %dma_wait3A = arith.constant 0 : i32
    %dma_wait3A_401 = arith.constant 0 : i32
    %dma_wait3A_402 = arith.constant 0 : i32
    %dma_wait3A_403 = arith.constant 0 : i32
    %dma_wait3A_404 = tpu.memref_slice %arg19[%dma_wait3A, %dma_wait3A_401, %dma_wait3A_402, %dma_wait3A_403] : memref<2x4x8x128xf32, #tpu.memory_space<vmem>> -> memref<1x4x8x128xf32, #tpu.memory_space<vmem>>
    %dma_wait3A_405 = tpu.memref_squeeze %dma_wait3A_404 : memref<1x4x8x128xf32, #tpu.memory_space<vmem>> -> memref<4x8x128xf32, #tpu.memory_space<vmem>>
    %dma_wait3A_406 = arith.constant 0 : i32
    %dma_wait3A_407 = arith.constant 0 : i32
    %dma_wait3A_408 = arith.constant 0 : i32
    %dma_wait3A_409 = tpu.memref_slice %arg10[%dma_wait3A_406, %dma_wait3A_407, %dma_wait3A_408] : memref<16x8x128xf32, #tpu.memory_space<hbm>> -> memref<4x8x128xf32, #tpu.memory_space<hbm>>
    %dma_wait3A_410 = arith.constant 0 : i32
    %dma_wait3A_411 = arith.constant 0 : i32
    %dma_wait3A_412 = arith.constant 0 : i32
    %dma_wait3A_413 = tpu.memref_slice %arg19[%dma_wait3A, %dma_wait3A_410, %dma_wait3A_411, %dma_wait3A_412] : memref<2x4x8x128xf32, #tpu.memory_space<vmem>> -> memref<1x4x8x128xf32, #tpu.memory_space<vmem>>
    %dma_wait3A_414 = tpu.memref_squeeze %dma_wait3A_413 : memref<1x4x8x128xf32, #tpu.memory_space<vmem>> -> memref<4x8x128xf32, #tpu.memory_space<vmem>>
    %dma_wait3A_415 = arith.constant 0 : i32
    %dma_wait3A_416 = arith.constant 0 : i32
    %dma_wait3A_417 = arith.constant 0 : i32
    %dma_wait3A_418 = tpu.memref_slice %arg10[%dma_wait3A_415, %dma_wait3A_416, %dma_wait3A_417] : memref<16x8x128xf32, #tpu.memory_space<hbm>> -> memref<4x8x128xf32, #tpu.memory_space<hbm>>
    tpu.wait_dma2 semaphore(%arg29 : memref<!tpu.dma_semaphore, #tpu.memory_space<semaphore_mem>>) src(%dma_wait3A_418 : memref<4x8x128xf32, #tpu.memory_space<hbm>>) dst(%dma_wait3A_414 : memref<4x8x128xf32, #tpu.memory_space<vmem>>)
    %dma_wait3A_419 = arith.constant 0 : i32
    %dma_wait3A_420 = arith.constant 0 : i32
    %dma_wait3A_421 = arith.constant 0 : i32
    %dma_wait3A_422 = arith.constant 0 : i32
    %dma_wait3A_423 = tpu.memref_slice %arg20[%dma_wait3A_419, %dma_wait3A_420, %dma_wait3A_421, %dma_wait3A_422] : memref<2x4x8x128xf32, #tpu.memory_space<vmem>> -> memref<1x4x8x128xf32, #tpu.memory_space<vmem>>
    %dma_wait3A_424 = tpu.memref_squeeze %dma_wait3A_423 : memref<1x4x8x128xf32, #tpu.memory_space<vmem>> -> memref<4x8x128xf32, #tpu.memory_space<vmem>>
    %dma_wait3A_425 = arith.constant 0 : i32
    %dma_wait3A_426 = arith.constant 0 : i32
    %dma_wait3A_427 = arith.constant 0 : i32
    %dma_wait3A_428 = tpu.memref_slice %arg10[%dma_wait3A_425, %dma_wait3A_426, %dma_wait3A_427] : memref<16x8x128xf32, #tpu.memory_space<hbm>> -> memref<4x8x128xf32, #tpu.memory_space<hbm>>
    %dma_wait3A_429 = arith.constant 0 : i32
    %dma_wait3A_430 = arith.constant 0 : i32
    %dma_wait3A_431 = arith.constant 0 : i32
    %dma_wait3A_432 = tpu.memref_slice %arg20[%dma_wait3A_419, %dma_wait3A_429, %dma_wait3A_430, %dma_wait3A_431] : memref<2x4x8x128xf32, #tpu.memory_space<vmem>> -> memref<1x4x8x128xf32, #tpu.memory_space<vmem>>
    %dma_wait3A_433 = tpu.memref_squeeze %dma_wait3A_432 : memref<1x4x8x128xf32, #tpu.memory_space<vmem>> -> memref<4x8x128xf32, #tpu.memory_space<vmem>>
    %dma_wait3A_434 = arith.constant 0 : i32
    %dma_wait3A_435 = arith.constant 0 : i32
    %dma_wait3A_436 = arith.constant 0 : i32
    %dma_wait3A_437 = tpu.memref_slice %arg10[%dma_wait3A_434, %dma_wait3A_435, %dma_wait3A_436] : memref<16x8x128xf32, #tpu.memory_space<hbm>> -> memref<4x8x128xf32, #tpu.memory_space<hbm>>
    tpu.wait_dma2 semaphore(%arg30 : memref<!tpu.dma_semaphore, #tpu.memory_space<semaphore_mem>>) src(%dma_wait3A_437 : memref<4x8x128xf32, #tpu.memory_space<hbm>>) dst(%dma_wait3A_433 : memref<4x8x128xf32, #tpu.memory_space<vmem>>)
    %dma_wait3A_438 = arith.constant 0 : i32
    %dma_wait3A_439 = arith.constant 0 : i32
    %dma_wait3A_440 = arith.constant 0 : i32
    %dma_wait3A_441 = arith.constant 0 : i32
    %dma_wait3A_442 = tpu.memref_slice %arg21[%dma_wait3A_438, %dma_wait3A_439, %dma_wait3A_440, %dma_wait3A_441] : memref<2x8x8x128xf32, #tpu.memory_space<vmem>> -> memref<1x8x8x128xf32, #tpu.memory_space<vmem>>
    %dma_wait3A_443 = tpu.memref_squeeze %dma_wait3A_442 : memref<1x8x8x128xf32, #tpu.memory_space<vmem>> -> memref<8x8x128xf32, #tpu.memory_space<vmem>>
    %dma_wait3A_444 = arith.constant 0 : i32
    %dma_wait3A_445 = arith.constant 0 : i32
    %dma_wait3A_446 = arith.constant 0 : i32
    %dma_wait3A_447 = tpu.memref_slice %arg10[%dma_wait3A_444, %dma_wait3A_445, %dma_wait3A_446] : memref<16x8x128xf32, #tpu.memory_space<hbm>> -> memref<8x8x128xf32, #tpu.memory_space<hbm>>
    %dma_wait3A_448 = arith.constant 0 : i32
    %dma_wait3A_449 = arith.constant 0 : i32
    %dma_wait3A_450 = arith.constant 0 : i32
    %dma_wait3A_451 = tpu.memref_slice %arg21[%dma_wait3A_438, %dma_wait3A_448, %dma_wait3A_449, %dma_wait3A_450] : memref<2x8x8x128xf32, #tpu.memory_space<vmem>> -> memref<1x8x8x128xf32, #tpu.memory_space<vmem>>
    %dma_wait3A_452 = tpu.memref_squeeze %dma_wait3A_451 : memref<1x8x8x128xf32, #tpu.memory_space<vmem>> -> memref<8x8x128xf32, #tpu.memory_space<vmem>>
    %dma_wait3A_453 = arith.constant 0 : i32
    %dma_wait3A_454 = arith.constant 0 : i32
    %dma_wait3A_455 = arith.constant 0 : i32
    %dma_wait3A_456 = tpu.memref_slice %arg10[%dma_wait3A_453, %dma_wait3A_454, %dma_wait3A_455] : memref<16x8x128xf32, #tpu.memory_space<hbm>> -> memref<8x8x128xf32, #tpu.memory_space<hbm>>
    tpu.wait_dma2 semaphore(%arg31 : memref<!tpu.dma_semaphore, #tpu.memory_space<semaphore_mem>>) src(%dma_wait3A_456 : memref<8x8x128xf32, #tpu.memory_space<hbm>>) dst(%dma_wait3A_452 : memref<8x8x128xf32, #tpu.memory_space<vmem>>)
    %dma_wait3A_457 = arith.constant 0 : i32
    %dma_wait3A_458 = arith.constant 0 : i32
    %dma_wait3A_459 = arith.constant 0 : i32
    %dma_wait3A_460 = arith.constant 0 : i32
    %dma_wait3A_461 = tpu.memref_slice %arg22[%dma_wait3A_457, %dma_wait3A_458, %dma_wait3A_459, %dma_wait3A_460] : memref<2x8x8x128xf32, #tpu.memory_space<vmem>> -> memref<1x8x8x128xf32, #tpu.memory_space<vmem>>
    %dma_wait3A_462 = tpu.memref_squeeze %dma_wait3A_461 : memref<1x8x8x128xf32, #tpu.memory_space<vmem>> -> memref<8x8x128xf32, #tpu.memory_space<vmem>>
    %dma_wait3A_463 = arith.constant 0 : i32
    %dma_wait3A_464 = arith.constant 0 : i32
    %dma_wait3A_465 = arith.constant 0 : i32
    %dma_wait3A_466 = tpu.memref_slice %arg10[%dma_wait3A_463, %dma_wait3A_464, %dma_wait3A_465] : memref<16x8x128xf32, #tpu.memory_space<hbm>> -> memref<8x8x128xf32, #tpu.memory_space<hbm>>
    %dma_wait3A_467 = arith.constant 0 : i32
    %dma_wait3A_468 = arith.constant 0 : i32
    %dma_wait3A_469 = arith.constant 0 : i32
    %dma_wait3A_470 = tpu.memref_slice %arg22[%dma_wait3A_457, %dma_wait3A_467, %dma_wait3A_468, %dma_wait3A_469] : memref<2x8x8x128xf32, #tpu.memory_space<vmem>> -> memref<1x8x8x128xf32, #tpu.memory_space<vmem>>
    %dma_wait3A_471 = tpu.memref_squeeze %dma_wait3A_470 : memref<1x8x8x128xf32, #tpu.memory_space<vmem>> -> memref<8x8x128xf32, #tpu.memory_space<vmem>>
    %dma_wait3A_472 = arith.constant 0 : i32
    %dma_wait3A_473 = arith.constant 0 : i32
    %dma_wait3A_474 = arith.constant 0 : i32
    %dma_wait3A_475 = tpu.memref_slice %arg10[%dma_wait3A_472, %dma_wait3A_473, %dma_wait3A_474] : memref<16x8x128xf32, #tpu.memory_space<hbm>> -> memref<8x8x128xf32, #tpu.memory_space<hbm>>
    tpu.wait_dma2 semaphore(%arg32 : memref<!tpu.dma_semaphore, #tpu.memory_space<semaphore_mem>>) src(%dma_wait3A_475 : memref<8x8x128xf32, #tpu.memory_space<hbm>>) dst(%dma_wait3A_471 : memref<8x8x128xf32, #tpu.memory_space<vmem>>)
    %dma_wait3A_476 = arith.constant 0 : i32
    %dma_wait3A_477 = arith.constant 0 : i32
    %dma_wait3A_478 = arith.constant 0 : i32
    %dma_wait3A_479 = arith.constant 0 : i32
    %dma_wait3A_480 = tpu.memref_slice %arg23[%dma_wait3A_476, %dma_wait3A_477, %dma_wait3A_478, %dma_wait3A_479] : memref<2x16x8x128xf32, #tpu.memory_space<vmem>> -> memref<1x16x8x128xf32, #tpu.memory_space<vmem>>
    %dma_wait3A_481 = tpu.memref_squeeze %dma_wait3A_480 : memref<1x16x8x128xf32, #tpu.memory_space<vmem>> -> memref<16x8x128xf32, #tpu.memory_space<vmem>>
    %dma_wait3A_482 = arith.constant 0 : i32
    %dma_wait3A_483 = arith.constant 0 : i32
    %dma_wait3A_484 = arith.constant 0 : i32
    %dma_wait3A_485 = tpu.memref_slice %arg10[%dma_wait3A_482, %dma_wait3A_483, %dma_wait3A_484] : memref<16x8x128xf32, #tpu.memory_space<hbm>> -> memref<16x8x128xf32, #tpu.memory_space<hbm>>
    %dma_wait3A_486 = arith.constant 0 : i32
    %dma_wait3A_487 = arith.constant 0 : i32
    %dma_wait3A_488 = arith.constant 0 : i32
    %dma_wait3A_489 = tpu.memref_slice %arg23[%dma_wait3A_476, %dma_wait3A_486, %dma_wait3A_487, %dma_wait3A_488] : memref<2x16x8x128xf32, #tpu.memory_space<vmem>> -> memref<1x16x8x128xf32, #tpu.memory_space<vmem>>
    %dma_wait3A_490 = tpu.memref_squeeze %dma_wait3A_489 : memref<1x16x8x128xf32, #tpu.memory_space<vmem>> -> memref<16x8x128xf32, #tpu.memory_space<vmem>>
    %dma_wait3A_491 = arith.constant 0 : i32
    %dma_wait3A_492 = arith.constant 0 : i32
    %dma_wait3A_493 = arith.constant 0 : i32
    %dma_wait3A_494 = tpu.memref_slice %arg10[%dma_wait3A_491, %dma_wait3A_492, %dma_wait3A_493] : memref<16x8x128xf32, #tpu.memory_space<hbm>> -> memref<16x8x128xf32, #tpu.memory_space<hbm>>
    tpu.wait_dma2 semaphore(%arg33 : memref<!tpu.dma_semaphore, #tpu.memory_space<semaphore_mem>>) src(%dma_wait3A_494 : memref<16x8x128xf32, #tpu.memory_space<hbm>>) dst(%dma_wait3A_490 : memref<16x8x128xf32, #tpu.memory_space<vmem>>)
    "tpu.region"() ({
      %run_scoped3A = tpu.sem_alloc : memref<!tpu.dma_semaphore, #tpu.memory_space<semaphore_mem>>
      %dma_start3A_495 = arith.constant 0 : i32
      %dma_start3A_496 = tpu.memref_slice %arg11[%dma_start3A_495, %mul3A_2] : memref<8x16384xf32, #tpu.memory_space<hbm>> -> memref<8x512xf32, #tpu.memory_space<hbm>>
      %dma_start3A_497 = arith.constant 0 : i32
      %dma_start3A_498 = tpu.memref_slice %arg11[%dma_start3A_497, %mul3A_2] : memref<8x16384xf32, #tpu.memory_space<hbm>> -> memref<8x512xf32, #tpu.memory_space<hbm>>
      tpu.enqueue_dma source(%arg24 : memref<8x512xf32, #tpu.memory_space<vmem>>) target(%dma_start3A_498 : memref<8x512xf32, #tpu.memory_space<hbm>>) target_semaphore(%run_scoped3A : memref<!tpu.dma_semaphore, #tpu.memory_space<semaphore_mem>>)
      %dma_wait3A_499 = arith.constant 0 : i32
      %dma_wait3A_500 = tpu.memref_slice %arg11[%dma_wait3A_499, %mul3A_2] : memref<8x16384xf32, #tpu.memory_space<hbm>> -> memref<8x512xf32, #tpu.memory_space<hbm>>
      %dma_wait3A_501 = arith.constant 0 : i32
      %dma_wait3A_502 = tpu.memref_slice %arg11[%dma_wait3A_501, %mul3A_2] : memref<8x16384xf32, #tpu.memory_space<hbm>> -> memref<8x512xf32, #tpu.memory_space<hbm>>
      tpu.wait_dma2 semaphore(%run_scoped3A : memref<!tpu.dma_semaphore, #tpu.memory_space<semaphore_mem>>) src(%arg24 : memref<8x512xf32, #tpu.memory_space<vmem>>) dst(%dma_wait3A_502 : memref<8x512xf32, #tpu.memory_space<hbm>>)
      tpu.yield
    }) : () -> ()
    "tpu.region"() ({
      %run_scoped3A = tpu.sem_alloc : memref<!tpu.dma_semaphore, #tpu.memory_space<semaphore_mem>>
      %dma_start3A_495 = arith.constant 0 : i32
      %dma_start3A_496 = tpu.memref_slice %arg12[%dma_start3A_495, %mul3A_2] : memref<8x16384xf32, #tpu.memory_space<hbm>> -> memref<8x512xf32, #tpu.memory_space<hbm>>
      %dma_start3A_497 = arith.constant 0 : i32
      %dma_start3A_498 = tpu.memref_slice %arg12[%dma_start3A_497, %mul3A_2] : memref<8x16384xf32, #tpu.memory_space<hbm>> -> memref<8x512xf32, #tpu.memory_space<hbm>>
      tpu.enqueue_dma source(%arg25 : memref<8x512xf32, #tpu.memory_space<vmem>>) target(%dma_start3A_498 : memref<8x512xf32, #tpu.memory_space<hbm>>) target_semaphore(%run_scoped3A : memref<!tpu.dma_semaphore, #tpu.memory_space<semaphore_mem>>)
      %dma_wait3A_499 = arith.constant 0 : i32
      %dma_wait3A_500 = tpu.memref_slice %arg12[%dma_wait3A_499, %mul3A_2] : memref<8x16384xf32, #tpu.memory_space<hbm>> -> memref<8x512xf32, #tpu.memory_space<hbm>>
      %dma_wait3A_501 = arith.constant 0 : i32
      %dma_wait3A_502 = tpu.memref_slice %arg12[%dma_wait3A_501, %mul3A_2] : memref<8x16384xf32, #tpu.memory_space<hbm>> -> memref<8x512xf32, #tpu.memory_space<hbm>>
      tpu.wait_dma2 semaphore(%run_scoped3A : memref<!tpu.dma_semaphore, #tpu.memory_space<semaphore_mem>>) src(%arg25 : memref<8x512xf32, #tpu.memory_space<vmem>>) dst(%dma_wait3A_502 : memref<8x512xf32, #tpu.memory_space<hbm>>)
      tpu.yield
    }) : () -> ()
    "tpu.region"() ({
      %run_scoped3A = tpu.sem_alloc : memref<!tpu.dma_semaphore, #tpu.memory_space<semaphore_mem>>
      %dma_start3A_495 = arith.constant 0 : i32
      %dma_start3A_496 = tpu.memref_slice %arg13[%dma_start3A_495, %mul3A_2] : memref<16x16384xf32, #tpu.memory_space<hbm>> -> memref<16x512xf32, #tpu.memory_space<hbm>>
      %dma_start3A_497 = arith.constant 0 : i32
      %dma_start3A_498 = tpu.memref_slice %arg13[%dma_start3A_497, %mul3A_2] : memref<16x16384xf32, #tpu.memory_space<hbm>> -> memref<16x512xf32, #tpu.memory_space<hbm>>
      tpu.enqueue_dma source(%arg26 : memref<16x512xf32, #tpu.memory_space<vmem>>) target(%dma_start3A_498 : memref<16x512xf32, #tpu.memory_space<hbm>>) target_semaphore(%run_scoped3A : memref<!tpu.dma_semaphore, #tpu.memory_space<semaphore_mem>>)
      %dma_wait3A_499 = arith.constant 0 : i32
      %dma_wait3A_500 = tpu.memref_slice %arg13[%dma_wait3A_499, %mul3A_2] : memref<16x16384xf32, #tpu.memory_space<hbm>> -> memref<16x512xf32, #tpu.memory_space<hbm>>
      %dma_wait3A_501 = arith.constant 0 : i32
      %dma_wait3A_502 = tpu.memref_slice %arg13[%dma_wait3A_501, %mul3A_2] : memref<16x16384xf32, #tpu.memory_space<hbm>> -> memref<16x512xf32, #tpu.memory_space<hbm>>
      tpu.wait_dma2 semaphore(%run_scoped3A : memref<!tpu.dma_semaphore, #tpu.memory_space<semaphore_mem>>) src(%arg26 : memref<16x512xf32, #tpu.memory_space<vmem>>) dst(%dma_wait3A_502 : memref<16x512xf32, #tpu.memory_space<hbm>>)
      tpu.yield
    }) : () -> ()
    "tpu.region"() ({
      %run_scoped3A = tpu.sem_alloc : memref<!tpu.dma_semaphore, #tpu.memory_space<semaphore_mem>>
      %dma_start3A_495 = arith.constant 0 : i32
      %dma_start3A_496 = tpu.memref_slice %arg14[%dma_start3A_495, %mul3A_2] : memref<16x16384xf32, #tpu.memory_space<hbm>> -> memref<16x512xf32, #tpu.memory_space<hbm>>
      %dma_start3A_497 = arith.constant 0 : i32
      %dma_start3A_498 = tpu.memref_slice %arg14[%dma_start3A_497, %mul3A_2] : memref<16x16384xf32, #tpu.memory_space<hbm>> -> memref<16x512xf32, #tpu.memory_space<hbm>>
      tpu.enqueue_dma source(%arg27 : memref<16x512xf32, #tpu.memory_space<vmem>>) target(%dma_start3A_498 : memref<16x512xf32, #tpu.memory_space<hbm>>) target_semaphore(%run_scoped3A : memref<!tpu.dma_semaphore, #tpu.memory_space<semaphore_mem>>)
      %dma_wait3A_499 = arith.constant 0 : i32
      %dma_wait3A_500 = tpu.memref_slice %arg14[%dma_wait3A_499, %mul3A_2] : memref<16x16384xf32, #tpu.memory_space<hbm>> -> memref<16x512xf32, #tpu.memory_space<hbm>>
      %dma_wait3A_501 = arith.constant 0 : i32
      %dma_wait3A_502 = tpu.memref_slice %arg14[%dma_wait3A_501, %mul3A_2] : memref<16x16384xf32, #tpu.memory_space<hbm>> -> memref<16x512xf32, #tpu.memory_space<hbm>>
      tpu.wait_dma2 semaphore(%run_scoped3A : memref<!tpu.dma_semaphore, #tpu.memory_space<semaphore_mem>>) src(%arg27 : memref<16x512xf32, #tpu.memory_space<vmem>>) dst(%dma_wait3A_502 : memref<16x512xf32, #tpu.memory_space<hbm>>)
      tpu.yield
    }) : () -> ()
    "tpu.region"() ({
      %run_scoped3A = tpu.sem_alloc : memref<!tpu.dma_semaphore, #tpu.memory_space<semaphore_mem>>
      %dma_start3A_495 = arith.constant 0 : i32
      %dma_start3A_496 = tpu.memref_slice %arg15[%dma_start3A_495, %mul3A_2] : memref<32x16384xf32, #tpu.memory_space<hbm>> -> memref<32x512xf32, #tpu.memory_space<hbm>>
      %dma_start3A_497 = arith.constant 0 : i32
      %dma_start3A_498 = tpu.memref_slice %arg15[%dma_start3A_497, %mul3A_2] : memref<32x16384xf32, #tpu.memory_space<hbm>> -> memref<32x512xf32, #tpu.memory_space<hbm>>
      tpu.enqueue_dma source(%arg28 : memref<32x512xf32, #tpu.memory_space<vmem>>) target(%dma_start3A_498 : memref<32x512xf32, #tpu.memory_space<hbm>>) target_semaphore(%run_scoped3A : memref<!tpu.dma_semaphore, #tpu.memory_space<semaphore_mem>>)
      %dma_wait3A_499 = arith.constant 0 : i32
      %dma_wait3A_500 = tpu.memref_slice %arg15[%dma_wait3A_499, %mul3A_2] : memref<32x16384xf32, #tpu.memory_space<hbm>> -> memref<32x512xf32, #tpu.memory_space<hbm>>
      %dma_wait3A_501 = arith.constant 0 : i32
      %dma_wait3A_502 = tpu.memref_slice %arg15[%dma_wait3A_501, %mul3A_2] : memref<32x16384xf32, #tpu.memory_space<hbm>> -> memref<32x512xf32, #tpu.memory_space<hbm>>
      tpu.wait_dma2 semaphore(%run_scoped3A : memref<!tpu.dma_semaphore, #tpu.memory_space<semaphore_mem>>) src(%arg28 : memref<32x512xf32, #tpu.memory_space<vmem>>) dst(%dma_wait3A_502 : memref<32x512xf32, #tpu.memory_space<hbm>>)
      tpu.yield
    }) : () -> ()
    return
  }
}

module attributes {stable_mosaic.version = 14 : i64} {
  func.func @_mlp_body(%arg0: i32, %arg1: memref<8x2048xf32, #tpu.memory_space<vmem>>, %arg2: memref<8x2048xf32, #tpu.memory_space<vmem>>, %arg3: memref<16x2048xf32, #tpu.memory_space<vmem>>, %arg4: memref<16x2048xf32, #tpu.memory_space<vmem>>, %arg5: memref<32x2048xf32, #tpu.memory_space<vmem>>, %arg6: memref<32x16xf32, #tpu.memory_space<vmem>>, %arg7: memref<32x16xf32, #tpu.memory_space<vmem>>, %arg8: memref<32x32xf32, #tpu.memory_space<vmem>>, %arg9: memref<32x1xf32, #tpu.memory_space<vmem>>, %arg10: memref<16x32xf32, #tpu.memory_space<vmem>>, %arg11: memref<16x1xf32, #tpu.memory_space<vmem>>, %arg12: memref<1x8xf32, #tpu.memory_space<vmem>>, %arg13: memref<1x16xf32, #tpu.memory_space<vmem>>, %arg14: memref<1x1xf32, #tpu.memory_space<vmem>>, %arg15: memref<2048xf32, #tpu.memory_space<vmem>>) attributes {dimension_semantics = [#tpu.dimension_semantics<arbitrary>], iteration_bounds = array<i64: 8>, scalar_prefetch = 0 : i64, scratch_operands = 0 : i64, tpu.core_type = #tpu.core_type<tc>, window_params = [{transform_indices = @transform_0, window_bounds = array<i64: 8, 2048>}, {transform_indices = @transform_1, window_bounds = array<i64: 8, 2048>}, {transform_indices = @transform_2, window_bounds = array<i64: 16, 2048>}, {transform_indices = @transform_3, window_bounds = array<i64: 16, 2048>}, {transform_indices = @transform_4, window_bounds = array<i64: 32, 2048>}, {pipeline_mode = #tpu.pipeline_mode<synchronous>, transform_indices = @transform_5, window_bounds = array<i64: 32, 16>}, {pipeline_mode = #tpu.pipeline_mode<synchronous>, transform_indices = @transform_6, window_bounds = array<i64: 32, 16>}, {pipeline_mode = #tpu.pipeline_mode<synchronous>, transform_indices = @transform_7, window_bounds = array<i64: 32, 32>}, {pipeline_mode = #tpu.pipeline_mode<synchronous>, transform_indices = @transform_8, window_bounds = array<i64: 32, 1>}, {pipeline_mode = #tpu.pipeline_mode<synchronous>, transform_indices = @transform_9, window_bounds = array<i64: 16, 32>}, {pipeline_mode = #tpu.pipeline_mode<synchronous>, transform_indices = @transform_10, window_bounds = array<i64: 16, 1>}, {pipeline_mode = #tpu.pipeline_mode<synchronous>, transform_indices = @transform_11, window_bounds = array<i64: 1, 8>}, {pipeline_mode = #tpu.pipeline_mode<synchronous>, transform_indices = @transform_12, window_bounds = array<i64: 1, 16>}, {pipeline_mode = #tpu.pipeline_mode<synchronous>, transform_indices = @transform_13, window_bounds = array<i64: 1, 1>}, {transform_indices = @transform_14, window_bounds = array<i64: 2048>}]} {
    %get3A = arith.constant 0 : index
    %get3A_0 = arith.constant 0 : index
    %get3A_1 = vector.load %arg6[%get3A, %get3A_0] : memref<32x16xf32, #tpu.memory_space<vmem>>, vector<32x16xf32>
    %get3A_2 = arith.constant 0 : index
    %get3A_3 = arith.constant 0 : index
    %get3A_4 = vector.load %arg3[%get3A_2, %get3A_3] : memref<16x2048xf32, #tpu.memory_space<vmem>>, vector<16x2048xf32>
    %dot_general3A = arith.constant dense<0.000000e+00> : vector<32x2048xf32>
    %dot_general3A_5 = tpu.matmul %get3A_1, %get3A_4, %dot_general3A {dimension_numbers = #tpu.dot_dimension_numbers<[1], [0], [0], [1], [0, 0, 1, 1], [], []>, transpose_lhs_hint = false} : vector<32x16xf32>, vector<16x2048xf32>, vector<32x2048xf32> -> vector<32x2048xf32>
    %get3A_6 = arith.constant 0 : index
    %get3A_7 = arith.constant 0 : index
    %get3A_8 = vector.load %arg7[%get3A_6, %get3A_7] : memref<32x16xf32, #tpu.memory_space<vmem>>, vector<32x16xf32>
    %get3A_9 = arith.constant 0 : index
    %get3A_10 = arith.constant 0 : index
    %get3A_11 = vector.load %arg4[%get3A_9, %get3A_10] : memref<16x2048xf32, #tpu.memory_space<vmem>>, vector<16x2048xf32>
    %dot_general3A_12 = arith.constant dense<0.000000e+00> : vector<32x2048xf32>
    %dot_general3A_13 = tpu.matmul %get3A_8, %get3A_11, %dot_general3A_12 {dimension_numbers = #tpu.dot_dimension_numbers<[1], [0], [0], [1], [0, 0, 1, 1], [], []>, transpose_lhs_hint = false} : vector<32x16xf32>, vector<16x2048xf32>, vector<32x2048xf32> -> vector<32x2048xf32>
    %add3A = arith.addf %dot_general3A_5, %dot_general3A_13 : vector<32x2048xf32>
    %get3A_14 = arith.constant 0 : index
    %get3A_15 = arith.constant 0 : index
    %get3A_16 = vector.load %arg8[%get3A_14, %get3A_15] : memref<32x32xf32, #tpu.memory_space<vmem>>, vector<32x32xf32>
    %get3A_17 = arith.constant 0 : index
    %get3A_18 = arith.constant 0 : index
    %get3A_19 = vector.load %arg5[%get3A_17, %get3A_18] : memref<32x2048xf32, #tpu.memory_space<vmem>>, vector<32x2048xf32>
    %dot_general3A_20 = arith.constant dense<0.000000e+00> : vector<32x2048xf32>
    %dot_general3A_21 = tpu.matmul %get3A_16, %get3A_19, %dot_general3A_20 {dimension_numbers = #tpu.dot_dimension_numbers<[1], [0], [0], [1], [0, 0, 1, 1], [], []>, transpose_lhs_hint = false} : vector<32x32xf32>, vector<32x2048xf32>, vector<32x2048xf32> -> vector<32x2048xf32>
    %add3A_22 = arith.addf %add3A, %dot_general3A_21 : vector<32x2048xf32>
    %get3A_23 = arith.constant 0 : index
    %get3A_24 = arith.constant 0 : index
    %get3A_25 = vector.load %arg9[%get3A_23, %get3A_24] : memref<32x1xf32, #tpu.memory_space<vmem>>, vector<32x1xf32>
    %add3A_26 = vector.broadcast %get3A_25 : vector<32x1xf32> to vector<32x2048xf32>
    %add3A_27 = arith.addf %add3A_22, %add3A_26 : vector<32x2048xf32>
    %max3A = arith.constant 0.000000e+00 : f32
    %max3A_28 = vector.broadcast %max3A : f32 to vector<32x2048xf32>
    %max3A_29 = arith.maximumf %add3A_27, %max3A_28 : vector<32x2048xf32>
    %get3A_30 = arith.constant 0 : index
    %get3A_31 = arith.constant 0 : index
    %get3A_32 = vector.load %arg10[%get3A_30, %get3A_31] : memref<16x32xf32, #tpu.memory_space<vmem>>, vector<16x32xf32>
    %dot_general3A_33 = arith.constant dense<0.000000e+00> : vector<16x2048xf32>
    %dot_general3A_34 = tpu.matmul %get3A_32, %max3A_29, %dot_general3A_33 {dimension_numbers = #tpu.dot_dimension_numbers<[1], [0], [0], [1], [0, 0, 1, 1], [], []>, transpose_lhs_hint = false} : vector<16x32xf32>, vector<32x2048xf32>, vector<16x2048xf32> -> vector<16x2048xf32>
    %get3A_35 = arith.constant 0 : index
    %get3A_36 = arith.constant 0 : index
    %get3A_37 = vector.load %arg11[%get3A_35, %get3A_36] : memref<16x1xf32, #tpu.memory_space<vmem>>, vector<16x1xf32>
    %add3A_38 = vector.broadcast %get3A_37 : vector<16x1xf32> to vector<16x2048xf32>
    %add3A_39 = arith.addf %dot_general3A_34, %add3A_38 : vector<16x2048xf32>
    %max3A_40 = arith.constant 0.000000e+00 : f32
    %max3A_41 = vector.broadcast %max3A_40 : f32 to vector<16x2048xf32>
    %max3A_42 = arith.maximumf %add3A_39, %max3A_41 : vector<16x2048xf32>
    %get3A_43 = arith.constant 0 : index
    %get3A_44 = arith.constant 0 : index
    %get3A_45 = vector.load %arg1[%get3A_43, %get3A_44] : memref<8x2048xf32, #tpu.memory_space<vmem>>, vector<8x2048xf32>
    %get3A_46 = arith.constant 0 : index
    %get3A_47 = arith.constant 0 : index
    %get3A_48 = vector.load %arg2[%get3A_46, %get3A_47] : memref<8x2048xf32, #tpu.memory_space<vmem>>, vector<8x2048xf32>
    %mul3A = arith.mulf %get3A_45, %get3A_48 : vector<8x2048xf32>
    %get3A_49 = arith.constant 0 : index
    %get3A_50 = arith.constant 0 : index
    %get3A_51 = vector.load %arg12[%get3A_49, %get3A_50] : memref<1x8xf32, #tpu.memory_space<vmem>>, vector<1x8xf32>
    %dot_general3A_52 = arith.constant dense<0.000000e+00> : vector<1x2048xf32>
    %dot_general3A_53 = tpu.matmul %get3A_51, %mul3A, %dot_general3A_52 {dimension_numbers = #tpu.dot_dimension_numbers<[1], [0], [0], [1], [0, 0, 1, 1], [], []>, transpose_lhs_hint = false} : vector<1x8xf32>, vector<8x2048xf32>, vector<1x2048xf32> -> vector<1x2048xf32>
    %get3A_54 = arith.constant 0 : index
    %get3A_55 = arith.constant 0 : index
    %get3A_56 = vector.load %arg13[%get3A_54, %get3A_55] : memref<1x16xf32, #tpu.memory_space<vmem>>, vector<1x16xf32>
    %dot_general3A_57 = arith.constant dense<0.000000e+00> : vector<1x2048xf32>
    %dot_general3A_58 = tpu.matmul %get3A_56, %max3A_42, %dot_general3A_57 {dimension_numbers = #tpu.dot_dimension_numbers<[1], [0], [0], [1], [0, 0, 1, 1], [], []>, transpose_lhs_hint = false} : vector<1x16xf32>, vector<16x2048xf32>, vector<1x2048xf32> -> vector<1x2048xf32>
    %add3A_59 = arith.addf %dot_general3A_53, %dot_general3A_58 : vector<1x2048xf32>
    %get3A_60 = arith.constant 0 : index
    %get3A_61 = arith.constant 0 : index
    %get3A_62 = vector.load %arg14[%get3A_60, %get3A_61] : memref<1x1xf32, #tpu.memory_space<vmem>>, vector<1x1xf32>
    %add3A_63 = vector.broadcast %get3A_62 : vector<1x1xf32> to vector<1x2048xf32>
    %add3A_64 = arith.addf %add3A_59, %add3A_63 : vector<1x2048xf32>
    %squeeze3A = vector.shape_cast %add3A_64 : vector<1x2048xf32> to vector<2048xf32>
    %logistic3A = arith.negf %squeeze3A : vector<2048xf32>
    %logistic3A_65 = math.exp %logistic3A : vector<2048xf32>
    %logistic3A_66 = arith.constant 1.000000e+00 : f32
    %logistic3A_67 = vector.broadcast %logistic3A_66 : f32 to vector<2048xf32>
    %logistic3A_68 = arith.addf %logistic3A_67, %logistic3A_65 : vector<2048xf32>
    %logistic3A_69 = arith.divf %logistic3A_67, %logistic3A_68 : vector<2048xf32>
    %swap3A = arith.constant 0 : index
    %swap3A_70 = vector.load %arg15[%swap3A] : memref<2048xf32, #tpu.memory_space<vmem>>, vector<2048xf32>
    tpu.vector_store %arg15[%swap3A], %logistic3A_69 {strides = array<i32>} : memref<2048xf32, #tpu.memory_space<vmem>>, vector<2048xf32>,
    return
  }
  func.func @transform_0(%arg0: i32) -> (i32, i32) {
    %c0_i32 = arith.constant 0 : i32
    %c0_i32_0 = arith.constant 0 : i32
    return %c0_i32, %arg0 : i32, i32
  }
  func.func @transform_1(%arg0: i32) -> (i32, i32) {
    %c0_i32 = arith.constant 0 : i32
    %c0_i32_0 = arith.constant 0 : i32
    return %c0_i32, %arg0 : i32, i32
  }
  func.func @transform_2(%arg0: i32) -> (i32, i32) {
    %c0_i32 = arith.constant 0 : i32
    %c0_i32_0 = arith.constant 0 : i32
    return %c0_i32, %arg0 : i32, i32
  }
  func.func @transform_3(%arg0: i32) -> (i32, i32) {
    %c0_i32 = arith.constant 0 : i32
    %c0_i32_0 = arith.constant 0 : i32
    return %c0_i32, %arg0 : i32, i32
  }
  func.func @transform_4(%arg0: i32) -> (i32, i32) {
    %c0_i32 = arith.constant 0 : i32
    %c0_i32_0 = arith.constant 0 : i32
    return %c0_i32, %arg0 : i32, i32
  }
  func.func @transform_5(%arg0: i32) -> (i32, i32) {
    %c0_i32 = arith.constant 0 : i32
    %c0_i32_0 = arith.constant 0 : i32
    %c0_i32_1 = arith.constant 0 : i32
    return %c0_i32, %c0_i32_0 : i32, i32
  }
  func.func @transform_6(%arg0: i32) -> (i32, i32) {
    %c0_i32 = arith.constant 0 : i32
    %c0_i32_0 = arith.constant 0 : i32
    %c0_i32_1 = arith.constant 0 : i32
    return %c0_i32, %c0_i32_0 : i32, i32
  }
  func.func @transform_7(%arg0: i32) -> (i32, i32) {
    %c0_i32 = arith.constant 0 : i32
    %c0_i32_0 = arith.constant 0 : i32
    %c0_i32_1 = arith.constant 0 : i32
    return %c0_i32, %c0_i32_0 : i32, i32
  }
  func.func @transform_8(%arg0: i32) -> (i32, i32) {
    %c0_i32 = arith.constant 0 : i32
    %c0_i32_0 = arith.constant 0 : i32
    %c0_i32_1 = arith.constant 0 : i32
    return %c0_i32, %c0_i32_0 : i32, i32
  }
  func.func @transform_9(%arg0: i32) -> (i32, i32) {
    %c0_i32 = arith.constant 0 : i32
    %c0_i32_0 = arith.constant 0 : i32
    %c0_i32_1 = arith.constant 0 : i32
    return %c0_i32, %c0_i32_0 : i32, i32
  }
  func.func @transform_10(%arg0: i32) -> (i32, i32) {
    %c0_i32 = arith.constant 0 : i32
    %c0_i32_0 = arith.constant 0 : i32
    %c0_i32_1 = arith.constant 0 : i32
    return %c0_i32, %c0_i32_0 : i32, i32
  }
  func.func @transform_11(%arg0: i32) -> (i32, i32) {
    %c0_i32 = arith.constant 0 : i32
    %c0_i32_0 = arith.constant 0 : i32
    %c0_i32_1 = arith.constant 0 : i32
    return %c0_i32, %c0_i32_0 : i32, i32
  }
  func.func @transform_12(%arg0: i32) -> (i32, i32) {
    %c0_i32 = arith.constant 0 : i32
    %c0_i32_0 = arith.constant 0 : i32
    %c0_i32_1 = arith.constant 0 : i32
    return %c0_i32, %c0_i32_0 : i32, i32
  }
  func.func @transform_13(%arg0: i32) -> (i32, i32) {
    %c0_i32 = arith.constant 0 : i32
    %c0_i32_0 = arith.constant 0 : i32
    %c0_i32_1 = arith.constant 0 : i32
    return %c0_i32, %c0_i32_0 : i32, i32
  }
  func.func @transform_14(%arg0: i32) -> i32 {
    %c0_i32 = arith.constant 0 : i32
    return %arg0 : i32
  }
}

</mosaic_0001>

<sc_bundles>
// kernel: kernel.4.cloned.1.call-start
scs
__scs_entry_jumppad:
0x0: {  	(pc) =	sbr.rel $0x88, $3  }
0x1: {  	(tag) =	ssettag $0x0;
	lr =	simm.s32 $0x1  }
0x2: {  	[smem:$0x3F93] =	sst lr;
	_ =	strace $0xD0000000  }
0x3: {  	_ = 	snop  }
0x4: {  	_ = 	snop  }
0x5: {  	_ = 	snop  }
0x6: {  	_ = 	snop  }
0x7: {  	_ = 	snop  }
__scs_overlays_trampoline_lowered:
0x8: {  	[smem:$0x3FA2] =	sst s0  }
0x9: {  	[smem:$0x3FA3] =	sst s1  }
0xa: {  	[smem:$0x3FA4] =	sst s2  }
0xb: {  	[smem:$0x3FA5] =	sst s3  }
0xc: {  	[smem:$0x3FA6] =	sst s4  }
0xd: {  	[smem:$0x3FA7] =	sst s5  }
0xe: {  	[smem:$0x3FA8] =	sst s6  }
0xf: {  	[smem:$0x3FA9] =	sst s7  }
0x10: {  	[smem:$0x3FAA] =	sst s8  }
0x11: {  	[smem:$0x3FAB] =	sst s9;
	s0 =	simm.s32 @!p0 $0x0  }
0x12: {  	s1 =	sld [smem:$0x3F91];
	s0 =	simm.s32 @p0 $0x1  }
0x13: {  	[smem:$0x3FAC] =	sst s0;
	s0 =	simm.s32 @!p1 $0x0  }
0x14: {  	s2 =	sld [smem:$0x3F90];
	s0 =	simm.s32 @p1 $0x1  }
0x15: {  	[smem:$0x3FAD] =	sst s0;
	s0 =	simm.s32 @!p2 $0x0  }
0x16: {  	s3 =	sld [smem:$0x3FDB];
	s0 =	simm.s32 @p2 $0x1  }
0x17: {  	s4 =	simm.s32 $0x1BF5;
	[smem:$0x3FAF] =	sst s0  }
0x18: {  	s0 =	sld [smem:$0x3F92];
	_ =	swait.ge [sflag:s4], $0x0  }
0x19: {  	s7 =	sld [smem:$0x3F93]  }
0x1a: {  	s8 =	sadd.s32 $0xFFFFE003, lr  }
0x1b: {  	s9 =	sadd.s32 $0xFFFFFEF7, lr;
	s5 =	simm.s32 $0xFFFFFFFF;
	p2 =	slt.u32 s8, $0xFFFFF086  }
0x1c: {  	p1 =	slt.u32 s9, $0xF7A;
	s5 =	simm.s32 @!p2 $0x0  }
0x1d: {  	s5 =	simm.s32 @p1 $0x1;
	p0 =	seq.s32 s7, s2  }
0x1e: {  	s7 =	smul.u32 @!p0 $0xF7A, s2;
	p2 =	seq.s32 @!p0 s5, $0x0  }
0x1f: {  	s9 =	smul.u32 $0xF7A, s1;
	s8 =	simm.s32 @!p0 $0x1BF5;
	p2 =	por !p2, p0  }
0x20: {  	[sflag:s8] =	ssyncset.s32 @!p0 $0xFFFFF086;
	s6 =	sadd.s32 @!p0 s3, s7;
	s7 =	simm.s32 @!p0 $0x108  }
0x21: {  	s3 =	sadd.s32 s3, s9;
	s6 =	sadd.s32 @!p0 $0x88, s6;
	s7 =	simm.s32 @p2 $0x1082  }
0x22: {  	[simem:s7], [sflag:s8] =	dma.local @!p0 [hbm:s6], $0xF7A  }
0x23: {  	s9 =	sor.u32 $0xD0000000, s2;
	s6 =	simm.s32 $0x108;
	_ =	swait.ge @!p0 [sflag:s8], $0x0  }
0x24: {  	s3 =	sadd.s32 $0x88, s3;
	s6 =	simm.s32 @!p1 $0x1082;
	[sflag:s4] =	ssyncset.s32 $0xFFFFF086  }
0x25: {  	[simem:s6], [sflag:s4] =	dma.local [hbm:s3], $0xF7A  }
0x26: {  	[smem:$0x3F93] =	sst s1;
	(tag) =	ssettag s2;
	_ =	strace s9  }
0x27: {  	s1 =	sld [smem:$0x3FA3]  }
0x28: {  	s2 =	sld [smem:$0x3FA4]  }
0x29: {  	s4 =	sld [smem:$0x3FA6]  }
0x2a: {  	p0 =	seq.s32 s5, $0x0;
	s5 =	sld [smem:$0x3FA7]  }
0x2b: {  	s6 =	sld [smem:$0x3FA8]  }
0x2c: {  	s7 =	sld [smem:$0x3FA9]  }
0x2d: {  	s3 =	simm.s32 $0x108;
	s8 =	sld [smem:$0x3FAA]  }
0x2e: {  	s3 =	simm.s32 @!p0 $0x1082;
	s9 =	sld [smem:$0x3FAB]  }
0x2f: {  	lr =	sadd.s32 s0, s3;
	s0 =	sld [smem:$0x3FA2]  }
0x30: {  	s3 =	sld [smem:$0x3FA5]  }
0x31: {  	[smem:$0x3FAE] =	sst s10  }
0x32: {  	s10 =	sld [smem:$0x3FAC];
	_ =	sdelay $0x3  }
0x33: {  	p0 =	seq.s32 s10, $0x1;
	s10 =	sld [smem:$0x3FAE];
	_ =	sdelay $0x3  }
0x34: {  	[smem:$0x3FAE] =	sst s10  }
0x35: {  	s10 =	sld [smem:$0x3FAD];
	_ =	sdelay $0x3  }
0x36: {  	p1 =	seq.s32 s10, $0x1;
	s10 =	sld [smem:$0x3FAE];
	_ =	sdelay $0x3  }
0x37: {  	[smem:$0x3FAE] =	sst s10  }
0x38: {  	s10 =	sld [smem:$0x3FAF]  }
0x39: {  	_ = 	snop;
	(pc) =	sbr.ind lr, $3  }
0x3a: {  	_ = 	snop  }
0x3b: {  	_ = 	snop  }
0x3c: {  	p2 =	seq.s32 s10, $0x1;
	s10 =	sld [smem:$0x3FAE]  }
0x3d: {  	_ =	shalt  }
0x3e: {  	_ =	shalt  }
0x3f: {  	_ =	shalt  }
0x40: {  	_ =	shalt  }
0x41: {  	_ =	shalt  }
0x42: {  	_ =	shalt  }
0x43: {  	_ =	shalt  }
0x44: {  	_ =	shalt  }
0x45: {  	_ =	shalt  }
0x46: {  	_ =	shalt  }
0x47: {  	_ =	shalt  }
0x48: {  	_ =	shalt  }
0x49: {  	_ =	shalt  }
0x4a: {  	_ =	shalt  }
0x4b: {  	_ =	shalt  }
0x4c: {  	_ =	shalt  }
0x4d: {  	_ =	shalt  }
0x4e: {  	_ =	shalt  }
0x4f: {  	_ =	shalt  }
0x50: {  	_ =	shalt  }
0x51: {  	_ =	shalt  }
0x52: {  	_ =	shalt  }
0x53: {  	_ =	shalt  }
0x54: {  	_ =	shalt  }
0x55: {  	_ =	shalt  }
0x56: {  	_ =	shalt  }
0x57: {  	_ =	shalt  }
0x58: {  	_ =	shalt  }
0x59: {  	_ =	shalt  }
0x5a: {  	_ =	shalt  }
0x5b: {  	_ =	shalt  }
0x5c: {  	_ =	shalt  }
0x5d: {  	_ =	shalt  }
0x5e: {  	_ =	shalt  }
0x5f: {  	_ =	shalt  }
0x60: {  	_ =	shalt  }
0x61: {  	_ =	shalt  }
0x62: {  	_ =	shalt  }
0x63: {  	_ =	shalt  }
0x64: {  	_ =	shalt  }
0x65: {  	_ =	shalt  }
0x66: {  	_ =	shalt  }
0x67: {  	_ =	shalt  }
0x68: {  	_ =	shalt  }
0x69: {  	_ =	shalt  }
0x6a: {  	_ =	shalt  }
0x6b: {  	_ =	shalt  }
0x6c: {  	_ =	shalt  }
0x6d: {  	_ =	shalt  }
0x6e: {  	_ =	shalt  }
0x6f: {  	_ =	shalt  }
0x70: {  	_ =	shalt  }
0x71: {  	_ =	shalt  }
0x72: {  	_ =	shalt  }
0x73: {  	_ =	shalt  }
0x74: {  	_ =	shalt  }
0x75: {  	_ =	shalt  }
0x76: {  	_ =	shalt  }
0x77: {  	_ =	shalt  }
0x78: {  	_ =	shalt  }
0x79: {  	_ =	shalt  }
0x7a: {  	_ =	shalt  }
0x7b: {  	_ =	shalt  }
0x7c: {  	_ =	shalt  }
0x7d: {  	_ =	shalt  }
0x7e: {  	_ =	shalt  }
0x7f: {  	_ =	shalt  }
0x80: {  	_ =	shalt  }
0x81: {  	_ =	shalt  }
0x82: {  	_ =	shalt  }
0x83: {  	_ =	shalt  }
0x84: {  	_ =	shalt  }
0x85: {  	_ =	shalt  }
0x86: {  	_ =	shalt  }
0x87: {  	_ =	shalt  }
.Lfunc_end0:
.L_simem_size_0:
called_computation_lowered:
.L_overlay_start_0:
0x88: {  	s2 =	sld [smem:$0x3FD9]  }
0x89: {  	s3 =	sld [smem:$0x3FFE];
	_ =	sdelay $0x1  }
0x8a: {  	s1 =	srdreg.scid  }
0x8b: {  	s0 =	sand.u32 $0x1, s1  }
0x8c: {  	s17 =	sshll.u32 s0, $0xA;
	s2 =	sadd.s32 s3, s2  }
0x8d: {  	s2 =	sadd.s32 s2, s17  }
0x8e: {  	[smem:$0x3FBA] =	sst s2  }
0x8f: {  	_ = 	snop  }
0x90: {  	s2 =	sld [smem:$0x3FC9]  }
0x91: {  	s18 =	sld [smem:$0x3FC8]  }
0x92: {  	s4 =	sld [smem:$0x3FC7]  }
0x93: {  	s5 =	sld [smem:$0x3FC6]  }
0x94: {  	s6 =	sld [smem:$0x3FC5]  }
0x95: {  	s7 =	sld [smem:$0x3FC4]  }
0x96: {  	s8 =	sld [smem:$0x3FC3]  }
0x97: {  	s9 =	sld [smem:$0x3FC2];
	(tm) =	ssettm $0x1  }
0x98: {  	s10 =	sld [smem:$0x3FFB];
	_ =	sdelay $0x3  }
0x99: {  	_ =	strace s10  }
0x9a: {  	s10 =	sld [smem:$0x3FFC];
	_ =	sdelay $0x3  }
0x9b: {  	_ =	strace s10  }
0x9c: {  	s10 =	sld [smem:$0x3FFD];
	_ =	sdelay $0x3  }
0x9d: {  	_ =	strace s10  }
0x9e: {  	_ =	strace $0x8FFFFFFF  }
0x9f: {  	s19 =	sld [smem:$0x3FDB];
	_ =	sdelay $0x1  }
0xa0: {  	s11 =	simm.s32 $_scs_section_size  }
0xa1: {  	s12 =	simm.s32 $_size__tile_overlayer_lowered;
	s13 =	simm.s32 $_tile_overlayer_lowered  }
0xa2: {  	s22 =	simm.s32 $0x1BFF;
	s21 =	sshll.u32 s13, $0x1;
	s10 =	sadd.s32 s11, s19  }
0xa3: {  	s14 =	simm.s32 $0x0;
	s20 =	sshll.u32 s12, $0x1;
	s12 =	sadd.s32 s21, s10  }
0xa4: {  	[timem:s14], [sflag:s22] =	dma.local [hbm:s12], s20  }
0xa5: {  	_ =	swait.ge [sflag:s22], s20  }
0xa6: {  	s11 =	ssub.s32 $0x0, s20;
	[sflag:s22] =	ssyncset.done $0x0  }
0xa7: {  	[sflag:s22] =	ssyncadd.s32 s11;
	_ =	sdelay $0x1  }
0xa8: {  	s23 =	simm.s32 $0x1B8B  }
0xa9: {  	_ =	swait.ge [sflag:s23], $0x1  }
0xaa: {  	[sflag:s23] =	ssyncset.done $0x0  }
0xab: {  	s25 =	simm.s32 $0x1B8E;
	s24 =	sld [smem:$0x3FFE];
	[sflag:s23] =	ssyncadd.s32 $0xFFFFFFFF  }
0xac: {  	s26 =	simm.s32 $execute0_lowered;
	[smem:$0x3FD2] =	sst s25  }
0xad: {  	s12 =	sshll.u32 s26, $0x1;
	_ =	strace $0x80000046;
	[dreg:$0x1] =	wrdreg $0xFFFFFFFF  }
0xae: {  	s28 =	simm.s32 $_size_execute0_lowered;
	s10 =	sadd.s32 s10, s12;
	[dreg:$0x0] =	wrdreg $0x0  }
0xaf: {  	s12 =	sshll.u32 s28, $0x1;
	[dreg:$0x2] =	wrdreg s10  }
0xb0: {  	[dreg:$0x3] =	wrdreg s12  }
0xb1: {  	[dreg:$0x4] =	wrdreg $0xC0  }
0xb2: {  	_ =	task [dreg:s14], $0x5FFFF  }
0xb3: {  	[dreg:$0x1] =	wrdreg $0xFFFFFFFF  }
0xb4: {  	[dreg:$0x0] =	wrdreg $0x60  }
0xb5: {  	[dreg:$0x2] =	wrdreg s2  }
0xb6: {  	[dreg:$0x3] =	wrdreg s18  }
0xb7: {  	[dreg:$0x4] =	wrdreg s4  }
0xb8: {  	[dreg:$0x5] =	wrdreg s5  }
0xb9: {  	[dreg:$0x6] =	wrdreg s6  }
0xba: {  	[dreg:$0x7] =	wrdreg s7  }
0xbb: {  	[dreg:$0x8] =	wrdreg s8  }
0xbc: {  	[dreg:$0x9] =	wrdreg s9  }
0xbd: {  	[dreg:$0xa] =	wrdreg s24  }
0xbe: {  	[dreg:$0xb] =	wrdreg $0x9  }
0xbf: {  	_ =	task.clear_ibuf [dreg:s14], $0xCFFFF;
	_ =	strace $0x90000046  }
0xc0: {  	s29 =	simm.s32 $0x9;
	_ =	strace $0x80000048  }
0xc1: {  	_ =	swait.ge [sflag:s29], $0x1  }
0xc2: {  	[sflag:s29] =	ssyncadd.s32 $0xFFFFFFFF  }
0xc3: {  	_ =	strace $0x90000048  }
0xc4: {  	_ =	sfence  }
0xc5: {  	s30 =	sld [smem:$0x0];
	_ =	sdelay $0x2  }
0xc6: {  	s31 =	sshll.u32 s1, $0xD;
	s1 =	sshrl.u32 s1, $0x2  }
0xc7: {  	s3 =	sand.u32 $0x4000, s31;
	s1 =	sadd.s32 s1, s30  }
0xc8: {  	s0 =	sor.u32 s3, s0;
	s1 =	sshll.u32 s1, $0x11  }
0xc9: {  	s0 =	sor.u32 s1, s0  }
0xca: {  	s0 =	sadd.s32 $0x8F2B, s0  }
0xcb: {  	[sflag:s0] =	ssyncadd.remote.s32 $0x1  }
0xcc: {  	_ =	sfence.sel $0xFFFF  }
0xcd: {  	[dreg:$0x0] =	wrdreg $0xFFFFFFFF;
	(pc) =	sbr.abs _section_cstart, $3  }
0xce: {  	[dreg:$0x1] =	wrdreg $0xFFFFFFFF  }
0xcf: {  	_ =	task.clear_ibuf [dreg:s14], $0x2FFFF;
	_ =	strace $0x9FFFFFFF  }
0xd0: {  	(tm) =	ssettm $0x7FFFFFFF  }
0xd1: {  	_ =	shalt  }
tec
execute0_lowered:
.L_overlay_start_1:
0x0: {  	(tag) =	ssettag $0x1  }
0x1: {  	s0 =	rddreg [dreg:$0x0]  }
0x2: {  	s5 =	rddreg [dreg:$0x1]  }
0x3: {  	s6 =	rddreg [dreg:$0x2]  }
0x4: {  	s1 =	rddreg [dreg:$0x3]  }
0x5: {  	s2 =	rddreg [dreg:$0x4]  }
0x6: {  	s3 =	rddreg [dreg:$0x5]  }
0x7: {  	s4 =	rddreg [dreg:$0x6]  }
0x8: {  	s16 =	rddreg [dreg:$0x7]  }
0x9: {  	s8 =	rddreg [dreg:$0x8];
	s7 =	simm.s32 $0x0  }
0xa: {  	s12 =	simm.s32 $0x1780;
	[smem:$0x7FF] =	sst s7  }
0xb: {  	s18 =	simm.s32 $0x3780;
	_ =	strace $0x80000047;
	[dreg:$0xa] =	wrdreg s12  }
0xc: {  	s9 =	srdreg.scid;
	s19 =	simm.s32 $0x6780;
	[dreg:$0xb] =	wrdreg s18  }
0xd: {  	s10 =	stileid.u32;
	s20 =	simm.s32 $0xA780;
	[dreg:$0xc] =	wrdreg s19  }
0xe: {  	s21 =	simm.s32 $0x10780;
	s23 =	simm.s32 $0x1B80;
	[dreg:$0xd] =	wrdreg s20  }
0xf: {  	s25 =	simm.s32 $0x3B80;
	s13 =	simm.s32 $0x11780;
	[dreg:$0xe] =	wrdreg s21  }
0x10: {  	v1 =	vlaneseq.u32;
	s15 =	simm.s32 $0x1F80;
	s28 =	simm.s32 $0x2B80;
	[dreg:$0xf] =	wrdreg s23  }
0x11: {  	v2 =	vimm.s32 $0x1380;
	vm0 =	vcmask $0x300;
	v3 =	vimm.s32 $0x3380;
	s30 =	simm.s32 $0x14780;
	s31 =	simm.s32 $0x15780;
	[dreg:$0x10] =	wrdreg s25  }
0x12: {  	vm1 =	vcmask $0x704;
	vm15 =	vcmask $0xB08;
	vm4 =	vcmask $0xF0C;
	s29 =	simm.s32 $0xA;
	s9 =	sand.u32 $0x1, s9;
	[dreg:$0x13] =	wrdreg s13  }
0x13: {  	vm5 =	vcmask $0x1310;
	vm6 =	vcmask $0x1714;
	vm7 =	vcmask $0x1B18;
	s10 =	sshll.u32 s10, $0xA;
	[dreg:$0x14] =	wrdreg s15;
	s18 =	simm.s32 $0x3F80  }
0x14: {  	vm8 =	vcmask $0x1F1C;
	vm9 =	vcmask $0x2320;
	vm10 =	vcmask $0x2724;
	s11 =	sshll.u32 s9, $0x9;
	s19 =	simm.s32 $0x7780;
	[dreg:$0x15] =	wrdreg s18  }
0x15: {  	vm11 =	vcmask $0x2B28;
	vm12 =	vcmask $0x2F2C;
	vm13 =	vcmask $0x3330;
	s9 =	ssub.s32 $0x2, s9;
	s20 =	simm.s32 $0xB780;
	[dreg:$0x16] =	wrdreg s19  }
0x16: {  	vm14 =	vcmask $0x3734;
	v0 =	vand.u32 $0x7, v1;
	v2 =	vsel vm0, $0x0, v2;
	s21 =	simm.s32 $0x12780;
	s23 =	simm.s32 $0x4380;
	[dreg:$0x17] =	wrdreg s20  }
0x17: {  	v1 =	vmul.u32 $0x80, v1;
	v3 =	vsel vm0, $0x2000, v3;
	v2 =	vsel vm1, $0x80, v2;
	s25 =	simm.s32 $0xBF80;
	s15 =	simm.s32 $0x8F80;
	[dreg:$0x18] =	wrdreg s21  }
0x18: {  	v0 =	vmul.u32 $0x80, v0;
	v3 =	vsel vm1, $0x2080, v3;
	s10 =	sor.u32 s11, s10;
	s11 =	simm.s32 $0xAF80;
	v2 =	vsel vm15, $0x100, v2;
	[dreg:$0x1a] =	wrdreg s23  }
0x19: {  	v3 =	vsel vm15, $0x2100, v3;
	[dreg:$0x1c] =	wrdreg s25;
	vm15 =	vcmask $0x3B38;
	v6 =	vor.u32 $0x1000, v1;
	s8 =	sadd.s32 s10, s8;
	s10 =	sshrl.u32 s10, $0x3  }
0x1a: {  	s17 =	sshrl.u32 s9, $0x1;
	v7 =	vor.u32 $0x1800, v1;
	v9 =	vor.u32 $0x2000, v1;
	v10 =	vor.u32 $0x2800, v1;
	[dreg:$0x12] =	wrdreg s11;
	s0 =	sadd.s32 s0, s10  }
0x1b: {  	s20 =	simm.s32 $0x780;
	v12 =	vor.u32 $0x3000, v1;
	v13 =	vor.u32 $0x3800, v1;
	v15 =	vor.u32 $0x4000, v1;
	s5 =	sadd.s32 s5, s10;
	[dreg:$0x1e] =	wrdreg s0  }
0x1c: {  	s23 =	simm.s32 $0x7A1400;
	v16 =	vor.u32 $0x4800, v1;
	v18 =	vor.u32 $0x5000, v1;
	v19 =	vor.u32 $0x5800, v1;
	s22 =	sadd.s32 s6, s10;
	[dreg:$0x1f] =	wrdreg s5  }
0x1d: {  	s21 =	simm.s32 $0x2780;
	v21 =	vor.u32 $0x6000, v1;
	v2 =	vsel vm4, $0x180, v2;
	v3 =	vsel vm4, $0x2180, v3;
	s24 =	sadd.s32 $0x21E00, s8;
	[smem:$0x7F7] =	sst s22  }
0x1e: {  	s25 =	simm.s32 $0x8780;
	v22 =	vor.u32 $0x6800, v1;
	s26 =	sadd.s32 $0x25E00, s8;
	v2 =	vsel vm5, $0x200, v2;
	v3 =	vsel vm5, $0x2200, v3;
	[smem:$0x7F8] =	sst s24  }
0x1f: {  	s19 =	simm.s32 $0xD780;
	v24 =	vor.u32 $0x7000, v1;
	s10 =	sadd.s32 $0x11E00, s8;
	[smem:$0x7F9] =	sst s26;
	v2 =	vsel vm6, $0x280, v2;
	v3 =	vsel vm6, $0x2280, v3  }
0x20: {  	s18 =	simm.s32 $0x1A780;
	v25 =	vor.u32 $0x7800, v1;
	s6 =	simm.s32 $0x6F80;
	[smem:$0x7FA] =	sst s10;
	v2 =	vsel vm7, $0x300, v2;
	v3 =	vsel vm7, $0x2300, v3  }
0x21: {  	s9 =	ssub.s32 s9, s17;
	v5 =	vor.u32 $0x400, v0;
	s12 =	sadd.s32 $0x19E00, s8;
	[dreg:$0x11] =	wrdreg s6;
	v2 =	vsel vm8, $0x380, v2;
	v3 =	vsel vm8, $0x2380, v3  }
0x22: {  	v8 =	vor.u32 $0x800, v0;
	s11 =	simm.s32 $0x9;
	s14 =	sadd.s32 $0x1E00, s8;
	[smem:$0x7FB] =	sst s12;
	v2 =	vsel vm9, $0x1000, v2;
	v3 =	vsel vm9, $0x3000, v3  }
0x23: {  	v11 =	vor.u32 $0xC00, v0;
	s17 =	smax.u32 s9, $0x1;
	s8 =	simm.s32 $0xB;
	[smem:$0x7FC] =	sst s14;
	v2 =	vsel vm10, $0x1080, v2;
	v3 =	vsel vm10, $0x3080, v3  }
0x24: {  	v14 =	vor.u32 $0x1000, v0;
	s9 =	simm.s32 $0x0;
	[smem:$0x7FD] =	sst s17;
	s22 =	simm.s32 $0x2380;
	v2 =	vsel vm11, $0x1100, v2;
	v3 =	vsel vm11, $0x3100, v3  }
0x25: {  	v17 =	vor.u32 $0x1400, v0;
	s24 =	simm.s32 $0x7F80;
	s26 =	simm.s32 $0x13780;
	s17 =	simm.s32 $0xB80;
	v2 =	vsel vm12, $0x1180, v2;
	v3 =	vsel vm12, $0x3180, v3  }
0x26: {  	v20 =	vor.u32 $0x1800, v0;
	s14 =	simm.s32 $0x4F80;
	s0 =	simm.s32 $0x16780;
	[dreg:$0x19] =	wrdreg s22;
	v2 =	vsel vm13, $0x1200, v2;
	v3 =	vsel vm13, $0x3200, v3  }
0x27: {  	v23 =	vor.u32 $0x1C00, v0;
	s6 =	simm.s32 $0x18780;
	s22 =	simm.s32 $0x400;
	[dreg:$0x1b] =	wrdreg s24;
	v2 =	vsel vm14, $0x1280, v2;
	v4 =	vsel vm14, $0x3280, v3  }
0x28: {  	s24 =	simm.s32 $0x4780;
	[dreg:$0x1d] =	wrdreg s26;
	s26 =	simm.s32 $0xC780;
	v3 =	vor.u32 $0x800, v1;
	v2 =	vsel vm15, $0x1300, v2;
	v4 =	vsel vm15, $0x3300, v4  }
.LBB2_1:
0x29: {  	[smem:$0x7F6] =	sst s9  }
0x2a: {  	s5 =	rddreg [dreg:$0x1e]  }
0x2b: {  	[tilespmem:s7], [sflag:$0xB] =	stream.linear.gather [hbm4b:s5+s7], $0x200, $0x38;
	[tilespmem:$0x1E780] =	vst v63  }
0x2c: {  	_ =	swait.ge [sflag:s8], $0x200  }
0x2d: {  	[sflag:s8] =	ssyncset.done $0x0  }
0x2e: {  	s10 =	simm.s32 $0x280;
	s9 =	rddreg [dreg:$0x1f];
	[sflag:s8] =	ssyncadd.s32 $0xFFFFFE00  }
0x2f: {  	[tilespmem:s10], [sflag:$0xB] =	stream.linear.gather [hbm4b:s9+s7], $0x200, $0x38;
	[tilespmem:$0x1E780] =	vst v63  }
0x30: {  	_ =	swait.ge [sflag:s8], $0x200  }
0x31: {  	s12 =	sld [smem:$0x7F7]  }
0x32: {  	[sflag:s8] =	ssyncset.done $0x0  }
0x33: {  	s13 =	simm.s32 $0x500;
	[sflag:s8] =	ssyncadd.s32 $0xFFFFFE00  }
0x34: {  	[tilespmem:s13], [sflag:$0xB] =	stream.linear.gather [hbm4b:s12+s7], $0x200, $0x38;
	[tilespmem:$0x1E780] =	vst v63  }
0x35: {  	_ =	swait.ge [sflag:s8], $0x200  }
0x36: {  	[sflag:s8] =	ssyncset.done $0x0  }
0x37: {  	[sflag:s8] =	ssyncadd.s32 $0xFFFFFE00  }
0x38: {  	v26 =	vld [tilespmem:$0x0]  }
0x39: {  	v27 =	vld [tilespmem:$0x280];
	_ =	sdelay $0x3  }
0x3a: {  	v26 =	vand.u32 $0xFFFFFF80, v26  }
0x3b: {  	v28 =	vld [tilespmem:$0x500];
	v27 =	vand.u32 $0xFFFFFF80, v27;
	(v2sf) =	vpush v26, $0x0  }
0x3c: {  	(v2sf) =	vpush v27, $0x0;
	_ =	sdelay $0x3  }
0x3d: {  	v28 =	vand.u32 $0xFFFFFF80, v28  }
0x3e: {  	v28 =	vadd.s32 s16, v28  }
0x3f: {  	(v2sf) =	vpush v28, $0x0;
	_ =	sdelay $0x1  }
0x40: {  	(v2sf) =	vpush v26, $0x1;
	_ =	sdelay $0x1  }
0x41: {  	(v2sf) =	vpush v27, $0x1;
	_ =	sdelay $0x3  }
0x42: {  	s9 =	spop (v2sf)  }
0x43: {  	s12 =	spop (v2sf);
	s13 =	sadd.s32 s1, s9  }
0x44: {  	(v2sf) =	vpush v28, $0x1;
	[tilespmem:s20], [sflag:$0x1] =	stream.linear.gather [hbm4b:s13+s7], $0x400, $0x38;
	[tilespmem:$0x1E780] =	vst v63  }
0x45: {  	s10 =	sadd.s32 s2, s12  }
0x46: {  	(v2sf) =	vpush v26, $0x2;
	[tilespmem:s21], [sflag:$0x2] =	stream.linear.gather [hbm4b:s10+s7], $0x400, $0x38;
	[tilespmem:$0x1E780] =	vst v63  }
0x47: {  	s5 =	sadd.s32 s3, s9  }
0x48: {  	(v2sf) =	vpush v27, $0x2;
	[tilespmem:s24], [sflag:$0x3] =	stream.strided.gather [hbm4b:s5+s22], $0x800, s23, s22, $0x38;
	[tilespmem:$0x1E780] =	vst v63  }
0x49: {  	s13 =	sadd.s32 s4, s12;
	s8 =	spop (v2sf)  }
0x4a: {  	[tilespmem:s25], [sflag:$0x4] =	stream.strided.gather [hbm4b:s13+s22], $0x800, s23, s22, $0x38;
	[tilespmem:$0x1E780] =	vst v63  }
0x4b: {  	s9 =	spop (v2sf)  }
0x4c: {  	[tilespmem:s26], [sflag:$0x5] =	stream.strided.gather [hbm4b:s8+s22], $0x1000, s23, s22, $0x38;
	[tilespmem:$0x1E780] =	vst v63  }
0x4d: {  	s12 =	spop (v2sf);
	s10 =	sadd.s32 s1, s9  }
0x4e: {  	(v2sf) =	vpush v28, $0x2;
	[tilespmem:s17], [sflag:$0x1] =	stream.linear.gather [hbm4b:s10+s7], $0x400, $0x38;
	[tilespmem:$0x1E780] =	vst v63  }
0x4f: {  	s8 =	sadd.s32 s2, s12  }
0x50: {  	(v2sf) =	vpush v26, $0x3;
	[tilespmem:s28], [sflag:$0x2] =	stream.linear.gather [hbm4b:s8+s7], $0x400, $0x38;
	[tilespmem:$0x1E780] =	vst v63  }
0x51: {  	s5 =	sadd.s32 s3, s9  }
0x52: {  	(v2sf) =	vpush v27, $0x3;
	[tilespmem:s14], [sflag:$0x3] =	stream.strided.gather [hbm4b:s5+s22], $0x800, s23, s22, $0x38;
	[tilespmem:$0x1E780] =	vst v63  }
0x53: {  	s12 =	sadd.s32 s4, s12;
	s9 =	spop (v2sf)  }
0x54: {  	[tilespmem:s15], [sflag:$0x4] =	stream.strided.gather [hbm4b:s12+s22], $0x800, s23, s22, $0x38;
	[tilespmem:$0x1E780] =	vst v63  }
0x55: {  	s10 =	spop (v2sf)  }
0x56: {  	[tilespmem:s19], [sflag:$0x5] =	stream.strided.gather [hbm4b:s9+s22], $0x1000, s23, s22, $0x38;
	[tilespmem:$0x1E780] =	vst v63  }
0x57: {  	s17 =	simm.s32 $0xF80;
	s14 =	spop (v2sf);
	s15 =	sadd.s32 s1, s10  }
0x58: {  	[tilespmem:s17], [sflag:$0x1] =	stream.linear.gather [hbm4b:s15+s7], $0x400, $0x38;
	[tilespmem:$0x1E780] =	vst v63  }
0x59: {  	s28 =	simm.s32 $0x2F80;
	s19 =	sadd.s32 s2, s14  }
0x5a: {  	(v2sf) =	vpush v28, $0x3;
	[tilespmem:s28], [sflag:$0x2] =	stream.linear.gather [hbm4b:s19+s7], $0x400, $0x38;
	[tilespmem:$0x1E780] =	vst v63  }
0x5b: {  	s12 =	sadd.s32 s3, s10;
	s9 =	simm.s32 $0x5780  }
0x5c: {  	[tilespmem:s9], [sflag:$0x3] =	stream.strided.gather [hbm4b:s12+s22], $0x800, s23, s22, $0x38;
	[tilespmem:$0x1E780] =	vst v63  }
0x5d: {  	s13 =	simm.s32 $0x9780;
	s10 =	spop (v2sf);
	s5 =	sadd.s32 s4, s14  }
0x5e: {  	[tilespmem:s13], [sflag:$0x4] =	stream.strided.gather [hbm4b:s5+s22], $0x800, s23, s22, $0x38;
	[tilespmem:$0x1E780] =	vst v63  }
0x5f: {  	s14 =	spop (v2sf);
	s15 =	simm.s32 $0xE780  }
0x60: {  	[tilespmem:s15], [sflag:$0x5] =	stream.strided.gather [hbm4b:s10+s22], $0x1000, s23, s22, $0x38;
	[tilespmem:$0x1E780] =	vst v63  }
0x61: {  	s17 =	spop (v2sf);
	s19 =	sadd.s32 s1, s14;
	s28 =	simm.s32 $0x1380  }
0x62: {  	[tilespmem:s28], [sflag:$0x1] =	stream.linear.gather [hbm4b:s19+s7], $0x400, $0x38;
	[tilespmem:$0x1E780] =	vst v63  }
0x63: {  	s9 =	sadd.s32 s2, s17;
	s10 =	simm.s32 $0x3380  }
0x64: {  	[tilespmem:s10], [sflag:$0x2] =	stream.linear.gather [hbm4b:s9+s7], $0x400, $0x38;
	[tilespmem:$0x1E780] =	vst v63  }
0x65: {  	s5 =	sadd.s32 s3, s14;
	s14 =	simm.s32 $0x5F80  }
0x66: {  	[tilespmem:s14], [sflag:$0x3] =	stream.strided.gather [hbm4b:s5+s22], $0x800, s23, s22, $0x38;
	[tilespmem:$0x1E780] =	vst v63  }
0x67: {  	s12 =	simm.s32 $0x504;
	s15 =	sadd.s32 s4, s17;
	s17 =	simm.s32 $0x9F80  }
0x68: {  	[tilespmem:s17], [sflag:$0x4] =	stream.strided.gather [hbm4b:s15+s22], $0x800, s23, s22, $0x38;
	[tilespmem:$0x1E780] =	vst v63  }
0x69: {  	s13 =	simm.s32 $0x284;
	s19 =	spop (v2sf);
	s28 =	simm.s32 $0xF780  }
0x6a: {  	[tilespmem:s28], [sflag:$0x5] =	stream.strided.gather [hbm4b:s19+s22], $0x1000, s23, s22, $0x38;
	[tilespmem:$0x1E780] =	vst v63  }
0x6b: {  	s14 =	simm.s32 $0x4;
	s5 =	simm.s32 $0x0;
	s19 =	simm.s32 $0x0  }
.LBB2_2:
0x6c: {  	v26 =	vld [tilespmem:s14+$0x0]  }
0x6d: {  	v27 =	vld [tilespmem:s13+$0x0];
	_ =	sdelay $0x3  }
0x6e: {  	v26 =	vand.u32 $0xFFFFFF80, v26  }
0x6f: {  	v28 =	vld [tilespmem:s12+$0x0];
	v27 =	vand.u32 $0xFFFFFF80, v27;
	(v2sf) =	vpush v26, $0x0  }
0x70: {  	(v2sf) =	vpush v27, $0x0;
	_ =	sdelay $0x3  }
0x71: {  	v28 =	vand.u32 $0xFFFFFF80, v28  }
0x72: {  	v28 =	vadd.s32 s16, v28  }
0x73: {  	(v2sf) =	vpush v28, $0x0;
	_ =	sdelay $0x2  }
0x74: {  	(v2sf) =	vpush v26, $0x1;
	_ =	sdelay $0x1  }
0x75: {  	(v2sf) =	vpush v27, $0x1;
	_ =	sdelay $0x2  }
0x76: {  	s15 =	rddreg [dreg:$0xa];
	s8 =	spop (v2sf)  }
0x77: {  	s28 =	smov.u32 s16;
	s16 =	spop (v2sf);
	s17 =	sadd.s32 s1, s8  }
0x78: {  	[tilespmem:s15], [sflag:$0x6] =	stream.linear.gather [hbm4b:s17+s7], $0x400, $0x38;
	[tilespmem:$0x1E780] =	vst v63  }
0x79: {  	s9 =	rddreg [dreg:$0xb];
	s17 =	sadd.s32 s2, s16  }
0x7a: {  	[tilespmem:s9], [sflag:$0x7] =	stream.linear.gather [hbm4b:s17+s7], $0x400, $0x38;
	[tilespmem:$0x1E780] =	vst v63  }
0x7b: {  	s10 =	rddreg [dreg:$0xc];
	s8 =	sadd.s32 s3, s8;
	(v2sf) =	vpush v28, $0x1  }
0x7c: {  	[tilespmem:s10], [sflag:$0x8] =	stream.strided.gather [hbm4b:s8+s22], $0x800, s23, s22, $0x38;
	[tilespmem:$0x1E780] =	vst v63  }
0x7d: {  	s10 =	spop (v2sf);
	(v2sf) =	vpush v26, $0x2  }
0x7e: {  	s15 =	rddreg [dreg:$0xd];
	s16 =	sadd.s32 s4, s16;
	(v2sf) =	vpush v27, $0x2  }
0x7f: {  	[tilespmem:s15], [sflag:$0x9] =	stream.strided.gather [hbm4b:s16+s22], $0x800, s23, s22, $0x38;
	[tilespmem:$0x1E780] =	vst v63  }
0x80: {  	s17 =	rddreg [dreg:$0xe];
	s9 =	spop (v2sf)  }
0x81: {  	[tilespmem:s17], [sflag:$0xA] =	stream.strided.gather [hbm4b:s10+s22], $0x1000, s23, s22, $0x38;
	[tilespmem:$0x1E780] =	vst v63  }
0x82: {  	s16 =	rddreg [dreg:$0xf];
	s15 =	spop (v2sf);
	s10 =	sadd.s32 s1, s9  }
0x83: {  	[tilespmem:s16], [sflag:$0x6] =	stream.linear.gather [hbm4b:s10+s7], $0x400, $0x38;
	[tilespmem:$0x1E780] =	vst v63  }
0x84: {  	s17 =	rddreg [dreg:$0x10];
	s10 =	sadd.s32 s2, s15  }
0x85: {  	[tilespmem:s17], [sflag:$0x7] =	stream.linear.gather [hbm4b:s10+s7], $0x400, $0x38;
	[tilespmem:$0x1E780] =	vst v63  }
0x86: {  	(v2sf) =	vpush v28, $0x2;
	s9 =	sadd.s32 s3, s9;
	s16 =	rddreg [dreg:$0x11]  }
0x87: {  	(v2sf) =	vpush v26, $0x3;
	[tilespmem:s16], [sflag:$0x8] =	stream.strided.gather [hbm4b:s9+s22], $0x800, s23, s22, $0x38;
	[tilespmem:$0x1E780] =	vst v63  }
0x88: {  	s10 =	rddreg [dreg:$0x12];
	s16 =	sadd.s32 s4, s15  }
0x89: {  	(v2sf) =	vpush v27, $0x3;
	[tilespmem:s10], [sflag:$0x9] =	stream.strided.gather [hbm4b:s16+s22], $0x800, s23, s22, $0x38;
	[tilespmem:$0x1E780] =	vst v63  }
0x8a: {  	s17 =	rddreg [dreg:$0x13];
	s10 =	spop (v2sf)  }
0x8b: {  	[tilespmem:s17], [sflag:$0xA] =	stream.strided.gather [hbm4b:s10+s22], $0x1000, s23, s22, $0x38;
	[tilespmem:$0x1E780] =	vst v63  }
0x8c: {  	s9 =	spop (v2sf)  }
0x8d: {  	s16 =	rddreg [dreg:$0x14];
	s15 =	spop (v2sf);
	s10 =	sadd.s32 s1, s9  }
0x8e: {  	[tilespmem:s16], [sflag:$0x6] =	stream.linear.gather [hbm4b:s10+s7], $0x400, $0x38;
	[tilespmem:$0x1E780] =	vst v63  }
0x8f: {  	s17 =	rddreg [dreg:$0x15];
	s10 =	sadd.s32 s2, s15  }
0x90: {  	[tilespmem:s17], [sflag:$0x7] =	stream.linear.gather [hbm4b:s10+s7], $0x400, $0x38;
	[tilespmem:$0x1E780] =	vst v63  }
0x91: {  	s9 =	sadd.s32 s3, s9;
	(v2sf) =	vpush v28, $0x3;
	s16 =	rddreg [dreg:$0x16]  }
0x92: {  	[tilespmem:s16], [sflag:$0x8] =	stream.strided.gather [hbm4b:s9+s22], $0x800, s23, s22, $0x38;
	[tilespmem:$0x1E780] =	vst v63  }
0x93: {  	s10 =	rddreg [dreg:$0x17];
	s16 =	sadd.s32 s4, s15  }
0x94: {  	[tilespmem:s10], [sflag:$0x9] =	stream.strided.gather [hbm4b:s16+s22], $0x800, s23, s22, $0x38;
	[tilespmem:$0x1E780] =	vst v63  }
0x95: {  	s10 =	spop (v2sf)  }
0x96: {  	s17 =	rddreg [dreg:$0x18];
	s9 =	spop (v2sf)  }
0x97: {  	[tilespmem:s17], [sflag:$0xA] =	stream.strided.gather [hbm4b:s10+s22], $0x1000, s23, s22, $0x38;
	[tilespmem:$0x1E780] =	vst v63  }
0x98: {  	s16 =	rddreg [dreg:$0x19];
	s15 =	spop (v2sf);
	s10 =	sadd.s32 s1, s9  }
0x99: {  	[tilespmem:s16], [sflag:$0x6] =	stream.linear.gather [hbm4b:s10+s7], $0x400, $0x38;
	[tilespmem:$0x1E780] =	vst v63  }
0x9a: {  	s17 =	rddreg [dreg:$0x1a];
	s10 =	sadd.s32 s2, s15  }
0x9b: {  	[tilespmem:s17], [sflag:$0x7] =	stream.linear.gather [hbm4b:s10+s7], $0x400, $0x38;
	[tilespmem:$0x1E780] =	vst v63  }
0x9c: {  	s16 =	rddreg [dreg:$0x1b];
	s10 =	sadd.s32 s3, s9  }
0x9d: {  	[tilespmem:s16], [sflag:$0x8] =	stream.strided.gather [hbm4b:s10+s22], $0x800, s23, s22, $0x38;
	[tilespmem:$0x1E780] =	vst v63  }
0x9e: {  	s15 =	sadd.s32 s4, s15;
	s9 =	rddreg [dreg:$0x1c]  }
0x9f: {  	[tilespmem:s9], [sflag:$0x9] =	stream.strided.gather [hbm4b:s15+s22], $0x800, s23, s22, $0x38;
	[tilespmem:$0x1E780] =	vst v63  }
0xa0: {  	s10 =	rddreg [dreg:$0x1d];
	s9 =	spop (v2sf)  }
0xa1: {  	[tilespmem:s10], [sflag:$0xA] =	stream.strided.gather [hbm4b:s9+s22], $0x1000, s23, s22, $0x38;
	[tilespmem:$0x1E780] =	vst v63  }
0xa2: {  	s10 =	simm.s32 $0x1  }
0xa3: {  	_ =	swait.ge [sflag:s10], $0x1000  }
0xa4: {  	[sflag:s10] =	ssyncset.done $0x0  }
0xa5: {  	s15 =	simm.s32 $0x2;
	[sflag:s10] =	ssyncadd.s32 $0xFFFFF000  }
0xa6: {  	_ =	swait.ge [sflag:s15], $0x1000  }
0xa7: {  	[sflag:s15] =	ssyncset.done $0x0  }
0xa8: {  	s9 =	simm.s32 $0x3;
	[sflag:s15] =	ssyncadd.s32 $0xFFFFF000  }
0xa9: {  	_ =	swait.ge [sflag:s9], $0x2000  }
0xaa: {  	[sflag:s9] =	ssyncset.done $0x0  }
0xab: {  	s10 =	simm.s32 $0x4;
	[sflag:s9] =	ssyncadd.s32 $0xFFFFE000  }
0xac: {  	_ =	swait.ge [sflag:s10], $0x2000  }
0xad: {  	[sflag:s10] =	ssyncset.done $0x0  }
0xae: {  	s15 =	simm.s32 $0x5;
	[sflag:s10] =	ssyncadd.s32 $0xFFFFE000  }
0xaf: {  	_ =	swait.ge [sflag:s15], $0x4000  }
0xb0: {  	[sflag:s15] =	ssyncset.done $0x0  }
0xb1: {  	[sflag:s15] =	ssyncadd.s32 $0xFFFFC000  }
0xb2: {  	v26 =	vld [tilespmem:s14+$0xFFFFFFFC];
	_ =	sdelay $0x4  }
0xb3: {  	v26 =	vand.u32 $0x7F, v26  }
0xb4: {  	v27 =	vld [tilespmem:s13+$0xFFFFFFFC];
	v47 =	vbroadcast v26, $0x0;
	_ =	sdelay $0x1  }
0xb5: {  	v29 =	vor.u32 v0, v47  }
0xb6: {  	v30 =	vmov s19  }
0xb7: {  	v31 =	vshll.u32 v30, $0x3  }
0xb8: {  	v30 =	vand.u32 $0x78, v30;
	v31 =	vand.u32 $0xC00, v31;
	v27 =	vand.u32 $0x7F, v27  }
0xb9: {  	v30 =	vor.u32 v30, v31;
	v48 =	vbroadcast v27, $0x0  }
0xba: {  	v32 =	vor.u32 v0, v30;
	v29 =	vld.idx.msk [tilespmem:v29+s20+$0x0], $0xff  }
0xbb: {  	v33 =	vor.u32 v0, v48;
	_ =	sdelay $0x3  }
0xbc: {  	v34 =	vld [tilespmem:s12+$0xFFFFFFFC];
	[tilespmem:v32+s30+$0x0] =	vst.idx.msk $0xff, v29  }
0xbd: {  	v29 =	vld.idx.msk [tilespmem:v33+s21+$0x0], $0xff  }
0xbe: {  	v28 =	vor.u32 v1, v47;
	_ =	sdelay $0x3  }
0xbf: {  	[tilespmem:v32+s31+$0x0] =	vst.idx.msk $0xff, v29  }
0xc0: {  	v49 =	vor.u32 v2, v30;
	v28 =	vld.idx.msk [tilespmem:v28+s24+$0x0], $0xffff  }
0xc1: {  	v31 =	vor.u32 v1, v48;
	_ =	sdelay $0x2  }
0xc2: {  	v32 =	vand.u32 $0x7F, v34  }
0xc3: {  	v50 =	vbroadcast v32, $0x0;
	[tilespmem:v49+s0+$0x0] =	vst.idx.msk $0xffff, v28  }
0xc4: {  	v31 =	vld.idx.msk [tilespmem:v31+s25+$0x0], $0xffff  }
0xc5: {  	v51 =	vor.u32 v1, v50;
	_ =	sdelay $0x3  }
0xc6: {  	[tilespmem:v49+s6+$0x0] =	vst.idx.msk $0xffff, v31  }
0xc7: {  	v31 =	vld.idx.msk [tilespmem:v51+s26+$0x0], $0xffff  }
0xc8: {  	v28 =	vor.u32 v3, v50;
	_ =	sdelay $0x3  }
0xc9: {  	v52 =	vbroadcast v26, $0x1;
	[tilespmem:v49+s18+$0x0] =	vst.idx.msk $0xffff, v31  }
0xca: {  	v30 =	vor.u32 v4, v30;
	v28 =	vld.idx.msk [tilespmem:v28+s26+$0x0], $0xffff  }
0xcb: {  	s9 =	sadd.s32 $0x1, s19;
	v53 =	vor.u32 v5, v52  }
0xcc: {  	v54 =	vmov s9  }
0xcd: {  	v55 =	vshll.u32 v54, $0x3  }
0xce: {  	v33 =	vand.u32 $0x79, v54;
	v34 =	vand.u32 $0xC00, v55  }
0xcf: {  	v57 =	vbroadcast v27, $0x1;
	v56 =	vor.u32 v33, v34;
	[tilespmem:v30+s18+$0x0] =	vst.idx.msk $0xffff, v28  }
0xd0: {  	v33 =	vor.u32 v0, v56;
	v31 =	vld.idx.msk [tilespmem:v53+s20+$0x0], $0xff  }
0xd1: {  	v58 =	vor.u32 v5, v57;
	_ =	sdelay $0x3  }
0xd2: {  	[tilespmem:v33+s30+$0x0] =	vst.idx.msk $0xff, v31  }
0xd3: {  	v31 =	vld.idx.msk [tilespmem:v58+s21+$0x0], $0xff  }
0xd4: {  	v29 =	vor.u32 v3, v52;
	_ =	sdelay $0x3  }
0xd5: {  	[tilespmem:v33+s31+$0x0] =	vst.idx.msk $0xff, v31  }
0xd6: {  	v59 =	vor.u32 v2, v56;
	v29 =	vld.idx.msk [tilespmem:v29+s24+$0x0], $0xffff  }
0xd7: {  	v30 =	vor.u32 v3, v57;
	_ =	sdelay $0x3  }
0xd8: {  	v60 =	vbroadcast v32, $0x1;
	[tilespmem:v59+s0+$0x0] =	vst.idx.msk $0xffff, v29  }
0xd9: {  	v30 =	vld.idx.msk [tilespmem:v30+s25+$0x0], $0xffff  }
0xda: {  	v61 =	vor.u32 v6, v60;
	_ =	sdelay $0x3  }
0xdb: {  	[tilespmem:v59+s6+$0x0] =	vst.idx.msk $0xffff, v30  }
0xdc: {  	v30 =	vld.idx.msk [tilespmem:v61+s26+$0x0], $0xffff  }
0xdd: {  	v29 =	vor.u32 v7, v60;
	_ =	sdelay $0x3  }
0xde: {  	v62 =	vbroadcast v26, $0x2;
	[tilespmem:v59+s18+$0x0] =	vst.idx.msk $0xffff, v30  }
0xdf: {  	v28 =	vor.u32 v4, v56;
	v29 =	vld.idx.msk [tilespmem:v29+s26+$0x0], $0xffff  }
0xe0: {  	s10 =	sadd.s32 $0x2, s19;
	v63 =	vor.u32 v8, v62  }
0xe1: {  	v36 =	vmov s10  }
0xe2: {  	v37 =	vshll.u32 v36, $0x3  }
0xe3: {  	v34 =	vand.u32 $0xC00, v37;
	v33 =	vand.u32 $0x7A, v36  }
0xe4: {  	v39 =	vbroadcast v27, $0x2;
	v38 =	vor.u32 v33, v34;
	[tilespmem:v28+s18+$0x0] =	vst.idx.msk $0xffff, v29  }
0xe5: {  	v33 =	vor.u32 v0, v38;
	v31 =	vld.idx.msk [tilespmem:v63+s20+$0x0], $0xff  }
0xe6: {  	v40 =	vor.u32 v8, v39;
	_ =	sdelay $0x3  }
0xe7: {  	[tilespmem:v33+s30+$0x0] =	vst.idx.msk $0xff, v31  }
0xe8: {  	v31 =	vld.idx.msk [tilespmem:v40+s21+$0x0], $0xff  }
0xe9: {  	v30 =	vor.u32 v6, v62;
	_ =	sdelay $0x3  }
0xea: {  	[tilespmem:v33+s31+$0x0] =	vst.idx.msk $0xff, v31  }
0xeb: {  	v41 =	vor.u32 v2, v38;
	v30 =	vld.idx.msk [tilespmem:v30+s24+$0x0], $0xffff  }
0xec: {  	v29 =	vor.u32 v6, v39;
	_ =	sdelay $0x3  }
0xed: {  	v42 =	vbroadcast v32, $0x2;
	[tilespmem:v41+s0+$0x0] =	vst.idx.msk $0xffff, v30  }
0xee: {  	v29 =	vld.idx.msk [tilespmem:v29+s25+$0x0], $0xffff  }
0xef: {  	v43 =	vor.u32 v9, v42;
	_ =	sdelay $0x3  }
0xf0: {  	[tilespmem:v41+s6+$0x0] =	vst.idx.msk $0xffff, v29  }
0xf1: {  	v29 =	vld.idx.msk [tilespmem:v43+s26+$0x0], $0xffff  }
0xf2: {  	v30 =	vor.u32 v10, v42;
	_ =	sdelay $0x3  }
0xf3: {  	v26 =	vbroadcast v26, $0x3;
	[tilespmem:v41+s18+$0x0] =	vst.idx.msk $0xffff, v29  }
0xf4: {  	v28 =	vor.u32 v4, v38;
	v29 =	vld.idx.msk [tilespmem:v30+s26+$0x0], $0xffff  }
0xf5: {  	s15 =	sadd.s32 $0x3, s19;
	v44 =	vor.u32 v11, v26  }
0xf6: {  	v45 =	vmov s15  }
0xf7: {  	v46 =	vshll.u32 v45, $0x3  }
0xf8: {  	v31 =	vand.u32 $0x7B, v45;
	v33 =	vand.u32 $0xC00, v46  }
0xf9: {  	v27 =	vbroadcast v27, $0x3;
	v47 =	vor.u32 v31, v33;
	[tilespmem:v28+s18+$0x0] =	vst.idx.msk $0xffff, v29  }
0xfa: {  	v48 =	vor.u32 v0, v47;
	v29 =	vld.idx.msk [tilespmem:v44+s20+$0x0], $0xff  }
0xfb: {  	v49 =	vor.u32 v11, v27;
	_ =	sdelay $0x3  }
0xfc: {  	[tilespmem:v48+s30+$0x0] =	vst.idx.msk $0xff, v29  }
0xfd: {  	v29 =	vld.idx.msk [tilespmem:v49+s21+$0x0], $0xff  }
0xfe: {  	v26 =	vor.u32 v7, v26;
	_ =	sdelay $0x3  }
0xff: {  	[tilespmem:v48+s31+$0x0] =	vst.idx.msk $0xff, v29  }
0x100: {  	v50 =	vor.u32 v2, v47;
	v26 =	vld.idx.msk [tilespmem:v26+s24+$0x0], $0xffff  }
0x101: {  	v27 =	vor.u32 v7, v27;
	_ =	sdelay $0x3  }
0x102: {  	[tilespmem:v50+s0+$0x0] =	vst.idx.msk $0xffff, v26;
	v26 =	vbroadcast v32, $0x3  }
0x103: {  	v27 =	vld.idx.msk [tilespmem:v27+s25+$0x0], $0xffff  }
0x104: {  	v51 =	vor.u32 v12, v26;
	_ =	sdelay $0x3  }
0x105: {  	[tilespmem:v50+s6+$0x0] =	vst.idx.msk $0xffff, v27  }
0x106: {  	v27 =	vld.idx.msk [tilespmem:v51+s26+$0x0], $0xffff  }
0x107: {  	v26 =	vor.u32 v13, v26;
	_ =	sdelay $0x3  }
0x108: {  	[tilespmem:v50+s18+$0x0] =	vst.idx.msk $0xffff, v27  }
0x109: {  	v27 =	vor.u32 v4, v47;
	v26 =	vld.idx.msk [tilespmem:v26+s26+$0x0], $0xffff;
	_ =	sdelay $0x3  }
0x10a: {  	s9 =	smin.u32 s5, $0x7D  }
0x10b: {  	s8 =	sshll.u32 s9, $0x2;
	[tilespmem:v27+s18+$0x0] =	vst.idx.msk $0xffff, v26  }
0x10c: {  	v26 =	vld [tilespmem:s8+$0x8]  }
0x10d: {  	v27 =	vld [tilespmem:s8+$0x288];
	_ =	sdelay $0x3  }
0x10e: {  	v26 =	vand.u32 $0xFFFFFF80, v26  }
0x10f: {  	v52 =	vld [tilespmem:s8+$0x508];
	v27 =	vand.u32 $0xFFFFFF80, v27;
	(v2sf) =	vpush v26, $0x0  }
0x110: {  	(v2sf) =	vpush v27, $0x0;
	_ =	sdelay $0x3  }
0x111: {  	s16 =	smov.u32 s28;
	v28 =	vand.u32 $0xFFFFFF80, v52  }
0x112: {  	v28 =	vadd.s32 s16, v28  }
0x113: {  	(v2sf) =	vpush v28, $0x0;
	_ =	sdelay $0x1  }
0x114: {  	(v2sf) =	vpush v26, $0x1;
	_ =	sdelay $0x1  }
0x115: {  	(v2sf) =	vpush v27, $0x1;
	_ =	sdelay $0x3  }
0x116: {  	s8 =	spop (v2sf)  }
0x117: {  	s9 =	spop (v2sf);
	s10 =	sadd.s32 s1, s8  }
0x118: {  	(v2sf) =	vpush v28, $0x1;
	[tilespmem:s20], [sflag:$0x1] =	stream.linear.gather [hbm4b:s10+s7], $0x400, $0x38;
	[tilespmem:$0x1E780] =	vst v63  }
0x119: {  	s10 =	sadd.s32 s2, s9  }
0x11a: {  	(v2sf) =	vpush v26, $0x2;
	[tilespmem:s21], [sflag:$0x2] =	stream.linear.gather [hbm4b:s10+s7], $0x400, $0x38;
	[tilespmem:$0x1E780] =	vst v63  }
0x11b: {  	s8 =	sadd.s32 s3, s8  }
0x11c: {  	(v2sf) =	vpush v27, $0x2;
	[tilespmem:s24], [sflag:$0x3] =	stream.strided.gather [hbm4b:s8+s22], $0x800, s23, s22, $0x38;
	[tilespmem:$0x1E780] =	vst v63  }
0x11d: {  	s15 =	sadd.s32 s4, s9;
	s9 =	spop (v2sf)  }
0x11e: {  	[tilespmem:s25], [sflag:$0x4] =	stream.strided.gather [hbm4b:s15+s22], $0x800, s23, s22, $0x38;
	[tilespmem:$0x1E780] =	vst v63  }
0x11f: {  	s8 =	spop (v2sf)  }
0x120: {  	[tilespmem:s26], [sflag:$0x5] =	stream.strided.gather [hbm4b:s9+s22], $0x1000, s23, s22, $0x38;
	[tilespmem:$0x1E780] =	vst v63  }
0x121: {  	s17 =	simm.s32 $0xB80;
	s10 =	sadd.s32 s1, s8;
	s9 =	spop (v2sf)  }
0x122: {  	(v2sf) =	vpush v28, $0x2;
	[tilespmem:s17], [sflag:$0x1] =	stream.linear.gather [hbm4b:s10+s7], $0x400, $0x38;
	[tilespmem:$0x1E780] =	vst v63  }
0x123: {  	s28 =	simm.s32 $0x2B80;
	s10 =	sadd.s32 s2, s9  }
0x124: {  	(v2sf) =	vpush v26, $0x3;
	[tilespmem:s28], [sflag:$0x2] =	stream.linear.gather [hbm4b:s10+s7], $0x400, $0x38;
	[tilespmem:$0x1E780] =	vst v63  }
0x125: {  	s8 =	sadd.s32 s3, s8;
	s10 =	simm.s32 $0x4F80  }
0x126: {  	(v2sf) =	vpush v27, $0x3;
	[tilespmem:s10], [sflag:$0x3] =	stream.strided.gather [hbm4b:s8+s22], $0x800, s23, s22, $0x38;
	[tilespmem:$0x1E780] =	vst v63  }
0x127: {  	s15 =	simm.s32 $0x8F80;
	s9 =	sadd.s32 s4, s9;
	s8 =	spop (v2sf)  }
0x128: {  	[tilespmem:s15], [sflag:$0x4] =	stream.strided.gather [hbm4b:s9+s22], $0x800, s23, s22, $0x38;
	[tilespmem:$0x1E780] =	vst v63  }
0x129: {  	s9 =	spop (v2sf);
	s15 =	simm.s32 $0xD780  }
0x12a: {  	[tilespmem:s15], [sflag:$0x5] =	stream.strided.gather [hbm4b:s8+s22], $0x1000, s23, s22, $0x38;
	[tilespmem:$0x1E780] =	vst v63  }
0x12b: {  	s10 =	simm.s32 $0xF80;
	s8 =	spop (v2sf);
	s15 =	sadd.s32 s1, s9  }
0x12c: {  	[tilespmem:s10], [sflag:$0x1] =	stream.linear.gather [hbm4b:s15+s7], $0x400, $0x38;
	[tilespmem:$0x1E780] =	vst v63  }
0x12d: {  	s15 =	sadd.s32 s2, s8;
	s10 =	simm.s32 $0x2F80  }
0x12e: {  	(v2sf) =	vpush v28, $0x3;
	[tilespmem:s10], [sflag:$0x2] =	stream.linear.gather [hbm4b:s15+s7], $0x400, $0x38;
	[tilespmem:$0x1E780] =	vst v63  }
0x12f: {  	s9 =	sadd.s32 s3, s9;
	s15 =	simm.s32 $0x5780  }
0x130: {  	[tilespmem:s15], [sflag:$0x3] =	stream.strided.gather [hbm4b:s9+s22], $0x800, s23, s22, $0x38;
	[tilespmem:$0x1E780] =	vst v63  }
0x131: {  	s8 =	sadd.s32 s4, s8;
	s9 =	spop (v2sf);
	s15 =	simm.s32 $0x9780  }
0x132: {  	[tilespmem:s15], [sflag:$0x4] =	stream.strided.gather [hbm4b:s8+s22], $0x800, s23, s22, $0x38;
	[tilespmem:$0x1E780] =	vst v63  }
0x133: {  	s8 =	spop (v2sf);
	s15 =	simm.s32 $0xE780  }
0x134: {  	[tilespmem:s15], [sflag:$0x5] =	stream.strided.gather [hbm4b:s9+s22], $0x1000, s23, s22, $0x38;
	[tilespmem:$0x1E780] =	vst v63  }
0x135: {  	s10 =	simm.s32 $0x1380;
	s9 =	spop (v2sf);
	s15 =	sadd.s32 s1, s8  }
0x136: {  	[tilespmem:s10], [sflag:$0x1] =	stream.linear.gather [hbm4b:s15+s7], $0x400, $0x38;
	[tilespmem:$0x1E780] =	vst v63  }
0x137: {  	s15 =	sadd.s32 s2, s9;
	s10 =	simm.s32 $0x3380  }
0x138: {  	[tilespmem:s10], [sflag:$0x2] =	stream.linear.gather [hbm4b:s15+s7], $0x400, $0x38;
	[tilespmem:$0x1E780] =	vst v63  }
0x139: {  	s8 =	sadd.s32 s3, s8;
	s15 =	simm.s32 $0x5F80  }
0x13a: {  	[tilespmem:s15], [sflag:$0x3] =	stream.strided.gather [hbm4b:s8+s22], $0x800, s23, s22, $0x38;
	[tilespmem:$0x1E780] =	vst v63  }
0x13b: {  	s10 =	sadd.s32 s4, s9;
	s15 =	simm.s32 $0x9F80  }
0x13c: {  	[tilespmem:s15], [sflag:$0x4] =	stream.strided.gather [hbm4b:s10+s22], $0x800, s23, s22, $0x38;
	[tilespmem:$0x1E780] =	vst v63  }
0x13d: {  	s9 =	spop (v2sf);
	s10 =	simm.s32 $0xF780;
	s15 =	simm.s32 $0x6  }
0x13e: {  	[tilespmem:s10], [sflag:$0x5] =	stream.strided.gather [hbm4b:s9+s22], $0x1000, s23, s22, $0x38;
	[tilespmem:$0x1E780] =	vst v63  }
0x13f: {  	_ =	swait.ge [sflag:s15], $0x1000  }
0x140: {  	[sflag:s15] =	ssyncset.done $0x0  }
0x141: {  	s9 =	simm.s32 $0x7;
	[sflag:s15] =	ssyncadd.s32 $0xFFFFF000  }
0x142: {  	_ =	swait.ge [sflag:s9], $0x1000  }
0x143: {  	[sflag:s9] =	ssyncset.done $0x0  }
0x144: {  	s10 =	simm.s32 $0x8;
	[sflag:s9] =	ssyncadd.s32 $0xFFFFF000  }
0x145: {  	_ =	swait.ge [sflag:s10], $0x2000  }
0x146: {  	[sflag:s10] =	ssyncset.done $0x0  }
0x147: {  	[sflag:s10] =	ssyncadd.s32 $0xFFFFE000  }
0x148: {  	_ =	swait.ge [sflag:s11], $0x2000  }
0x149: {  	[sflag:s11] =	ssyncset.done $0x0  }
0x14a: {  	[sflag:s11] =	ssyncadd.s32 $0xFFFFE000  }
0x14b: {  	_ =	swait.ge [sflag:s29], $0x4000  }
0x14c: {  	[sflag:s29] =	ssyncset.done $0x0  }
0x14d: {  	[sflag:s29] =	ssyncadd.s32 $0xFFFFC000  }
0x14e: {  	v26 =	vld [tilespmem:s14+$0x0];
	_ =	sdelay $0x4  }
0x14f: {  	v26 =	vand.u32 $0x7F, v26  }
0x150: {  	v27 =	vld [tilespmem:s13+$0x0];
	v53 =	vbroadcast v26, $0x0;
	_ =	sdelay $0x1  }
0x151: {  	s15 =	sadd.s32 $0x4, s19;
	v54 =	vor.u32 v14, v53  }
0x152: {  	v55 =	vmov s15  }
0x153: {  	v56 =	vshll.u32 v55, $0x3  }
0x154: {  	v30 =	vand.u32 $0x7C, v55;
	v31 =	vand.u32 $0xC00, v56;
	v27 =	vand.u32 $0x7F, v27  }
0x155: {  	v30 =	vor.u32 v30, v31;
	v57 =	vbroadcast v27, $0x0  }
0x156: {  	v58 =	vor.u32 v0, v30;
	v29 =	vld.idx.msk [tilespmem:v54+s20+$0x0], $0xff  }
0x157: {  	v59 =	vor.u32 v14, v57;
	_ =	sdelay $0x3  }
0x158: {  	v60 =	vld [tilespmem:s12+$0x0];
	[tilespmem:v58+s30+$0x0] =	vst.idx.msk $0xff, v29  }
0x159: {  	v29 =	vld.idx.msk [tilespmem:v59+s21+$0x0], $0xff  }
0x15a: {  	v28 =	vor.u32 v9, v53;
	_ =	sdelay $0x3  }
0x15b: {  	[tilespmem:v58+s31+$0x0] =	vst.idx.msk $0xff, v29  }
0x15c: {  	v61 =	vor.u32 v2, v30;
	v28 =	vld.idx.msk [tilespmem:v28+s24+$0x0], $0xffff  }
0x15d: {  	v31 =	vor.u32 v9, v57;
	_ =	sdelay $0x2  }
0x15e: {  	v32 =	vand.u32 $0x7F, v60  }
0x15f: {  	v62 =	vbroadcast v32, $0x0;
	[tilespmem:v61+s0+$0x0] =	vst.idx.msk $0xffff, v28  }
0x160: {  	v31 =	vld.idx.msk [tilespmem:v31+s25+$0x0], $0xffff  }
0x161: {  	v63 =	vor.u32 v15, v62;
	_ =	sdelay $0x3  }
0x162: {  	[tilespmem:v61+s6+$0x0] =	vst.idx.msk $0xffff, v31  }
0x163: {  	v31 =	vld.idx.msk [tilespmem:v63+s26+$0x0], $0xffff  }
0x164: {  	v28 =	vor.u32 v16, v62;
	_ =	sdelay $0x3  }
0x165: {  	v36 =	vbroadcast v26, $0x1;
	[tilespmem:v61+s18+$0x0] =	vst.idx.msk $0xffff, v31  }
0x166: {  	v30 =	vor.u32 v4, v30;
	v28 =	vld.idx.msk [tilespmem:v28+s26+$0x0], $0xffff  }
0x167: {  	s9 =	sadd.s32 $0x5, s19;
	v37 =	vor.u32 v17, v36  }
0x168: {  	v38 =	vmov s9  }
0x169: {  	v39 =	vshll.u32 v38, $0x3  }
0x16a: {  	v33 =	vand.u32 $0x7D, v38;
	v34 =	vand.u32 $0xC00, v39  }
0x16b: {  	v40 =	vor.u32 v33, v34;
	v41 =	vbroadcast v27, $0x1;
	[tilespmem:v30+s18+$0x0] =	vst.idx.msk $0xffff, v28  }
0x16c: {  	v33 =	vor.u32 v0, v40;
	v31 =	vld.idx.msk [tilespmem:v37+s20+$0x0], $0xff  }
0x16d: {  	v42 =	vor.u32 v17, v41;
	_ =	sdelay $0x3  }
0x16e: {  	[tilespmem:v33+s30+$0x0] =	vst.idx.msk $0xff, v31  }
0x16f: {  	v31 =	vld.idx.msk [tilespmem:v42+s21+$0x0], $0xff  }
0x170: {  	v29 =	vor.u32 v10, v36;
	_ =	sdelay $0x3  }
0x171: {  	[tilespmem:v33+s31+$0x0] =	vst.idx.msk $0xff, v31  }
0x172: {  	v43 =	vor.u32 v2, v40;
	v29 =	vld.idx.msk [tilespmem:v29+s24+$0x0], $0xffff  }
0x173: {  	v30 =	vor.u32 v10, v41;
	_ =	sdelay $0x3  }
0x174: {  	v44 =	vbroadcast v32, $0x1;
	[tilespmem:v43+s0+$0x0] =	vst.idx.msk $0xffff, v29  }
0x175: {  	v30 =	vld.idx.msk [tilespmem:v30+s25+$0x0], $0xffff  }
0x176: {  	v45 =	vor.u32 v18, v44;
	_ =	sdelay $0x3  }
0x177: {  	[tilespmem:v43+s6+$0x0] =	vst.idx.msk $0xffff, v30  }
0x178: {  	v30 =	vld.idx.msk [tilespmem:v45+s26+$0x0], $0xffff  }
0x179: {  	v29 =	vor.u32 v19, v44;
	_ =	sdelay $0x3  }
0x17a: {  	v46 =	vbroadcast v26, $0x2;
	[tilespmem:v43+s18+$0x0] =	vst.idx.msk $0xffff, v30  }
0x17b: {  	v28 =	vor.u32 v4, v40;
	v29 =	vld.idx.msk [tilespmem:v29+s26+$0x0], $0xffff  }
0x17c: {  	s10 =	sadd.s32 $0x6, s19;
	v47 =	vor.u32 v20, v46  }
0x17d: {  	v48 =	vmov s10  }
0x17e: {  	v49 =	vshll.u32 v48, $0x3  }
0x17f: {  	v34 =	vand.u32 $0xC00, v49;
	v33 =	vand.u32 $0x7E, v48  }
0x180: {  	v51 =	vbroadcast v27, $0x2;
	v50 =	vor.u32 v33, v34;
	[tilespmem:v28+s18+$0x0] =	vst.idx.msk $0xffff, v29  }
0x181: {  	v33 =	vor.u32 v0, v50;
	v31 =	vld.idx.msk [tilespmem:v47+s20+$0x0], $0xff  }
0x182: {  	v52 =	vor.u32 v20, v51;
	_ =	sdelay $0x3  }
0x183: {  	[tilespmem:v33+s30+$0x0] =	vst.idx.msk $0xff, v31  }
0x184: {  	v31 =	vld.idx.msk [tilespmem:v52+s21+$0x0], $0xff  }
0x185: {  	v30 =	vor.u32 v12, v46;
	_ =	sdelay $0x3  }
0x186: {  	[tilespmem:v33+s31+$0x0] =	vst.idx.msk $0xff, v31  }
0x187: {  	v53 =	vor.u32 v2, v50;
	v30 =	vld.idx.msk [tilespmem:v30+s24+$0x0], $0xffff  }
0x188: {  	v29 =	vor.u32 v12, v51;
	_ =	sdelay $0x3  }
0x189: {  	v54 =	vbroadcast v32, $0x2;
	[tilespmem:v53+s0+$0x0] =	vst.idx.msk $0xffff, v30  }
0x18a: {  	v29 =	vld.idx.msk [tilespmem:v29+s25+$0x0], $0xffff  }
0x18b: {  	v55 =	vor.u32 v21, v54;
	_ =	sdelay $0x3  }
0x18c: {  	[tilespmem:v53+s6+$0x0] =	vst.idx.msk $0xffff, v29  }
0x18d: {  	v29 =	vld.idx.msk [tilespmem:v55+s26+$0x0], $0xffff  }
0x18e: {  	v30 =	vor.u32 v22, v54;
	_ =	sdelay $0x3  }
0x18f: {  	v26 =	vbroadcast v26, $0x3;
	[tilespmem:v53+s18+$0x0] =	vst.idx.msk $0xffff, v29  }
0x190: {  	v28 =	vor.u32 v4, v50;
	v29 =	vld.idx.msk [tilespmem:v30+s26+$0x0], $0xffff  }
0x191: {  	s15 =	sadd.s32 $0x7, s19;
	v56 =	vor.u32 v23, v26  }
0x192: {  	v57 =	vmov s15  }
0x193: {  	v58 =	vshll.u32 v57, $0x3  }
0x194: {  	v31 =	vand.u32 $0x7F, v57;
	v33 =	vand.u32 $0xC00, v58  }
0x195: {  	v27 =	vbroadcast v27, $0x3;
	v59 =	vor.u32 v31, v33;
	[tilespmem:v28+s18+$0x0] =	vst.idx.msk $0xffff, v29  }
0x196: {  	v60 =	vor.u32 v0, v59;
	v29 =	vld.idx.msk [tilespmem:v56+s20+$0x0], $0xff  }
0x197: {  	v61 =	vor.u32 v23, v27;
	_ =	sdelay $0x3  }
0x198: {  	[tilespmem:v60+s30+$0x0] =	vst.idx.msk $0xff, v29  }
0x199: {  	v29 =	vld.idx.msk [tilespmem:v61+s21+$0x0], $0xff  }
0x19a: {  	v26 =	vor.u32 v13, v26;
	_ =	sdelay $0x3  }
0x19b: {  	[tilespmem:v60+s31+$0x0] =	vst.idx.msk $0xff, v29  }
0x19c: {  	v62 =	vor.u32 v2, v59;
	v26 =	vld.idx.msk [tilespmem:v26+s24+$0x0], $0xffff  }
0x19d: {  	v27 =	vor.u32 v13, v27;
	_ =	sdelay $0x3  }
0x19e: {  	[tilespmem:v62+s0+$0x0] =	vst.idx.msk $0xffff, v26;
	v26 =	vbroadcast v32, $0x3  }
0x19f: {  	v27 =	vld.idx.msk [tilespmem:v27+s25+$0x0], $0xffff  }
0x1a0: {  	v63 =	vor.u32 v24, v26;
	_ =	sdelay $0x3  }
0x1a1: {  	[tilespmem:v62+s6+$0x0] =	vst.idx.msk $0xffff, v27  }
0x1a2: {  	v27 =	vld.idx.msk [tilespmem:v63+s26+$0x0], $0xffff  }
0x1a3: {  	v26 =	vor.u32 v25, v26;
	_ =	sdelay $0x3  }
0x1a4: {  	[tilespmem:v62+s18+$0x0] =	vst.idx.msk $0xffff, v27  }
0x1a5: {  	p0 =	sne.s32 s19, $0x1F8;
	v27 =	vor.u32 v4, v59;
	v26 =	vld.idx.msk [tilespmem:v26+s26+$0x0], $0xffff  }
.Ltmp0:
0x1a6: {  	_ = 	snop;
	(pc) =	sbr.rel @p0 .LBB2_2-.Ltmp0, $3  }
0x1a7: {  	_ =	sdelay $0x1  }
0x1a8: {  	s5 =	sadd.s32 $0x2, s5;
	s19 =	sadd.s32 $0x8, s19  }
0x1a9: {  	s12 =	sadd.s32 $0x8, s12;
	s14 =	sadd.s32 $0x8, s14;
	s13 =	sadd.s32 $0x8, s13;
	[tilespmem:v27+s18+$0x0] =	vst.idx.msk $0xffff, v26  }
0x1aa: {  	s5 =	simm.s32 $0x1  }
0x1ab: {  	_ =	swait.ge [sflag:s5], $0x1000  }
0x1ac: {  	[sflag:s5] =	ssyncset.done $0x0  }
0x1ad: {  	s14 =	simm.s32 $0x2;
	[sflag:s5] =	ssyncadd.s32 $0xFFFFF000  }
0x1ae: {  	_ =	swait.ge [sflag:s14], $0x1000  }
0x1af: {  	[sflag:s14] =	ssyncset.done $0x0  }
0x1b0: {  	s15 =	simm.s32 $0x3;
	[sflag:s14] =	ssyncadd.s32 $0xFFFFF000  }
0x1b1: {  	_ =	swait.ge [sflag:s15], $0x2000  }
0x1b2: {  	[sflag:s15] =	ssyncset.done $0x0  }
0x1b3: {  	s19 =	simm.s32 $0x4;
	[sflag:s15] =	ssyncadd.s32 $0xFFFFE000  }
0x1b4: {  	_ =	swait.ge [sflag:s19], $0x2000  }
0x1b5: {  	[sflag:s19] =	ssyncset.done $0x0  }
0x1b6: {  	s8 =	simm.s32 $0x5;
	[sflag:s19] =	ssyncadd.s32 $0xFFFFE000  }
0x1b7: {  	_ =	swait.ge [sflag:s8], $0x4000  }
0x1b8: {  	s9 =	sld [smem:$0x7F8]  }
0x1b9: {  	[sflag:s8] =	ssyncset.done $0x0  }
0x1ba: {  	[sflag:s8] =	ssyncadd.s32 $0xFFFFC000;
	s8 =	simm.s32 $0xB  }
0x1bb: {  	[hbm4b:s9+s7] =	stream.linear.scatter [tilespmem:s30], [sflag:$0xB], $0x1000, $0x38;
	[tilespmem:$0x1E780] =	vst v63  }
0x1bc: {  	_ =	swait.ge [sflag:s8], $0x1000  }
0x1bd: {  	s10 =	sld [smem:$0x7F9]  }
0x1be: {  	[sflag:s8] =	ssyncset.done $0x0  }
0x1bf: {  	[sflag:s8] =	ssyncadd.s32 $0xFFFFF000  }
0x1c0: {  	[hbm4b:s10+s7] =	stream.linear.scatter [tilespmem:s31], [sflag:$0xB], $0x1000, $0x38;
	[tilespmem:$0x1E780] =	vst v63  }
0x1c1: {  	_ =	swait.ge [sflag:s8], $0x1000  }
0x1c2: {  	s12 =	sld [smem:$0x7FA]  }
0x1c3: {  	[sflag:s8] =	ssyncset.done $0x0  }
0x1c4: {  	s9 =	simm.s32 $0x1000;
	s10 =	simm.s32 $0x20000;
	[sflag:s8] =	ssyncadd.s32 $0xFFFFF000  }
0x1c5: {  	[hbm4b:s12+s9] =	stream.strided.scatter [tilespmem:s0], [sflag:$0xB], $0x2000, s10, s9, $0x38;
	[tilespmem:$0x1E780] =	vst v63  }
0x1c6: {  	_ =	swait.ge [sflag:s8], $0x2000  }
0x1c7: {  	s13 =	sld [smem:$0x7FB]  }
0x1c8: {  	[sflag:s8] =	ssyncset.done $0x0  }
0x1c9: {  	[sflag:s8] =	ssyncadd.s32 $0xFFFFE000  }
0x1ca: {  	[hbm4b:s13+s9] =	stream.strided.scatter [tilespmem:s6], [sflag:$0xB], $0x2000, s10, s9, $0x38;
	[tilespmem:$0x1E780] =	vst v63  }
0x1cb: {  	_ =	swait.ge [sflag:s8], $0x2000  }
0x1cc: {  	s14 =	sld [smem:$0x7FC]  }
0x1cd: {  	[sflag:s8] =	ssyncset.done $0x0  }
0x1ce: {  	[sflag:s8] =	ssyncadd.s32 $0xFFFFE000  }
0x1cf: {  	[hbm4b:s14+s9] =	stream.strided.scatter [tilespmem:s18], [sflag:$0xB], $0x4000, s10, s9, $0x38;
	[tilespmem:$0x1E780] =	vst v63  }
0x1d0: {  	_ =	swait.ge [sflag:s8], $0x4000  }
0x1d1: {  	s15 =	sld [smem:$0x7F6]  }
0x1d2: {  	s19 =	sld [smem:$0x7FD];
	_ =	sdelay $0x1  }
0x1d3: {  	s9 =	sadd.s32 $0x1, s15  }
0x1d4: {  	p0 =	sne.s32 s9, s19  }
.Ltmp1:
0x1d5: {  	_ = 	snop;
	(pc) =	sbr.rel @p0 .LBB2_1-.Ltmp1, $3  }
0x1d6: {  	_ =	sdelay $0x1  }
0x1d7: {  	s14 =	simm.s32 $0x4F80;
	[sflag:s8] =	ssyncset.done $0x0  }
0x1d8: {  	[sflag:s8] =	ssyncadd.s32 $0xFFFFC000;
	s15 =	simm.s32 $0x8F80;
	s19 =	simm.s32 $0xD780  }
0x1d9: {  	_ =	sfence.sel $0x180000  }
0x1da: {  	[bflag:$0x0] =	sbarrier.arrive $0xFFFF  }
0x1db: {  	_ =	strace $0x90000047  }
0x1dc: {  	s0 =	stileid.u32;
	[bflag:$0x2] =	sbarrier.arrive $0xFFFF  }
0x1dd: {  	p0 =	sne.s32 s0, $0x0;
	s0 =	rddreg [dreg:$0x9]  }
0x1de: {  	s0 =	sadd.s32 @!p0 $0x100000, s0  }
0x1df: {  	[sflag:s0] =	ssyncadd.tile.s32 @!p0 $0x1;
	_ =	shalt  }
.Lfunc_end2:
_tile_overlayer_lowered:
.L_overlay_start_2:
0x1e0: {  	(tag) =	ssettag $0x2  }
0x1e1: {  	s0 =	rddreg [dreg:$0x0];
	s2 =	stileid.u32  }
0x1e2: {  	s1 =	rddreg [dreg:$0x1];
	p0 =	sne.s32 s2, $0x0  }
0x1e3: {  	s3 =	rddreg [dreg:$0x2];
	[bflag:$0x3] =	sbarrier.arrive $0xFFFF;
	s2 =	simm.s32 @!p0 $0x1C0B  }
0x1e4: {  	[timem:s3], [sflag:s2] =	dma.local @!p0 [hbm:s0], s1  }
0x1e5: {  	s0 =	simm.s32 @!p0 $0xB  }
0x1e6: {  	_ =	swait.ge @!p0 [sflag:s0], s1  }
0x1e7: {  	s1 =	ssub.s32 @!p0 $0x0, s1;
	[sflag:s0] =	ssyncset.done @!p0 $0x0  }
0x1e8: {  	[sflag:s0] =	ssyncadd.s32 @!p0 s1  }
0x1e9: {  	[bflag:$0x3] =	sbarrier.arrive $0xFFFF  }
0x1ea: {  	_ =	shalt  }

</sc_bundles>
